<compile_context>
chip_gen: v7x
topology: tpu7x:2x2x1
jax: 0.10.2.dev20260603
libtpu: 0.0.44.dev20260713+nightly
codegen_flags: <defaults>
</compile_context>

<pallas_src>
import jax
import jax.numpy as jnp
from jax import lax
from jax.experimental import pallas as pl
from jax.experimental.pallas import tpu as pltpu
from jax.experimental.pallas import tpu_sc as plsc

N, E, D = 10000, 320000, 128
NC, NS = 2, 16
NW = NC * NS
EPT = E // NW
CH = 80
NCH = 125
EPP = NCH * CH
DEGW = 16
NP = 10240
RPS = NP // NS
ZR = 128
LANES = 16

_SC_PARAMS = pltpu.CompilerParams(use_tc_tiling_on_sc=False)


def _zero_rows(ref, nrows, ncols, dtype=jnp.float32):
    width = 2 * LANES if dtype == jnp.bfloat16 else LANES
    zv = jnp.zeros((width,), dtype)

    def row(r, carry):
        for c in range(ncols // width):
            ref[r, pl.ds(c * width, width)] = zv
        return carry

    lax.fori_loop(0, nrows, row, 0)


def _worker_id():
    return lax.axis_index("s") * NC + lax.axis_index("c")


def _sc_body(h_hbm, src_hbm, dst_hbm, agg_hbm, deg_hbm,
             src_v, dst_v, r0_v, r1_v, acc_sh, sem0, sem1,
             zd_v, ones_v, dacc_sh):
    with_deg = deg_hbm is not None
    cid = lax.axis_index("c")
    sid = lax.axis_index("s")
    wid = _worker_id()

    pltpu.sync_copy(src_hbm.at[wid], src_v)
    pltpu.sync_copy(dst_hbm.at[wid], dst_v)

    _zero_rows(r0_v, CH, D, jnp.bfloat16)
    base = sid * RPS
    for k in range(RPS // CH):
        pltpu.sync_copy(r0_v, acc_sh.at[pl.ds(base + k * CH, CH)])
    rem = RPS - (RPS // CH) * CH
    if rem:
        pltpu.sync_copy(r0_v.at[pl.ds(0, rem)],
                        acc_sh.at[pl.ds(base + RPS - rem, rem)])
    if with_deg:
        _zero_rows(zd_v, RPS, DEGW)
        pltpu.sync_copy(zd_v, dacc_sh.at[pl.ds(base, RPS)])
        one16 = jnp.ones((LANES,), jnp.float32)

        def orow(r, carry):
            ones_v[r, pl.ds(0, LANES)] = one16
            return carry

        lax.fori_loop(0, CH, orow, 0)

    plsc.subcore_barrier()

    def deg_add(c):
        if with_deg:
            pltpu.sync_copy(ones_v, dacc_sh.at[dst_v.at[c]], add=True)

    pltpu.async_copy(h_hbm.at[src_v.at[0]], r0_v, sem0)

    def pair(k, carry):
        c0 = 2 * k
        pltpu.make_async_copy(h_hbm.at[src_v.at[c0]], r0_v, sem0).wait()
        pltpu.async_copy(h_hbm.at[src_v.at[c0 + 1]], r1_v, sem1)
        pltpu.sync_copy(r0_v, acc_sh.at[dst_v.at[c0]], add=True)
        deg_add(c0)
        pltpu.make_async_copy(h_hbm.at[src_v.at[c0 + 1]], r1_v, sem1).wait()
        pltpu.async_copy(h_hbm.at[src_v.at[c0 + 2]], r0_v, sem0)
        pltpu.sync_copy(r1_v, acc_sh.at[dst_v.at[c0 + 1]], add=True)
        deg_add(c0 + 1)
        return carry

    lax.fori_loop(0, (NCH - 1) // 2, pair, 0)
    pltpu.make_async_copy(h_hbm.at[src_v.at[NCH - 1]], r0_v, sem0).wait()
    pltpu.sync_copy(r0_v, acc_sh.at[dst_v.at[NCH - 1]], add=True)
    deg_add(NCH - 1)

    plsc.subcore_barrier()

    pltpu.sync_copy(acc_sh.at[pl.ds(base, RPS)],
                    agg_hbm.at[cid, pl.ds(base, RPS)])
    if with_deg:
        pltpu.sync_copy(dacc_sh.at[pl.ds(base, RPS)],
                        deg_hbm.at[cid, pl.ds(base, RPS)])


def _make_sc_agg(with_deg):
    out_type = [jax.ShapeDtypeStruct((NC, NP, D), jnp.bfloat16)]
    scratch = [
        pltpu.VMEM((NCH, CH), jnp.int32),
        pltpu.VMEM((NCH, CH), jnp.int32),
        pltpu.VMEM((CH, D), jnp.bfloat16),
        pltpu.VMEM((CH, D), jnp.bfloat16),
        pltpu.VMEM_SHARED((NP, D), jnp.bfloat16),
        pltpu.SemaphoreType.DMA,
        pltpu.SemaphoreType.DMA,
    ]
    mesh = plsc.VectorSubcoreMesh(core_axis_name="c", subcore_axis_name="s")
    if with_deg:
        out_type.append(jax.ShapeDtypeStruct((NC, NP, DEGW), jnp.float32))
        scratch += [
            pltpu.VMEM((RPS, DEGW), jnp.float32),
            pltpu.VMEM((CH, DEGW), jnp.float32),
            pltpu.VMEM_SHARED((NP, DEGW), jnp.float32),
        ]

        def body(h_hbm, src_hbm, dst_hbm, agg_hbm, deg_hbm,
                 src_v, dst_v, r0_v, r1_v, acc_sh, sem0, sem1,
                 zd_v, ones_v, dacc_sh):
            _sc_body(h_hbm, src_hbm, dst_hbm, agg_hbm, deg_hbm,
                     src_v, dst_v, r0_v, r1_v, acc_sh, sem0, sem1,
                     zd_v, ones_v, dacc_sh)
    else:
        def body(h_hbm, src_hbm, dst_hbm, agg_hbm,
                 src_v, dst_v, r0_v, r1_v, acc_sh, sem0, sem1):
            _sc_body(h_hbm, src_hbm, dst_hbm, agg_hbm, None,
                     src_v, dst_v, r0_v, r1_v, acc_sh, sem0, sem1,
                     None, None, None)

    return pl.kernel(body, out_type=tuple(out_type), mesh=mesh,
                     scratch_types=tuple(scratch),
                     compiler_params=_SC_PARAMS)


_sc_agg_deg = _make_sc_agg(True)
_sc_agg = _make_sc_agg(False)

BN = 2000


def _dense0_body(aggp_ref, degp_ref, w_ref, b_ref, h_ref, degb_ref):
    p = aggp_ref[...].astype(jnp.float32)
    agg = p[0] + p[1]
    d = degp_ref[...]
    deg = (jnp.sum(d[0], axis=1) + jnp.sum(d[1], axis=1)) * (1.0 / DEGW)
    deg = jnp.maximum(deg, 1.0)[:, None]
    x = agg / deg
    y = jnp.dot(x, w_ref[...], preferred_element_type=jnp.float32)
    h_ref[...] = jnp.maximum(y + b_ref[...], 0.0).astype(h_ref.dtype)
    degb_ref[...] = jnp.broadcast_to(deg, (BN, D))


def _dense0(aggp, degp, w, b):
    return pl.pallas_call(
        _dense0_body,
        grid=(N // BN,),
        in_specs=[
            pl.BlockSpec((NC, BN, D), lambda i: (0, i, 0)),
            pl.BlockSpec((NC, BN, DEGW), lambda i: (0, i, 0)),
            pl.BlockSpec((D, D), lambda i: (0, 0)),
            pl.BlockSpec((1, D), lambda i: (0, 0)),
        ],
        out_specs=[
            pl.BlockSpec((BN, D), lambda i: (i, 0)),
            pl.BlockSpec((BN, D), lambda i: (i, 0)),
        ],
        out_shape=[
            jax.ShapeDtypeStruct((N, D), jnp.bfloat16),
            jax.ShapeDtypeStruct((N, D), jnp.float32),
        ],
    )(aggp, degp, w, b)


def _dense_body(aggp_ref, degb_ref, w_ref, b_ref, h_ref):
    p = aggp_ref[...].astype(jnp.float32)
    x = (p[0] + p[1]) / degb_ref[...]
    y = jnp.dot(x, w_ref[...], preferred_element_type=jnp.float32)
    h_ref[...] = jnp.maximum(y + b_ref[...], 0.0).astype(h_ref.dtype)


def _dense(aggp, degb, w, b, out_dtype):
    return pl.pallas_call(
        _dense_body,
        grid=(N // BN,),
        in_specs=[
            pl.BlockSpec((NC, BN, D), lambda i: (0, i, 0)),
            pl.BlockSpec((BN, D), lambda i: (i, 0)),
            pl.BlockSpec((D, D), lambda i: (0, 0)),
            pl.BlockSpec((1, D), lambda i: (0, 0)),
        ],
        out_specs=pl.BlockSpec((BN, D), lambda i: (i, 0)),
        out_shape=jax.ShapeDtypeStruct((N, D), out_dtype),
    )(aggp, degb, w, b)


def kernel(h, edge_index, W0, b0, W1, b1, W2, b2):
    pad = ((0, 0), (0, EPP - EPT))
    src = jnp.pad(edge_index[0].reshape(NW, EPT), pad,
                  constant_values=0).reshape(NW, NCH, CH)
    dst = jnp.pad(edge_index[1].reshape(NW, EPT), pad,
                  constant_values=N).reshape(NW, NCH, CH)
    aggp, degp = _sc_agg_deg(h.astype(jnp.bfloat16), src, dst)
    h1, degb = _dense0(aggp, degp, W0, b0.reshape(1, D))
    (aggp,) = _sc_agg(h1, src, dst)
    h2 = _dense(aggp, degb, W1, b1.reshape(1, D), jnp.bfloat16)
    (aggp,) = _sc_agg(h2, src, dst)
    return _dense(aggp, degb, W2, b2.reshape(1, D), jnp.float32)

# --- scband reference (transcript-rebuilt; emitter-appended) ---
"""Pipeline reference for scband-structural-model-68427418960570 (READ-ONLY COPY).

The authoritative reference and input builder live on the scoring server;
editing this copy changes nothing except your own understanding.
"""

import jax, jax.numpy as jnp
import numpy as np

N, E, D = 10000, 320000, 128
DEPTH = 3


def setup_inputs(seed: int = 0) -> dict:
    key = jax.random.key(seed)
    ks = jax.random.split(key, 2 + 2 * DEPTH)
    h = jax.random.normal(ks[0], (N, D), dtype=jnp.float32)
    edge_index = jax.random.randint(ks[1], (2, E), 0, N, dtype=jnp.int32)
    inp = {"h": h, "edge_index": edge_index}
    scale = 1.0 / np.sqrt(D)
    for i in range(DEPTH):
        inp[f"W{i}"] = jax.random.normal(ks[2 + 2 * i], (D, D), dtype=jnp.float32) * scale
        inp[f"b{i}"] = jnp.zeros((D,), dtype=jnp.float32)
    return inp


def reference(h, edge_index, W0, b0, W1, b1, W2, b2):
    # StructuralModel.forward: for layer in self.layers: h = layer(g, h)
    # Each layer is a mean-aggregating graph conv (message passing over g)
    # followed by a dense transform and the configured activation (relu).
    src = edge_index[0]
    dst = edge_index[1]
    n = h.shape[0]
    deg = jax.ops.segment_sum(jnp.ones((src.shape[0],), jnp.float32), dst, num_segments=n)
    deg = jnp.clip(deg, 1.0, None)[:, None]
    for W, b in ((W0, b0), (W1, b1), (W2, b2)):
        m = h[src]  # gather messages from source nodes
        agg = jax.ops.segment_sum(m, dst, num_segments=n)  # scatter-add to dst
        h = jnp.maximum((agg / deg) @ W + b, 0.0)  # dense + relu activation
    return h

if __name__ == "__main__":
    import jax
    _d = setup_inputs()
    print(jax.jit(kernel)(*tuple(_d.values())))

</pallas_src>

<mosaic_0001>
#map = affine_map<(d0, d1) -> (0, 0)>
#map1 = affine_map<(d0, d1) -> (0, 0, 0)>
module attributes {stable_mosaic.version = 14 : i64} {
  func.func @body(%arg0: i32, %arg1: i32, %arg2: memref<10000x128xbf16, #tpu.memory_space<hbm>>, %arg3: memref<32x125x80xi32, #tpu.memory_space<hbm>>, %arg4: memref<32x125x80xi32, #tpu.memory_space<hbm>>, %arg5: memref<2x10240x128xbf16, #tpu.memory_space<hbm>>, %arg6: memref<125x80xi32, #tpu.memory_space<vmem>>, %arg7: memref<125x80xi32, #tpu.memory_space<vmem>>, %arg8: memref<80x128xbf16, #tpu.memory_space<vmem>>, %arg9: memref<80x128xbf16, #tpu.memory_space<vmem>>, %arg10: memref<10240x128xbf16, #tpu.memory_space<vmem_shared>>, %arg11: memref<!tpu.dma_semaphore, #tpu.memory_space<semaphore_mem>>, %arg12: memref<!tpu.dma_semaphore, #tpu.memory_space<semaphore_mem>>) attributes {dimension_semantics = [#tpu.dimension_semantics<core_parallel>, #tpu.dimension_semantics<subcore_parallel>], iteration_bounds = array<i64: 2, 16>, scalar_prefetch = 0 : i64, scratch_operands = 7 : i64, tpu.core_type = #tpu.core_type<sc_vector_subcore>, window_params = [{transform_indices = #map}, {transform_indices = #map1}, {transform_indices = #map1}, {transform_indices = #map1}]} {
    %mul3A = arith.constant 2 : i32
    %mul3A_0 = arith.muli %arg1, %mul3A : i32
    %add3A = arith.addi %mul3A_0, %arg0 : i32
    "tpu.region"() ({
      %run_scoped3A_44 = tpu.sem_alloc : memref<!tpu.dma_semaphore, #tpu.memory_space<semaphore_mem>>
      %dma_start3A_45 = arith.constant 0 : i32
      %dma_start3A_46 = arith.constant 0 : i32
      %dma_start3A_47 = tpu.memref_slice %arg3[%add3A, %dma_start3A_45, %dma_start3A_46] : memref<32x125x80xi32, #tpu.memory_space<hbm>> -> memref<1x125x80xi32, #tpu.memory_space<hbm>>
      %dma_start3A_48 = tpu.memref_squeeze %dma_start3A_47 : memref<1x125x80xi32, #tpu.memory_space<hbm>> -> memref<125x80xi32, #tpu.memory_space<hbm>>
      %dma_start3A_49 = arith.constant 0 : i32
      %dma_start3A_50 = arith.constant 0 : i32
      %dma_start3A_51 = tpu.memref_slice %arg3[%add3A, %dma_start3A_49, %dma_start3A_50] : memref<32x125x80xi32, #tpu.memory_space<hbm>> -> memref<1x125x80xi32, #tpu.memory_space<hbm>>
      %dma_start3A_52 = tpu.memref_squeeze %dma_start3A_51 : memref<1x125x80xi32, #tpu.memory_space<hbm>> -> memref<125x80xi32, #tpu.memory_space<hbm>>
      tpu.enqueue_dma source(%dma_start3A_52 : memref<125x80xi32, #tpu.memory_space<hbm>>) target(%arg6 : memref<125x80xi32, #tpu.memory_space<vmem>>) target_semaphore(%run_scoped3A_44 : memref<!tpu.dma_semaphore, #tpu.memory_space<semaphore_mem>>)
      %dma_wait3A_53 = arith.constant 0 : i32
      %dma_wait3A_54 = arith.constant 0 : i32
      %dma_wait3A_55 = tpu.memref_slice %arg3[%add3A, %dma_wait3A_53, %dma_wait3A_54] : memref<32x125x80xi32, #tpu.memory_space<hbm>> -> memref<1x125x80xi32, #tpu.memory_space<hbm>>
      %dma_wait3A_56 = tpu.memref_squeeze %dma_wait3A_55 : memref<1x125x80xi32, #tpu.memory_space<hbm>> -> memref<125x80xi32, #tpu.memory_space<hbm>>
      %dma_wait3A_57 = arith.constant 0 : i32
      %dma_wait3A_58 = arith.constant 0 : i32
      %dma_wait3A_59 = tpu.memref_slice %arg3[%add3A, %dma_wait3A_57, %dma_wait3A_58] : memref<32x125x80xi32, #tpu.memory_space<hbm>> -> memref<1x125x80xi32, #tpu.memory_space<hbm>>
      %dma_wait3A_60 = tpu.memref_squeeze %dma_wait3A_59 : memref<1x125x80xi32, #tpu.memory_space<hbm>> -> memref<125x80xi32, #tpu.memory_space<hbm>>
      tpu.wait_dma2 semaphore(%run_scoped3A_44 : memref<!tpu.dma_semaphore, #tpu.memory_space<semaphore_mem>>) src(%dma_wait3A_60 : memref<125x80xi32, #tpu.memory_space<hbm>>) dst(%arg6 : memref<125x80xi32, #tpu.memory_space<vmem>>)
      tpu.yield
    }) : () -> ()
    "tpu.region"() ({
      %run_scoped3A_44 = tpu.sem_alloc : memref<!tpu.dma_semaphore, #tpu.memory_space<semaphore_mem>>
      %dma_start3A_45 = arith.constant 0 : i32
      %dma_start3A_46 = arith.constant 0 : i32
      %dma_start3A_47 = tpu.memref_slice %arg4[%add3A, %dma_start3A_45, %dma_start3A_46] : memref<32x125x80xi32, #tpu.memory_space<hbm>> -> memref<1x125x80xi32, #tpu.memory_space<hbm>>
      %dma_start3A_48 = tpu.memref_squeeze %dma_start3A_47 : memref<1x125x80xi32, #tpu.memory_space<hbm>> -> memref<125x80xi32, #tpu.memory_space<hbm>>
      %dma_start3A_49 = arith.constant 0 : i32
      %dma_start3A_50 = arith.constant 0 : i32
      %dma_start3A_51 = tpu.memref_slice %arg4[%add3A, %dma_start3A_49, %dma_start3A_50] : memref<32x125x80xi32, #tpu.memory_space<hbm>> -> memref<1x125x80xi32, #tpu.memory_space<hbm>>
      %dma_start3A_52 = tpu.memref_squeeze %dma_start3A_51 : memref<1x125x80xi32, #tpu.memory_space<hbm>> -> memref<125x80xi32, #tpu.memory_space<hbm>>
      tpu.enqueue_dma source(%dma_start3A_52 : memref<125x80xi32, #tpu.memory_space<hbm>>) target(%arg7 : memref<125x80xi32, #tpu.memory_space<vmem>>) target_semaphore(%run_scoped3A_44 : memref<!tpu.dma_semaphore, #tpu.memory_space<semaphore_mem>>)
      %dma_wait3A_53 = arith.constant 0 : i32
      %dma_wait3A_54 = arith.constant 0 : i32
      %dma_wait3A_55 = tpu.memref_slice %arg4[%add3A, %dma_wait3A_53, %dma_wait3A_54] : memref<32x125x80xi32, #tpu.memory_space<hbm>> -> memref<1x125x80xi32, #tpu.memory_space<hbm>>
      %dma_wait3A_56 = tpu.memref_squeeze %dma_wait3A_55 : memref<1x125x80xi32, #tpu.memory_space<hbm>> -> memref<125x80xi32, #tpu.memory_space<hbm>>
      %dma_wait3A_57 = arith.constant 0 : i32
      %dma_wait3A_58 = arith.constant 0 : i32
      %dma_wait3A_59 = tpu.memref_slice %arg4[%add3A, %dma_wait3A_57, %dma_wait3A_58] : memref<32x125x80xi32, #tpu.memory_space<hbm>> -> memref<1x125x80xi32, #tpu.memory_space<hbm>>
      %dma_wait3A_60 = tpu.memref_squeeze %dma_wait3A_59 : memref<1x125x80xi32, #tpu.memory_space<hbm>> -> memref<125x80xi32, #tpu.memory_space<hbm>>
      tpu.wait_dma2 semaphore(%run_scoped3A_44 : memref<!tpu.dma_semaphore, #tpu.memory_space<semaphore_mem>>) src(%dma_wait3A_60 : memref<125x80xi32, #tpu.memory_space<hbm>>) dst(%arg7 : memref<125x80xi32, #tpu.memory_space<vmem>>)
      tpu.yield
    }) : () -> ()
    %broadcast_in_dim3A = arith.constant 0.000000e+00 : bf16
    %broadcast_in_dim3A_1 = vector.broadcast %broadcast_in_dim3A : bf16 to vector<32xbf16>
    %scan3A = arith.constant 0 : i32
    %scan3A_2 = arith.constant 0 : i32
    %scan3A_3 = arith.constant 80 : i32
    %scan3A_4 = arith.addi %scan3A_2, %scan3A_3 : i32
    %scan3A_5 = arith.constant 1 : i32
    scf.for %scan3A_44 = %scan3A_2 to %scan3A_4 step %scan3A_5  : i32 {
      %swap3A = arith.index_cast %scan3A_44 : i32 to index
      %swap3A_45 = arith.constant 0 : index
      %swap3A_46 = tpu.vector_load %arg8[%swap3A, %swap3A_45] {strides = array<i32>} : memref<80x128xbf16, #tpu.memory_space<vmem>>, vector<1x32xbf16>,
      %swap3A_47 = vector.shape_cast %swap3A_46 : vector<1x32xbf16> to vector<32xbf16>
      %swap3A_48 = vector.shape_cast %broadcast_in_dim3A_1 : vector<32xbf16> to vector<1x32xbf16>
      tpu.vector_store %arg8[%swap3A, %swap3A_45], %swap3A_48 {strides = array<i32>} : memref<80x128xbf16, #tpu.memory_space<vmem>>, vector<1x32xbf16>,
      %swap3A_49 = arith.index_cast %scan3A_44 : i32 to index
      %swap3A_50 = arith.constant 32 : index
      %swap3A_51 = tpu.vector_load %arg8[%swap3A_49, %swap3A_50] {strides = array<i32>} : memref<80x128xbf16, #tpu.memory_space<vmem>>, vector<1x32xbf16>,
      %swap3A_52 = vector.shape_cast %swap3A_51 : vector<1x32xbf16> to vector<32xbf16>
      %swap3A_53 = vector.shape_cast %broadcast_in_dim3A_1 : vector<32xbf16> to vector<1x32xbf16>
      tpu.vector_store %arg8[%swap3A_49, %swap3A_50], %swap3A_53 {strides = array<i32>} : memref<80x128xbf16, #tpu.memory_space<vmem>>, vector<1x32xbf16>,
      %swap3A_54 = arith.index_cast %scan3A_44 : i32 to index
      %swap3A_55 = arith.constant 64 : index
      %swap3A_56 = tpu.vector_load %arg8[%swap3A_54, %swap3A_55] {strides = array<i32>} : memref<80x128xbf16, #tpu.memory_space<vmem>>, vector<1x32xbf16>,
      %swap3A_57 = vector.shape_cast %swap3A_56 : vector<1x32xbf16> to vector<32xbf16>
      %swap3A_58 = vector.shape_cast %broadcast_in_dim3A_1 : vector<32xbf16> to vector<1x32xbf16>
      tpu.vector_store %arg8[%swap3A_54, %swap3A_55], %swap3A_58 {strides = array<i32>} : memref<80x128xbf16, #tpu.memory_space<vmem>>, vector<1x32xbf16>,
      %swap3A_59 = arith.index_cast %scan3A_44 : i32 to index
      %swap3A_60 = arith.constant 96 : index
      %swap3A_61 = tpu.vector_load %arg8[%swap3A_59, %swap3A_60] {strides = array<i32>} : memref<80x128xbf16, #tpu.memory_space<vmem>>, vector<1x32xbf16>,
      %swap3A_62 = vector.shape_cast %swap3A_61 : vector<1x32xbf16> to vector<32xbf16>
      %swap3A_63 = vector.shape_cast %broadcast_in_dim3A_1 : vector<32xbf16> to vector<1x32xbf16>
      tpu.vector_store %arg8[%swap3A_59, %swap3A_60], %swap3A_63 {strides = array<i32>} : memref<80x128xbf16, #tpu.memory_space<vmem>>, vector<1x32xbf16>,
    }
    %scan3A_6 = arith.constant 80 : i32
    %mul3A_7 = arith.constant 640 : i32
    %mul3A_8 = arith.muli %arg1, %mul3A_7 : i32
    %add3A_9 = arith.constant 0 : i32
    %add3A_10 = arith.addi %mul3A_8, %add3A_9 : i32
    "tpu.region"() ({
      %run_scoped3A_44 = tpu.sem_alloc : memref<!tpu.dma_semaphore, #tpu.memory_space<semaphore_mem>>
      %dma_start3A_45 = arith.constant 0 : i32
      %dma_start3A_46 = tpu.memref_slice %arg10[%add3A_10, %dma_start3A_45] : memref<10240x128xbf16, #tpu.memory_space<vmem_shared>> -> memref<80x128xbf16, #tpu.memory_space<vmem_shared>>
      %dma_start3A_47 = arith.constant 0 : i32
      %dma_start3A_48 = tpu.memref_slice %arg10[%add3A_10, %dma_start3A_47] : memref<10240x128xbf16, #tpu.memory_space<vmem_shared>> -> memref<80x128xbf16, #tpu.memory_space<vmem_shared>>
      tpu.enqueue_dma source(%arg8 : memref<80x128xbf16, #tpu.memory_space<vmem>>) target(%dma_start3A_48 : memref<80x128xbf16, #tpu.memory_space<vmem_shared>>) target_semaphore(%run_scoped3A_44 : memref<!tpu.dma_semaphore, #tpu.memory_space<semaphore_mem>>)
      %dma_wait3A_49 = arith.constant 0 : i32
      %dma_wait3A_50 = tpu.memref_slice %arg10[%add3A_10, %dma_wait3A_49] : memref<10240x128xbf16, #tpu.memory_space<vmem_shared>> -> memref<80x128xbf16, #tpu.memory_space<vmem_shared>>
      %dma_wait3A_51 = arith.constant 0 : i32
      %dma_wait3A_52 = tpu.memref_slice %arg10[%add3A_10, %dma_wait3A_51] : memref<10240x128xbf16, #tpu.memory_space<vmem_shared>> -> memref<80x128xbf16, #tpu.memory_space<vmem_shared>>
      tpu.wait_dma2 semaphore(%run_scoped3A_44 : memref<!tpu.dma_semaphore, #tpu.memory_space<semaphore_mem>>) src(%arg8 : memref<80x128xbf16, #tpu.memory_space<vmem>>) dst(%dma_wait3A_52 : memref<80x128xbf16, #tpu.memory_space<vmem_shared>>)
      tpu.yield
    }) : () -> ()
    %add3A_11 = arith.constant 80 : i32
    %add3A_12 = arith.addi %mul3A_8, %add3A_11 : i32
    "tpu.region"() ({
      %run_scoped3A_44 = tpu.sem_alloc : memref<!tpu.dma_semaphore, #tpu.memory_space<semaphore_mem>>
      %dma_start3A_45 = arith.constant 0 : i32
      %dma_start3A_46 = tpu.memref_slice %arg10[%add3A_12, %dma_start3A_45] : memref<10240x128xbf16, #tpu.memory_space<vmem_shared>> -> memref<80x128xbf16, #tpu.memory_space<vmem_shared>>
      %dma_start3A_47 = arith.constant 0 : i32
      %dma_start3A_48 = tpu.memref_slice %arg10[%add3A_12, %dma_start3A_47] : memref<10240x128xbf16, #tpu.memory_space<vmem_shared>> -> memref<80x128xbf16, #tpu.memory_space<vmem_shared>>
      tpu.enqueue_dma source(%arg8 : memref<80x128xbf16, #tpu.memory_space<vmem>>) target(%dma_start3A_48 : memref<80x128xbf16, #tpu.memory_space<vmem_shared>>) target_semaphore(%run_scoped3A_44 : memref<!tpu.dma_semaphore, #tpu.memory_space<semaphore_mem>>)
      %dma_wait3A_49 = arith.constant 0 : i32
      %dma_wait3A_50 = tpu.memref_slice %arg10[%add3A_12, %dma_wait3A_49] : memref<10240x128xbf16, #tpu.memory_space<vmem_shared>> -> memref<80x128xbf16, #tpu.memory_space<vmem_shared>>
      %dma_wait3A_51 = arith.constant 0 : i32
      %dma_wait3A_52 = tpu.memref_slice %arg10[%add3A_12, %dma_wait3A_51] : memref<10240x128xbf16, #tpu.memory_space<vmem_shared>> -> memref<80x128xbf16, #tpu.memory_space<vmem_shared>>
      tpu.wait_dma2 semaphore(%run_scoped3A_44 : memref<!tpu.dma_semaphore, #tpu.memory_space<semaphore_mem>>) src(%arg8 : memref<80x128xbf16, #tpu.memory_space<vmem>>) dst(%dma_wait3A_52 : memref<80x128xbf16, #tpu.memory_space<vmem_shared>>)
      tpu.yield
    }) : () -> ()
    %add3A_13 = arith.constant 160 : i32
    %add3A_14 = arith.addi %mul3A_8, %add3A_13 : i32
    "tpu.region"() ({
      %run_scoped3A_44 = tpu.sem_alloc : memref<!tpu.dma_semaphore, #tpu.memory_space<semaphore_mem>>
      %dma_start3A_45 = arith.constant 0 : i32
      %dma_start3A_46 = tpu.memref_slice %arg10[%add3A_14, %dma_start3A_45] : memref<10240x128xbf16, #tpu.memory_space<vmem_shared>> -> memref<80x128xbf16, #tpu.memory_space<vmem_shared>>
      %dma_start3A_47 = arith.constant 0 : i32
      %dma_start3A_48 = tpu.memref_slice %arg10[%add3A_14, %dma_start3A_47] : memref<10240x128xbf16, #tpu.memory_space<vmem_shared>> -> memref<80x128xbf16, #tpu.memory_space<vmem_shared>>
      tpu.enqueue_dma source(%arg8 : memref<80x128xbf16, #tpu.memory_space<vmem>>) target(%dma_start3A_48 : memref<80x128xbf16, #tpu.memory_space<vmem_shared>>) target_semaphore(%run_scoped3A_44 : memref<!tpu.dma_semaphore, #tpu.memory_space<semaphore_mem>>)
      %dma_wait3A_49 = arith.constant 0 : i32
      %dma_wait3A_50 = tpu.memref_slice %arg10[%add3A_14, %dma_wait3A_49] : memref<10240x128xbf16, #tpu.memory_space<vmem_shared>> -> memref<80x128xbf16, #tpu.memory_space<vmem_shared>>
      %dma_wait3A_51 = arith.constant 0 : i32
      %dma_wait3A_52 = tpu.memref_slice %arg10[%add3A_14, %dma_wait3A_51] : memref<10240x128xbf16, #tpu.memory_space<vmem_shared>> -> memref<80x128xbf16, #tpu.memory_space<vmem_shared>>
      tpu.wait_dma2 semaphore(%run_scoped3A_44 : memref<!tpu.dma_semaphore, #tpu.memory_space<semaphore_mem>>) src(%arg8 : memref<80x128xbf16, #tpu.memory_space<vmem>>) dst(%dma_wait3A_52 : memref<80x128xbf16, #tpu.memory_space<vmem_shared>>)
      tpu.yield
    }) : () -> ()
    %add3A_15 = arith.constant 240 : i32
    %add3A_16 = arith.addi %mul3A_8, %add3A_15 : i32
    "tpu.region"() ({
      %run_scoped3A_44 = tpu.sem_alloc : memref<!tpu.dma_semaphore, #tpu.memory_space<semaphore_mem>>
      %dma_start3A_45 = arith.constant 0 : i32
      %dma_start3A_46 = tpu.memref_slice %arg10[%add3A_16, %dma_start3A_45] : memref<10240x128xbf16, #tpu.memory_space<vmem_shared>> -> memref<80x128xbf16, #tpu.memory_space<vmem_shared>>
      %dma_start3A_47 = arith.constant 0 : i32
      %dma_start3A_48 = tpu.memref_slice %arg10[%add3A_16, %dma_start3A_47] : memref<10240x128xbf16, #tpu.memory_space<vmem_shared>> -> memref<80x128xbf16, #tpu.memory_space<vmem_shared>>
      tpu.enqueue_dma source(%arg8 : memref<80x128xbf16, #tpu.memory_space<vmem>>) target(%dma_start3A_48 : memref<80x128xbf16, #tpu.memory_space<vmem_shared>>) target_semaphore(%run_scoped3A_44 : memref<!tpu.dma_semaphore, #tpu.memory_space<semaphore_mem>>)
      %dma_wait3A_49 = arith.constant 0 : i32
      %dma_wait3A_50 = tpu.memref_slice %arg10[%add3A_16, %dma_wait3A_49] : memref<10240x128xbf16, #tpu.memory_space<vmem_shared>> -> memref<80x128xbf16, #tpu.memory_space<vmem_shared>>
      %dma_wait3A_51 = arith.constant 0 : i32
      %dma_wait3A_52 = tpu.memref_slice %arg10[%add3A_16, %dma_wait3A_51] : memref<10240x128xbf16, #tpu.memory_space<vmem_shared>> -> memref<80x128xbf16, #tpu.memory_space<vmem_shared>>
      tpu.wait_dma2 semaphore(%run_scoped3A_44 : memref<!tpu.dma_semaphore, #tpu.memory_space<semaphore_mem>>) src(%arg8 : memref<80x128xbf16, #tpu.memory_space<vmem>>) dst(%dma_wait3A_52 : memref<80x128xbf16, #tpu.memory_space<vmem_shared>>)
      tpu.yield
    }) : () -> ()
    %add3A_17 = arith.constant 320 : i32
    %add3A_18 = arith.addi %mul3A_8, %add3A_17 : i32
    "tpu.region"() ({
      %run_scoped3A_44 = tpu.sem_alloc : memref<!tpu.dma_semaphore, #tpu.memory_space<semaphore_mem>>
      %dma_start3A_45 = arith.constant 0 : i32
      %dma_start3A_46 = tpu.memref_slice %arg10[%add3A_18, %dma_start3A_45] : memref<10240x128xbf16, #tpu.memory_space<vmem_shared>> -> memref<80x128xbf16, #tpu.memory_space<vmem_shared>>
      %dma_start3A_47 = arith.constant 0 : i32
      %dma_start3A_48 = tpu.memref_slice %arg10[%add3A_18, %dma_start3A_47] : memref<10240x128xbf16, #tpu.memory_space<vmem_shared>> -> memref<80x128xbf16, #tpu.memory_space<vmem_shared>>
      tpu.enqueue_dma source(%arg8 : memref<80x128xbf16, #tpu.memory_space<vmem>>) target(%dma_start3A_48 : memref<80x128xbf16, #tpu.memory_space<vmem_shared>>) target_semaphore(%run_scoped3A_44 : memref<!tpu.dma_semaphore, #tpu.memory_space<semaphore_mem>>)
      %dma_wait3A_49 = arith.constant 0 : i32
      %dma_wait3A_50 = tpu.memref_slice %arg10[%add3A_18, %dma_wait3A_49] : memref<10240x128xbf16, #tpu.memory_space<vmem_shared>> -> memref<80x128xbf16, #tpu.memory_space<vmem_shared>>
      %dma_wait3A_51 = arith.constant 0 : i32
      %dma_wait3A_52 = tpu.memref_slice %arg10[%add3A_18, %dma_wait3A_51] : memref<10240x128xbf16, #tpu.memory_space<vmem_shared>> -> memref<80x128xbf16, #tpu.memory_space<vmem_shared>>
      tpu.wait_dma2 semaphore(%run_scoped3A_44 : memref<!tpu.dma_semaphore, #tpu.memory_space<semaphore_mem>>) src(%arg8 : memref<80x128xbf16, #tpu.memory_space<vmem>>) dst(%dma_wait3A_52 : memref<80x128xbf16, #tpu.memory_space<vmem_shared>>)
      tpu.yield
    }) : () -> ()
    %add3A_19 = arith.constant 400 : i32
    %add3A_20 = arith.addi %mul3A_8, %add3A_19 : i32
    "tpu.region"() ({
      %run_scoped3A_44 = tpu.sem_alloc : memref<!tpu.dma_semaphore, #tpu.memory_space<semaphore_mem>>
      %dma_start3A_45 = arith.constant 0 : i32
      %dma_start3A_46 = tpu.memref_slice %arg10[%add3A_20, %dma_start3A_45] : memref<10240x128xbf16, #tpu.memory_space<vmem_shared>> -> memref<80x128xbf16, #tpu.memory_space<vmem_shared>>
      %dma_start3A_47 = arith.constant 0 : i32
      %dma_start3A_48 = tpu.memref_slice %arg10[%add3A_20, %dma_start3A_47] : memref<10240x128xbf16, #tpu.memory_space<vmem_shared>> -> memref<80x128xbf16, #tpu.memory_space<vmem_shared>>
      tpu.enqueue_dma source(%arg8 : memref<80x128xbf16, #tpu.memory_space<vmem>>) target(%dma_start3A_48 : memref<80x128xbf16, #tpu.memory_space<vmem_shared>>) target_semaphore(%run_scoped3A_44 : memref<!tpu.dma_semaphore, #tpu.memory_space<semaphore_mem>>)
      %dma_wait3A_49 = arith.constant 0 : i32
      %dma_wait3A_50 = tpu.memref_slice %arg10[%add3A_20, %dma_wait3A_49] : memref<10240x128xbf16, #tpu.memory_space<vmem_shared>> -> memref<80x128xbf16, #tpu.memory_space<vmem_shared>>
      %dma_wait3A_51 = arith.constant 0 : i32
      %dma_wait3A_52 = tpu.memref_slice %arg10[%add3A_20, %dma_wait3A_51] : memref<10240x128xbf16, #tpu.memory_space<vmem_shared>> -> memref<80x128xbf16, #tpu.memory_space<vmem_shared>>
      tpu.wait_dma2 semaphore(%run_scoped3A_44 : memref<!tpu.dma_semaphore, #tpu.memory_space<semaphore_mem>>) src(%arg8 : memref<80x128xbf16, #tpu.memory_space<vmem>>) dst(%dma_wait3A_52 : memref<80x128xbf16, #tpu.memory_space<vmem_shared>>)
      tpu.yield
    }) : () -> ()
    %add3A_21 = arith.constant 480 : i32
    %add3A_22 = arith.addi %mul3A_8, %add3A_21 : i32
    "tpu.region"() ({
      %run_scoped3A_44 = tpu.sem_alloc : memref<!tpu.dma_semaphore, #tpu.memory_space<semaphore_mem>>
      %dma_start3A_45 = arith.constant 0 : i32
      %dma_start3A_46 = tpu.memref_slice %arg10[%add3A_22, %dma_start3A_45] : memref<10240x128xbf16, #tpu.memory_space<vmem_shared>> -> memref<80x128xbf16, #tpu.memory_space<vmem_shared>>
      %dma_start3A_47 = arith.constant 0 : i32
      %dma_start3A_48 = tpu.memref_slice %arg10[%add3A_22, %dma_start3A_47] : memref<10240x128xbf16, #tpu.memory_space<vmem_shared>> -> memref<80x128xbf16, #tpu.memory_space<vmem_shared>>
      tpu.enqueue_dma source(%arg8 : memref<80x128xbf16, #tpu.memory_space<vmem>>) target(%dma_start3A_48 : memref<80x128xbf16, #tpu.memory_space<vmem_shared>>) target_semaphore(%run_scoped3A_44 : memref<!tpu.dma_semaphore, #tpu.memory_space<semaphore_mem>>)
      %dma_wait3A_49 = arith.constant 0 : i32
      %dma_wait3A_50 = tpu.memref_slice %arg10[%add3A_22, %dma_wait3A_49] : memref<10240x128xbf16, #tpu.memory_space<vmem_shared>> -> memref<80x128xbf16, #tpu.memory_space<vmem_shared>>
      %dma_wait3A_51 = arith.constant 0 : i32
      %dma_wait3A_52 = tpu.memref_slice %arg10[%add3A_22, %dma_wait3A_51] : memref<10240x128xbf16, #tpu.memory_space<vmem_shared>> -> memref<80x128xbf16, #tpu.memory_space<vmem_shared>>
      tpu.wait_dma2 semaphore(%run_scoped3A_44 : memref<!tpu.dma_semaphore, #tpu.memory_space<semaphore_mem>>) src(%arg8 : memref<80x128xbf16, #tpu.memory_space<vmem>>) dst(%dma_wait3A_52 : memref<80x128xbf16, #tpu.memory_space<vmem_shared>>)
      tpu.yield
    }) : () -> ()
    %add3A_23 = arith.constant 560 : i32
    %add3A_24 = arith.addi %mul3A_8, %add3A_23 : i32
    "tpu.region"() ({
      %run_scoped3A_44 = tpu.sem_alloc : memref<!tpu.dma_semaphore, #tpu.memory_space<semaphore_mem>>
      %dma_start3A_45 = arith.constant 0 : i32
      %dma_start3A_46 = tpu.memref_slice %arg10[%add3A_24, %dma_start3A_45] : memref<10240x128xbf16, #tpu.memory_space<vmem_shared>> -> memref<80x128xbf16, #tpu.memory_space<vmem_shared>>
      %dma_start3A_47 = arith.constant 0 : i32
      %dma_start3A_48 = tpu.memref_slice %arg10[%add3A_24, %dma_start3A_47] : memref<10240x128xbf16, #tpu.memory_space<vmem_shared>> -> memref<80x128xbf16, #tpu.memory_space<vmem_shared>>
      tpu.enqueue_dma source(%arg8 : memref<80x128xbf16, #tpu.memory_space<vmem>>) target(%dma_start3A_48 : memref<80x128xbf16, #tpu.memory_space<vmem_shared>>) target_semaphore(%run_scoped3A_44 : memref<!tpu.dma_semaphore, #tpu.memory_space<semaphore_mem>>)
      %dma_wait3A_49 = arith.constant 0 : i32
      %dma_wait3A_50 = tpu.memref_slice %arg10[%add3A_24, %dma_wait3A_49] : memref<10240x128xbf16, #tpu.memory_space<vmem_shared>> -> memref<80x128xbf16, #tpu.memory_space<vmem_shared>>
      %dma_wait3A_51 = arith.constant 0 : i32
      %dma_wait3A_52 = tpu.memref_slice %arg10[%add3A_24, %dma_wait3A_51] : memref<10240x128xbf16, #tpu.memory_space<vmem_shared>> -> memref<80x128xbf16, #tpu.memory_space<vmem_shared>>
      tpu.wait_dma2 semaphore(%run_scoped3A_44 : memref<!tpu.dma_semaphore, #tpu.memory_space<semaphore_mem>>) src(%arg8 : memref<80x128xbf16, #tpu.memory_space<vmem>>) dst(%dma_wait3A_52 : memref<80x128xbf16, #tpu.memory_space<vmem_shared>>)
      tpu.yield
    }) : () -> ()
    %barrier3A = arith.constant 0 : index
    tpu.barrier barrier_id(%barrier3A)
    %dma_start3A = arith.constant 0 : i32
    %dma_start3A_25 = arith.constant 0 : i32
    %dma_start3A_26 = tpu.memref_slice %arg6[%dma_start3A, %dma_start3A_25] : memref<125x80xi32, #tpu.memory_space<vmem>> -> memref<1x80xi32, #tpu.memory_space<vmem>>
    %dma_start3A_27 = tpu.memref_squeeze %dma_start3A_26 : memref<1x80xi32, #tpu.memory_space<vmem>> -> memref<80xi32, #tpu.memory_space<vmem>>
    %dma_start3A_28 = arith.constant 0 : i32
    %dma_start3A_29 = arith.constant 0 : i32
    %dma_start3A_30 = tpu.memref_slice %arg2[%dma_start3A_28, %dma_start3A_29] : memref<10000x128xbf16, #tpu.memory_space<hbm>> -> memref<10000x128xbf16, #tpu.memory_space<hbm>>
    tpu.enqueue_indirect_dma source(%dma_start3A_30 : memref<10000x128xbf16, #tpu.memory_space<hbm>>) target(%arg8 : memref<80x128xbf16, #tpu.memory_space<vmem>>) offsets(%dma_start3A_27 : memref<80xi32, #tpu.memory_space<vmem>>) semaphore(%arg11 : memref<!tpu.dma_semaphore, #tpu.memory_space<semaphore_mem>>)
    %scan3A_31 = arith.constant 0 : i32
    %scan3A_32 = arith.constant 0 : i32
    %scan3A_33 = arith.constant 62 : i32
    %scan3A_34 = arith.addi %scan3A_32, %scan3A_33 : i32
    %scan3A_35 = arith.constant 1 : i32
    scf.for %scan3A_44 = %scan3A_32 to %scan3A_34 step %scan3A_35  : i32 {
      %mul3A_45 = arith.constant 2 : i32
      %mul3A_46 = arith.muli %mul3A_45, %scan3A_44 : i32
      %dma_wait3A_47 = arith.constant 0 : i32
      %dma_wait3A_48 = tpu.memref_slice %arg6[%mul3A_46, %dma_wait3A_47] : memref<125x80xi32, #tpu.memory_space<vmem>> -> memref<1x80xi32, #tpu.memory_space<vmem>>
      %dma_wait3A_49 = tpu.memref_squeeze %dma_wait3A_48 : memref<1x80xi32, #tpu.memory_space<vmem>> -> memref<80xi32, #tpu.memory_space<vmem>>
      %dma_wait3A_50 = arith.constant 0 : i32
      %dma_wait3A_51 = arith.constant 0 : i32
      %dma_wait3A_52 = tpu.memref_slice %arg2[%dma_wait3A_50, %dma_wait3A_51] : memref<10000x128xbf16, #tpu.memory_space<hbm>> -> memref<10000x128xbf16, #tpu.memory_space<hbm>>
      tpu.wait_indirect_dma semaphore(%arg11 : memref<!tpu.dma_semaphore, #tpu.memory_space<semaphore_mem>>) src(%dma_wait3A_52 : memref<10000x128xbf16, #tpu.memory_space<hbm>>) dst(%arg8 : memref<80x128xbf16, #tpu.memory_space<vmem>>)
      %add3A_53 = arith.constant 1 : i32
      %add3A_54 = arith.addi %mul3A_46, %add3A_53 : i32
      %dma_start3A_55 = arith.constant 0 : i32
      %dma_start3A_56 = tpu.memref_slice %arg6[%add3A_54, %dma_start3A_55] : memref<125x80xi32, #tpu.memory_space<vmem>> -> memref<1x80xi32, #tpu.memory_space<vmem>>
      %dma_start3A_57 = tpu.memref_squeeze %dma_start3A_56 : memref<1x80xi32, #tpu.memory_space<vmem>> -> memref<80xi32, #tpu.memory_space<vmem>>
      %dma_start3A_58 = arith.constant 0 : i32
      %dma_start3A_59 = arith.constant 0 : i32
      %dma_start3A_60 = tpu.memref_slice %arg2[%dma_start3A_58, %dma_start3A_59] : memref<10000x128xbf16, #tpu.memory_space<hbm>> -> memref<10000x128xbf16, #tpu.memory_space<hbm>>
      tpu.enqueue_indirect_dma source(%dma_start3A_60 : memref<10000x128xbf16, #tpu.memory_space<hbm>>) target(%arg9 : memref<80x128xbf16, #tpu.memory_space<vmem>>) offsets(%dma_start3A_57 : memref<80xi32, #tpu.memory_space<vmem>>) semaphore(%arg12 : memref<!tpu.dma_semaphore, #tpu.memory_space<semaphore_mem>>)
      "tpu.region"() ({
        %run_scoped3A_81 = tpu.sem_alloc : memref<!tpu.dma_semaphore, #tpu.memory_space<semaphore_mem>>
        %dma_start3A_82 = arith.constant 0 : i32
        %dma_start3A_83 = tpu.memref_slice %arg7[%mul3A_46, %dma_start3A_82] : memref<125x80xi32, #tpu.memory_space<vmem>> -> memref<1x80xi32, #tpu.memory_space<vmem>>
        %dma_start3A_84 = tpu.memref_squeeze %dma_start3A_83 : memref<1x80xi32, #tpu.memory_space<vmem>> -> memref<80xi32, #tpu.memory_space<vmem>>
        %dma_start3A_85 = arith.constant 0 : i32
        %dma_start3A_86 = arith.constant 0 : i32
        %dma_start3A_87 = tpu.memref_slice %arg10[%dma_start3A_85, %dma_start3A_86] : memref<10240x128xbf16, #tpu.memory_space<vmem_shared>> -> memref<10240x128xbf16, #tpu.memory_space<vmem_shared>>
        tpu.enqueue_indirect_dma source(%arg8 : memref<80x128xbf16, #tpu.memory_space<vmem>>) target(%dma_start3A_87 : memref<10240x128xbf16, #tpu.memory_space<vmem_shared>>) offsets(%dma_start3A_84 : memref<80xi32, #tpu.memory_space<vmem>>) semaphore(%run_scoped3A_81 : memref<!tpu.dma_semaphore, #tpu.memory_space<semaphore_mem>>) {add = true}
        %dma_wait3A_88 = arith.constant 0 : i32
        %dma_wait3A_89 = tpu.memref_slice %arg7[%mul3A_46, %dma_wait3A_88] : memref<125x80xi32, #tpu.memory_space<vmem>> -> memref<1x80xi32, #tpu.memory_space<vmem>>
        %dma_wait3A_90 = tpu.memref_squeeze %dma_wait3A_89 : memref<1x80xi32, #tpu.memory_space<vmem>> -> memref<80xi32, #tpu.memory_space<vmem>>
        %dma_wait3A_91 = arith.constant 0 : i32
        %dma_wait3A_92 = arith.constant 0 : i32
        %dma_wait3A_93 = tpu.memref_slice %arg10[%dma_wait3A_91, %dma_wait3A_92] : memref<10240x128xbf16, #tpu.memory_space<vmem_shared>> -> memref<10240x128xbf16, #tpu.memory_space<vmem_shared>>
        tpu.wait_indirect_dma semaphore(%run_scoped3A_81 : memref<!tpu.dma_semaphore, #tpu.memory_space<semaphore_mem>>) src(%arg8 : memref<80x128xbf16, #tpu.memory_space<vmem>>) dst(%dma_wait3A_93 : memref<10240x128xbf16, #tpu.memory_space<vmem_shared>>)
        tpu.yield
      }) : () -> ()
      %add3A_61 = arith.constant 1 : i32
      %add3A_62 = arith.addi %mul3A_46, %add3A_61 : i32
      %dma_wait3A_63 = arith.constant 0 : i32
      %dma_wait3A_64 = tpu.memref_slice %arg6[%add3A_62, %dma_wait3A_63] : memref<125x80xi32, #tpu.memory_space<vmem>> -> memref<1x80xi32, #tpu.memory_space<vmem>>
      %dma_wait3A_65 = tpu.memref_squeeze %dma_wait3A_64 : memref<1x80xi32, #tpu.memory_space<vmem>> -> memref<80xi32, #tpu.memory_space<vmem>>
      %dma_wait3A_66 = arith.constant 0 : i32
      %dma_wait3A_67 = arith.constant 0 : i32
      %dma_wait3A_68 = tpu.memref_slice %arg2[%dma_wait3A_66, %dma_wait3A_67] : memref<10000x128xbf16, #tpu.memory_space<hbm>> -> memref<10000x128xbf16, #tpu.memory_space<hbm>>
      tpu.wait_indirect_dma semaphore(%arg12 : memref<!tpu.dma_semaphore, #tpu.memory_space<semaphore_mem>>) src(%dma_wait3A_68 : memref<10000x128xbf16, #tpu.memory_space<hbm>>) dst(%arg9 : memref<80x128xbf16, #tpu.memory_space<vmem>>)
      %add3A_69 = arith.constant 2 : i32
      %add3A_70 = arith.addi %mul3A_46, %add3A_69 : i32
      %dma_start3A_71 = arith.constant 0 : i32
      %dma_start3A_72 = tpu.memref_slice %arg6[%add3A_70, %dma_start3A_71] : memref<125x80xi32, #tpu.memory_space<vmem>> -> memref<1x80xi32, #tpu.memory_space<vmem>>
      %dma_start3A_73 = tpu.memref_squeeze %dma_start3A_72 : memref<1x80xi32, #tpu.memory_space<vmem>> -> memref<80xi32, #tpu.memory_space<vmem>>
      %dma_start3A_74 = arith.constant 0 : i32
      %dma_start3A_75 = arith.constant 0 : i32
      %dma_start3A_76 = tpu.memref_slice %arg2[%dma_start3A_74, %dma_start3A_75] : memref<10000x128xbf16, #tpu.memory_space<hbm>> -> memref<10000x128xbf16, #tpu.memory_space<hbm>>
      tpu.enqueue_indirect_dma source(%dma_start3A_76 : memref<10000x128xbf16, #tpu.memory_space<hbm>>) target(%arg8 : memref<80x128xbf16, #tpu.memory_space<vmem>>) offsets(%dma_start3A_73 : memref<80xi32, #tpu.memory_space<vmem>>) semaphore(%arg11 : memref<!tpu.dma_semaphore, #tpu.memory_space<semaphore_mem>>)
      %add3A_77 = arith.constant 1 : i32
      %add3A_78 = arith.addi %mul3A_46, %add3A_77 : i32
      "tpu.region"() ({
        %run_scoped3A_81 = tpu.sem_alloc : memref<!tpu.dma_semaphore, #tpu.memory_space<semaphore_mem>>
        %dma_start3A_82 = arith.constant 0 : i32
        %dma_start3A_83 = tpu.memref_slice %arg7[%add3A_78, %dma_start3A_82] : memref<125x80xi32, #tpu.memory_space<vmem>> -> memref<1x80xi32, #tpu.memory_space<vmem>>
        %dma_start3A_84 = tpu.memref_squeeze %dma_start3A_83 : memref<1x80xi32, #tpu.memory_space<vmem>> -> memref<80xi32, #tpu.memory_space<vmem>>
        %dma_start3A_85 = arith.constant 0 : i32
        %dma_start3A_86 = arith.constant 0 : i32
        %dma_start3A_87 = tpu.memref_slice %arg10[%dma_start3A_85, %dma_start3A_86] : memref<10240x128xbf16, #tpu.memory_space<vmem_shared>> -> memref<10240x128xbf16, #tpu.memory_space<vmem_shared>>
        tpu.enqueue_indirect_dma source(%arg9 : memref<80x128xbf16, #tpu.memory_space<vmem>>) target(%dma_start3A_87 : memref<10240x128xbf16, #tpu.memory_space<vmem_shared>>) offsets(%dma_start3A_84 : memref<80xi32, #tpu.memory_space<vmem>>) semaphore(%run_scoped3A_81 : memref<!tpu.dma_semaphore, #tpu.memory_space<semaphore_mem>>) {add = true}
        %dma_wait3A_88 = arith.constant 0 : i32
        %dma_wait3A_89 = tpu.memref_slice %arg7[%add3A_78, %dma_wait3A_88] : memref<125x80xi32, #tpu.memory_space<vmem>> -> memref<1x80xi32, #tpu.memory_space<vmem>>
        %dma_wait3A_90 = tpu.memref_squeeze %dma_wait3A_89 : memref<1x80xi32, #tpu.memory_space<vmem>> -> memref<80xi32, #tpu.memory_space<vmem>>
        %dma_wait3A_91 = arith.constant 0 : i32
        %dma_wait3A_92 = arith.constant 0 : i32
        %dma_wait3A_93 = tpu.memref_slice %arg10[%dma_wait3A_91, %dma_wait3A_92] : memref<10240x128xbf16, #tpu.memory_space<vmem_shared>> -> memref<10240x128xbf16, #tpu.memory_space<vmem_shared>>
        tpu.wait_indirect_dma semaphore(%run_scoped3A_81 : memref<!tpu.dma_semaphore, #tpu.memory_space<semaphore_mem>>) src(%arg9 : memref<80x128xbf16, #tpu.memory_space<vmem>>) dst(%dma_wait3A_93 : memref<10240x128xbf16, #tpu.memory_space<vmem_shared>>)
        tpu.yield
      }) : () -> ()
      %add3A_79 = arith.constant 1 : i32
      %add3A_80 = arith.addi %mul3A_46, %add3A_79 : i32
    }
    %scan3A_36 = arith.constant 62 : i32
    %dma_wait3A = arith.constant 124 : i32
    %dma_wait3A_37 = arith.constant 0 : i32
    %dma_wait3A_38 = tpu.memref_slice %arg6[%dma_wait3A, %dma_wait3A_37] : memref<125x80xi32, #tpu.memory_space<vmem>> -> memref<1x80xi32, #tpu.memory_space<vmem>>
    %dma_wait3A_39 = tpu.memref_squeeze %dma_wait3A_38 : memref<1x80xi32, #tpu.memory_space<vmem>> -> memref<80xi32, #tpu.memory_space<vmem>>
    %dma_wait3A_40 = arith.constant 0 : i32
    %dma_wait3A_41 = arith.constant 0 : i32
    %dma_wait3A_42 = tpu.memref_slice %arg2[%dma_wait3A_40, %dma_wait3A_41] : memref<10000x128xbf16, #tpu.memory_space<hbm>> -> memref<10000x128xbf16, #tpu.memory_space<hbm>>
    tpu.wait_indirect_dma semaphore(%arg11 : memref<!tpu.dma_semaphore, #tpu.memory_space<semaphore_mem>>) src(%dma_wait3A_42 : memref<10000x128xbf16, #tpu.memory_space<hbm>>) dst(%arg8 : memref<80x128xbf16, #tpu.memory_space<vmem>>)
    %run_scoped3A = arith.constant 124 : i32
    "tpu.region"() ({
      %run_scoped3A_44 = tpu.sem_alloc : memref<!tpu.dma_semaphore, #tpu.memory_space<semaphore_mem>>
      %dma_start3A_45 = arith.constant 0 : i32
      %dma_start3A_46 = tpu.memref_slice %arg7[%run_scoped3A, %dma_start3A_45] : memref<125x80xi32, #tpu.memory_space<vmem>> -> memref<1x80xi32, #tpu.memory_space<vmem>>
      %dma_start3A_47 = tpu.memref_squeeze %dma_start3A_46 : memref<1x80xi32, #tpu.memory_space<vmem>> -> memref<80xi32, #tpu.memory_space<vmem>>
      %dma_start3A_48 = arith.constant 0 : i32
      %dma_start3A_49 = arith.constant 0 : i32
      %dma_start3A_50 = tpu.memref_slice %arg10[%dma_start3A_48, %dma_start3A_49] : memref<10240x128xbf16, #tpu.memory_space<vmem_shared>> -> memref<10240x128xbf16, #tpu.memory_space<vmem_shared>>
      tpu.enqueue_indirect_dma source(%arg8 : memref<80x128xbf16, #tpu.memory_space<vmem>>) target(%dma_start3A_50 : memref<10240x128xbf16, #tpu.memory_space<vmem_shared>>) offsets(%dma_start3A_47 : memref<80xi32, #tpu.memory_space<vmem>>) semaphore(%run_scoped3A_44 : memref<!tpu.dma_semaphore, #tpu.memory_space<semaphore_mem>>) {add = true}
      %dma_wait3A_51 = arith.constant 0 : i32
      %dma_wait3A_52 = tpu.memref_slice %arg7[%run_scoped3A, %dma_wait3A_51] : memref<125x80xi32, #tpu.memory_space<vmem>> -> memref<1x80xi32, #tpu.memory_space<vmem>>
      %dma_wait3A_53 = tpu.memref_squeeze %dma_wait3A_52 : memref<1x80xi32, #tpu.memory_space<vmem>> -> memref<80xi32, #tpu.memory_space<vmem>>
      %dma_wait3A_54 = arith.constant 0 : i32
      %dma_wait3A_55 = arith.constant 0 : i32
      %dma_wait3A_56 = tpu.memref_slice %arg10[%dma_wait3A_54, %dma_wait3A_55] : memref<10240x128xbf16, #tpu.memory_space<vmem_shared>> -> memref<10240x128xbf16, #tpu.memory_space<vmem_shared>>
      tpu.wait_indirect_dma semaphore(%run_scoped3A_44 : memref<!tpu.dma_semaphore, #tpu.memory_space<semaphore_mem>>) src(%arg8 : memref<80x128xbf16, #tpu.memory_space<vmem>>) dst(%dma_wait3A_56 : memref<10240x128xbf16, #tpu.memory_space<vmem_shared>>)
      tpu.yield
    }) : () -> ()
    %barrier3A_43 = arith.constant 0 : index
    tpu.barrier barrier_id(%barrier3A_43)
    "tpu.region"() ({
      %run_scoped3A_44 = tpu.sem_alloc : memref<!tpu.dma_semaphore, #tpu.memory_space<semaphore_mem>>
      %dma_start3A_45 = arith.constant 0 : i32
      %dma_start3A_46 = tpu.memref_slice %arg5[%arg0, %mul3A_8, %dma_start3A_45] : memref<2x10240x128xbf16, #tpu.memory_space<hbm>> -> memref<1x640x128xbf16, #tpu.memory_space<hbm>>
      %dma_start3A_47 = tpu.memref_squeeze %dma_start3A_46 : memref<1x640x128xbf16, #tpu.memory_space<hbm>> -> memref<640x128xbf16, #tpu.memory_space<hbm>>
      %dma_start3A_48 = arith.constant 0 : i32
      %dma_start3A_49 = tpu.memref_slice %arg10[%mul3A_8, %dma_start3A_48] : memref<10240x128xbf16, #tpu.memory_space<vmem_shared>> -> memref<640x128xbf16, #tpu.memory_space<vmem_shared>>
      tpu.enqueue_dma source(%dma_start3A_49 : memref<640x128xbf16, #tpu.memory_space<vmem_shared>>) target(%dma_start3A_47 : memref<640x128xbf16, #tpu.memory_space<hbm>>) target_semaphore(%run_scoped3A_44 : memref<!tpu.dma_semaphore, #tpu.memory_space<semaphore_mem>>)
      %dma_wait3A_50 = arith.constant 0 : i32
      %dma_wait3A_51 = tpu.memref_slice %arg5[%arg0, %mul3A_8, %dma_wait3A_50] : memref<2x10240x128xbf16, #tpu.memory_space<hbm>> -> memref<1x640x128xbf16, #tpu.memory_space<hbm>>
      %dma_wait3A_52 = tpu.memref_squeeze %dma_wait3A_51 : memref<1x640x128xbf16, #tpu.memory_space<hbm>> -> memref<640x128xbf16, #tpu.memory_space<hbm>>
      %dma_wait3A_53 = arith.constant 0 : i32
      %dma_wait3A_54 = tpu.memref_slice %arg10[%mul3A_8, %dma_wait3A_53] : memref<10240x128xbf16, #tpu.memory_space<vmem_shared>> -> memref<640x128xbf16, #tpu.memory_space<vmem_shared>>
      tpu.wait_dma2 semaphore(%run_scoped3A_44 : memref<!tpu.dma_semaphore, #tpu.memory_space<semaphore_mem>>) src(%dma_wait3A_54 : memref<640x128xbf16, #tpu.memory_space<vmem_shared>>) dst(%dma_wait3A_52 : memref<640x128xbf16, #tpu.memory_space<hbm>>)
      tpu.yield
    }) : () -> ()
    return
  }
}

#map = affine_map<(d0, d1) -> (0, 0)>
#map1 = affine_map<(d0, d1) -> (0, 0, 0)>
module attributes {stable_mosaic.version = 14 : i64} {
  func.func @body(%arg0: i32, %arg1: i32, %arg2: memref<10000x128xbf16, #tpu.memory_space<hbm>>, %arg3: memref<32x125x80xi32, #tpu.memory_space<hbm>>, %arg4: memref<32x125x80xi32, #tpu.memory_space<hbm>>, %arg5: memref<2x10240x128xbf16, #tpu.memory_space<hbm>>, %arg6: memref<125x80xi32, #tpu.memory_space<vmem>>, %arg7: memref<125x80xi32, #tpu.memory_space<vmem>>, %arg8: memref<80x128xbf16, #tpu.memory_space<vmem>>, %arg9: memref<80x128xbf16, #tpu.memory_space<vmem>>, %arg10: memref<10240x128xbf16, #tpu.memory_space<vmem_shared>>, %arg11: memref<!tpu.dma_semaphore, #tpu.memory_space<semaphore_mem>>, %arg12: memref<!tpu.dma_semaphore, #tpu.memory_space<semaphore_mem>>) attributes {dimension_semantics = [#tpu.dimension_semantics<core_parallel>, #tpu.dimension_semantics<subcore_parallel>], iteration_bounds = array<i64: 2, 16>, scalar_prefetch = 0 : i64, scratch_operands = 7 : i64, tpu.core_type = #tpu.core_type<sc_vector_subcore>, window_params = [{transform_indices = #map}, {transform_indices = #map1}, {transform_indices = #map1}, {transform_indices = #map1}]} {
    %mul3A = arith.constant 2 : i32
    %mul3A_0 = arith.muli %arg1, %mul3A : i32
    %add3A = arith.addi %mul3A_0, %arg0 : i32
    "tpu.region"() ({
      %run_scoped3A_44 = tpu.sem_alloc : memref<!tpu.dma_semaphore, #tpu.memory_space<semaphore_mem>>
      %dma_start3A_45 = arith.constant 0 : i32
      %dma_start3A_46 = arith.constant 0 : i32
      %dma_start3A_47 = tpu.memref_slice %arg3[%add3A, %dma_start3A_45, %dma_start3A_46] : memref<32x125x80xi32, #tpu.memory_space<hbm>> -> memref<1x125x80xi32, #tpu.memory_space<hbm>>
      %dma_start3A_48 = tpu.memref_squeeze %dma_start3A_47 : memref<1x125x80xi32, #tpu.memory_space<hbm>> -> memref<125x80xi32, #tpu.memory_space<hbm>>
      %dma_start3A_49 = arith.constant 0 : i32
      %dma_start3A_50 = arith.constant 0 : i32
      %dma_start3A_51 = tpu.memref_slice %arg3[%add3A, %dma_start3A_49, %dma_start3A_50] : memref<32x125x80xi32, #tpu.memory_space<hbm>> -> memref<1x125x80xi32, #tpu.memory_space<hbm>>
      %dma_start3A_52 = tpu.memref_squeeze %dma_start3A_51 : memref<1x125x80xi32, #tpu.memory_space<hbm>> -> memref<125x80xi32, #tpu.memory_space<hbm>>
      tpu.enqueue_dma source(%dma_start3A_52 : memref<125x80xi32, #tpu.memory_space<hbm>>) target(%arg6 : memref<125x80xi32, #tpu.memory_space<vmem>>) target_semaphore(%run_scoped3A_44 : memref<!tpu.dma_semaphore, #tpu.memory_space<semaphore_mem>>)
      %dma_wait3A_53 = arith.constant 0 : i32
      %dma_wait3A_54 = arith.constant 0 : i32
      %dma_wait3A_55 = tpu.memref_slice %arg3[%add3A, %dma_wait3A_53, %dma_wait3A_54] : memref<32x125x80xi32, #tpu.memory_space<hbm>> -> memref<1x125x80xi32, #tpu.memory_space<hbm>>
      %dma_wait3A_56 = tpu.memref_squeeze %dma_wait3A_55 : memref<1x125x80xi32, #tpu.memory_space<hbm>> -> memref<125x80xi32, #tpu.memory_space<hbm>>
      %dma_wait3A_57 = arith.constant 0 : i32
      %dma_wait3A_58 = arith.constant 0 : i32
      %dma_wait3A_59 = tpu.memref_slice %arg3[%add3A, %dma_wait3A_57, %dma_wait3A_58] : memref<32x125x80xi32, #tpu.memory_space<hbm>> -> memref<1x125x80xi32, #tpu.memory_space<hbm>>
      %dma_wait3A_60 = tpu.memref_squeeze %dma_wait3A_59 : memref<1x125x80xi32, #tpu.memory_space<hbm>> -> memref<125x80xi32, #tpu.memory_space<hbm>>
      tpu.wait_dma2 semaphore(%run_scoped3A_44 : memref<!tpu.dma_semaphore, #tpu.memory_space<semaphore_mem>>) src(%dma_wait3A_60 : memref<125x80xi32, #tpu.memory_space<hbm>>) dst(%arg6 : memref<125x80xi32, #tpu.memory_space<vmem>>)
      tpu.yield
    }) : () -> ()
    "tpu.region"() ({
      %run_scoped3A_44 = tpu.sem_alloc : memref<!tpu.dma_semaphore, #tpu.memory_space<semaphore_mem>>
      %dma_start3A_45 = arith.constant 0 : i32
      %dma_start3A_46 = arith.constant 0 : i32
      %dma_start3A_47 = tpu.memref_slice %arg4[%add3A, %dma_start3A_45, %dma_start3A_46] : memref<32x125x80xi32, #tpu.memory_space<hbm>> -> memref<1x125x80xi32, #tpu.memory_space<hbm>>
      %dma_start3A_48 = tpu.memref_squeeze %dma_start3A_47 : memref<1x125x80xi32, #tpu.memory_space<hbm>> -> memref<125x80xi32, #tpu.memory_space<hbm>>
      %dma_start3A_49 = arith.constant 0 : i32
      %dma_start3A_50 = arith.constant 0 : i32
      %dma_start3A_51 = tpu.memref_slice %arg4[%add3A, %dma_start3A_49, %dma_start3A_50] : memref<32x125x80xi32, #tpu.memory_space<hbm>> -> memref<1x125x80xi32, #tpu.memory_space<hbm>>
      %dma_start3A_52 = tpu.memref_squeeze %dma_start3A_51 : memref<1x125x80xi32, #tpu.memory_space<hbm>> -> memref<125x80xi32, #tpu.memory_space<hbm>>
      tpu.enqueue_dma source(%dma_start3A_52 : memref<125x80xi32, #tpu.memory_space<hbm>>) target(%arg7 : memref<125x80xi32, #tpu.memory_space<vmem>>) target_semaphore(%run_scoped3A_44 : memref<!tpu.dma_semaphore, #tpu.memory_space<semaphore_mem>>)
      %dma_wait3A_53 = arith.constant 0 : i32
      %dma_wait3A_54 = arith.constant 0 : i32
      %dma_wait3A_55 = tpu.memref_slice %arg4[%add3A, %dma_wait3A_53, %dma_wait3A_54] : memref<32x125x80xi32, #tpu.memory_space<hbm>> -> memref<1x125x80xi32, #tpu.memory_space<hbm>>
      %dma_wait3A_56 = tpu.memref_squeeze %dma_wait3A_55 : memref<1x125x80xi32, #tpu.memory_space<hbm>> -> memref<125x80xi32, #tpu.memory_space<hbm>>
      %dma_wait3A_57 = arith.constant 0 : i32
      %dma_wait3A_58 = arith.constant 0 : i32
      %dma_wait3A_59 = tpu.memref_slice %arg4[%add3A, %dma_wait3A_57, %dma_wait3A_58] : memref<32x125x80xi32, #tpu.memory_space<hbm>> -> memref<1x125x80xi32, #tpu.memory_space<hbm>>
      %dma_wait3A_60 = tpu.memref_squeeze %dma_wait3A_59 : memref<1x125x80xi32, #tpu.memory_space<hbm>> -> memref<125x80xi32, #tpu.memory_space<hbm>>
      tpu.wait_dma2 semaphore(%run_scoped3A_44 : memref<!tpu.dma_semaphore, #tpu.memory_space<semaphore_mem>>) src(%dma_wait3A_60 : memref<125x80xi32, #tpu.memory_space<hbm>>) dst(%arg7 : memref<125x80xi32, #tpu.memory_space<vmem>>)
      tpu.yield
    }) : () -> ()
    %broadcast_in_dim3A = arith.constant 0.000000e+00 : bf16
    %broadcast_in_dim3A_1 = vector.broadcast %broadcast_in_dim3A : bf16 to vector<32xbf16>
    %scan3A = arith.constant 0 : i32
    %scan3A_2 = arith.constant 0 : i32
    %scan3A_3 = arith.constant 80 : i32
    %scan3A_4 = arith.addi %scan3A_2, %scan3A_3 : i32
    %scan3A_5 = arith.constant 1 : i32
    scf.for %scan3A_44 = %scan3A_2 to %scan3A_4 step %scan3A_5  : i32 {
      %swap3A = arith.index_cast %scan3A_44 : i32 to index
      %swap3A_45 = arith.constant 0 : index
      %swap3A_46 = tpu.vector_load %arg8[%swap3A, %swap3A_45] {strides = array<i32>} : memref<80x128xbf16, #tpu.memory_space<vmem>>, vector<1x32xbf16>,
      %swap3A_47 = vector.shape_cast %swap3A_46 : vector<1x32xbf16> to vector<32xbf16>
      %swap3A_48 = vector.shape_cast %broadcast_in_dim3A_1 : vector<32xbf16> to vector<1x32xbf16>
      tpu.vector_store %arg8[%swap3A, %swap3A_45], %swap3A_48 {strides = array<i32>} : memref<80x128xbf16, #tpu.memory_space<vmem>>, vector<1x32xbf16>,
      %swap3A_49 = arith.index_cast %scan3A_44 : i32 to index
      %swap3A_50 = arith.constant 32 : index
      %swap3A_51 = tpu.vector_load %arg8[%swap3A_49, %swap3A_50] {strides = array<i32>} : memref<80x128xbf16, #tpu.memory_space<vmem>>, vector<1x32xbf16>,
      %swap3A_52 = vector.shape_cast %swap3A_51 : vector<1x32xbf16> to vector<32xbf16>
      %swap3A_53 = vector.shape_cast %broadcast_in_dim3A_1 : vector<32xbf16> to vector<1x32xbf16>
      tpu.vector_store %arg8[%swap3A_49, %swap3A_50], %swap3A_53 {strides = array<i32>} : memref<80x128xbf16, #tpu.memory_space<vmem>>, vector<1x32xbf16>,
      %swap3A_54 = arith.index_cast %scan3A_44 : i32 to index
      %swap3A_55 = arith.constant 64 : index
      %swap3A_56 = tpu.vector_load %arg8[%swap3A_54, %swap3A_55] {strides = array<i32>} : memref<80x128xbf16, #tpu.memory_space<vmem>>, vector<1x32xbf16>,
      %swap3A_57 = vector.shape_cast %swap3A_56 : vector<1x32xbf16> to vector<32xbf16>
      %swap3A_58 = vector.shape_cast %broadcast_in_dim3A_1 : vector<32xbf16> to vector<1x32xbf16>
      tpu.vector_store %arg8[%swap3A_54, %swap3A_55], %swap3A_58 {strides = array<i32>} : memref<80x128xbf16, #tpu.memory_space<vmem>>, vector<1x32xbf16>,
      %swap3A_59 = arith.index_cast %scan3A_44 : i32 to index
      %swap3A_60 = arith.constant 96 : index
      %swap3A_61 = tpu.vector_load %arg8[%swap3A_59, %swap3A_60] {strides = array<i32>} : memref<80x128xbf16, #tpu.memory_space<vmem>>, vector<1x32xbf16>,
      %swap3A_62 = vector.shape_cast %swap3A_61 : vector<1x32xbf16> to vector<32xbf16>
      %swap3A_63 = vector.shape_cast %broadcast_in_dim3A_1 : vector<32xbf16> to vector<1x32xbf16>
      tpu.vector_store %arg8[%swap3A_59, %swap3A_60], %swap3A_63 {strides = array<i32>} : memref<80x128xbf16, #tpu.memory_space<vmem>>, vector<1x32xbf16>,
    }
    %scan3A_6 = arith.constant 80 : i32
    %mul3A_7 = arith.constant 640 : i32
    %mul3A_8 = arith.muli %arg1, %mul3A_7 : i32
    %add3A_9 = arith.constant 0 : i32
    %add3A_10 = arith.addi %mul3A_8, %add3A_9 : i32
    "tpu.region"() ({
      %run_scoped3A_44 = tpu.sem_alloc : memref<!tpu.dma_semaphore, #tpu.memory_space<semaphore_mem>>
      %dma_start3A_45 = arith.constant 0 : i32
      %dma_start3A_46 = tpu.memref_slice %arg10[%add3A_10, %dma_start3A_45] : memref<10240x128xbf16, #tpu.memory_space<vmem_shared>> -> memref<80x128xbf16, #tpu.memory_space<vmem_shared>>
      %dma_start3A_47 = arith.constant 0 : i32
      %dma_start3A_48 = tpu.memref_slice %arg10[%add3A_10, %dma_start3A_47] : memref<10240x128xbf16, #tpu.memory_space<vmem_shared>> -> memref<80x128xbf16, #tpu.memory_space<vmem_shared>>
      tpu.enqueue_dma source(%arg8 : memref<80x128xbf16, #tpu.memory_space<vmem>>) target(%dma_start3A_48 : memref<80x128xbf16, #tpu.memory_space<vmem_shared>>) target_semaphore(%run_scoped3A_44 : memref<!tpu.dma_semaphore, #tpu.memory_space<semaphore_mem>>)
      %dma_wait3A_49 = arith.constant 0 : i32
      %dma_wait3A_50 = tpu.memref_slice %arg10[%add3A_10, %dma_wait3A_49] : memref<10240x128xbf16, #tpu.memory_space<vmem_shared>> -> memref<80x128xbf16, #tpu.memory_space<vmem_shared>>
      %dma_wait3A_51 = arith.constant 0 : i32
      %dma_wait3A_52 = tpu.memref_slice %arg10[%add3A_10, %dma_wait3A_51] : memref<10240x128xbf16, #tpu.memory_space<vmem_shared>> -> memref<80x128xbf16, #tpu.memory_space<vmem_shared>>
      tpu.wait_dma2 semaphore(%run_scoped3A_44 : memref<!tpu.dma_semaphore, #tpu.memory_space<semaphore_mem>>) src(%arg8 : memref<80x128xbf16, #tpu.memory_space<vmem>>) dst(%dma_wait3A_52 : memref<80x128xbf16, #tpu.memory_space<vmem_shared>>)
      tpu.yield
    }) : () -> ()
    %add3A_11 = arith.constant 80 : i32
    %add3A_12 = arith.addi %mul3A_8, %add3A_11 : i32
    "tpu.region"() ({
      %run_scoped3A_44 = tpu.sem_alloc : memref<!tpu.dma_semaphore, #tpu.memory_space<semaphore_mem>>
      %dma_start3A_45 = arith.constant 0 : i32
      %dma_start3A_46 = tpu.memref_slice %arg10[%add3A_12, %dma_start3A_45] : memref<10240x128xbf16, #tpu.memory_space<vmem_shared>> -> memref<80x128xbf16, #tpu.memory_space<vmem_shared>>
      %dma_start3A_47 = arith.constant 0 : i32
      %dma_start3A_48 = tpu.memref_slice %arg10[%add3A_12, %dma_start3A_47] : memref<10240x128xbf16, #tpu.memory_space<vmem_shared>> -> memref<80x128xbf16, #tpu.memory_space<vmem_shared>>
      tpu.enqueue_dma source(%arg8 : memref<80x128xbf16, #tpu.memory_space<vmem>>) target(%dma_start3A_48 : memref<80x128xbf16, #tpu.memory_space<vmem_shared>>) target_semaphore(%run_scoped3A_44 : memref<!tpu.dma_semaphore, #tpu.memory_space<semaphore_mem>>)
      %dma_wait3A_49 = arith.constant 0 : i32
      %dma_wait3A_50 = tpu.memref_slice %arg10[%add3A_12, %dma_wait3A_49] : memref<10240x128xbf16, #tpu.memory_space<vmem_shared>> -> memref<80x128xbf16, #tpu.memory_space<vmem_shared>>
      %dma_wait3A_51 = arith.constant 0 : i32
      %dma_wait3A_52 = tpu.memref_slice %arg10[%add3A_12, %dma_wait3A_51] : memref<10240x128xbf16, #tpu.memory_space<vmem_shared>> -> memref<80x128xbf16, #tpu.memory_space<vmem_shared>>
      tpu.wait_dma2 semaphore(%run_scoped3A_44 : memref<!tpu.dma_semaphore, #tpu.memory_space<semaphore_mem>>) src(%arg8 : memref<80x128xbf16, #tpu.memory_space<vmem>>) dst(%dma_wait3A_52 : memref<80x128xbf16, #tpu.memory_space<vmem_shared>>)
      tpu.yield
    }) : () -> ()
    %add3A_13 = arith.constant 160 : i32
    %add3A_14 = arith.addi %mul3A_8, %add3A_13 : i32
    "tpu.region"() ({
      %run_scoped3A_44 = tpu.sem_alloc : memref<!tpu.dma_semaphore, #tpu.memory_space<semaphore_mem>>
      %dma_start3A_45 = arith.constant 0 : i32
      %dma_start3A_46 = tpu.memref_slice %arg10[%add3A_14, %dma_start3A_45] : memref<10240x128xbf16, #tpu.memory_space<vmem_shared>> -> memref<80x128xbf16, #tpu.memory_space<vmem_shared>>
      %dma_start3A_47 = arith.constant 0 : i32
      %dma_start3A_48 = tpu.memref_slice %arg10[%add3A_14, %dma_start3A_47] : memref<10240x128xbf16, #tpu.memory_space<vmem_shared>> -> memref<80x128xbf16, #tpu.memory_space<vmem_shared>>
      tpu.enqueue_dma source(%arg8 : memref<80x128xbf16, #tpu.memory_space<vmem>>) target(%dma_start3A_48 : memref<80x128xbf16, #tpu.memory_space<vmem_shared>>) target_semaphore(%run_scoped3A_44 : memref<!tpu.dma_semaphore, #tpu.memory_space<semaphore_mem>>)
      %dma_wait3A_49 = arith.constant 0 : i32
      %dma_wait3A_50 = tpu.memref_slice %arg10[%add3A_14, %dma_wait3A_49] : memref<10240x128xbf16, #tpu.memory_space<vmem_shared>> -> memref<80x128xbf16, #tpu.memory_space<vmem_shared>>
      %dma_wait3A_51 = arith.constant 0 : i32
      %dma_wait3A_52 = tpu.memref_slice %arg10[%add3A_14, %dma_wait3A_51] : memref<10240x128xbf16, #tpu.memory_space<vmem_shared>> -> memref<80x128xbf16, #tpu.memory_space<vmem_shared>>
      tpu.wait_dma2 semaphore(%run_scoped3A_44 : memref<!tpu.dma_semaphore, #tpu.memory_space<semaphore_mem>>) src(%arg8 : memref<80x128xbf16, #tpu.memory_space<vmem>>) dst(%dma_wait3A_52 : memref<80x128xbf16, #tpu.memory_space<vmem_shared>>)
      tpu.yield
    }) : () -> ()
    %add3A_15 = arith.constant 240 : i32
    %add3A_16 = arith.addi %mul3A_8, %add3A_15 : i32
    "tpu.region"() ({
      %run_scoped3A_44 = tpu.sem_alloc : memref<!tpu.dma_semaphore, #tpu.memory_space<semaphore_mem>>
      %dma_start3A_45 = arith.constant 0 : i32
      %dma_start3A_46 = tpu.memref_slice %arg10[%add3A_16, %dma_start3A_45] : memref<10240x128xbf16, #tpu.memory_space<vmem_shared>> -> memref<80x128xbf16, #tpu.memory_space<vmem_shared>>
      %dma_start3A_47 = arith.constant 0 : i32
      %dma_start3A_48 = tpu.memref_slice %arg10[%add3A_16, %dma_start3A_47] : memref<10240x128xbf16, #tpu.memory_space<vmem_shared>> -> memref<80x128xbf16, #tpu.memory_space<vmem_shared>>
      tpu.enqueue_dma source(%arg8 : memref<80x128xbf16, #tpu.memory_space<vmem>>) target(%dma_start3A_48 : memref<80x128xbf16, #tpu.memory_space<vmem_shared>>) target_semaphore(%run_scoped3A_44 : memref<!tpu.dma_semaphore, #tpu.memory_space<semaphore_mem>>)
      %dma_wait3A_49 = arith.constant 0 : i32
      %dma_wait3A_50 = tpu.memref_slice %arg10[%add3A_16, %dma_wait3A_49] : memref<10240x128xbf16, #tpu.memory_space<vmem_shared>> -> memref<80x128xbf16, #tpu.memory_space<vmem_shared>>
      %dma_wait3A_51 = arith.constant 0 : i32
      %dma_wait3A_52 = tpu.memref_slice %arg10[%add3A_16, %dma_wait3A_51] : memref<10240x128xbf16, #tpu.memory_space<vmem_shared>> -> memref<80x128xbf16, #tpu.memory_space<vmem_shared>>
      tpu.wait_dma2 semaphore(%run_scoped3A_44 : memref<!tpu.dma_semaphore, #tpu.memory_space<semaphore_mem>>) src(%arg8 : memref<80x128xbf16, #tpu.memory_space<vmem>>) dst(%dma_wait3A_52 : memref<80x128xbf16, #tpu.memory_space<vmem_shared>>)
      tpu.yield
    }) : () -> ()
    %add3A_17 = arith.constant 320 : i32
    %add3A_18 = arith.addi %mul3A_8, %add3A_17 : i32
    "tpu.region"() ({
      %run_scoped3A_44 = tpu.sem_alloc : memref<!tpu.dma_semaphore, #tpu.memory_space<semaphore_mem>>
      %dma_start3A_45 = arith.constant 0 : i32
      %dma_start3A_46 = tpu.memref_slice %arg10[%add3A_18, %dma_start3A_45] : memref<10240x128xbf16, #tpu.memory_space<vmem_shared>> -> memref<80x128xbf16, #tpu.memory_space<vmem_shared>>
      %dma_start3A_47 = arith.constant 0 : i32
      %dma_start3A_48 = tpu.memref_slice %arg10[%add3A_18, %dma_start3A_47] : memref<10240x128xbf16, #tpu.memory_space<vmem_shared>> -> memref<80x128xbf16, #tpu.memory_space<vmem_shared>>
      tpu.enqueue_dma source(%arg8 : memref<80x128xbf16, #tpu.memory_space<vmem>>) target(%dma_start3A_48 : memref<80x128xbf16, #tpu.memory_space<vmem_shared>>) target_semaphore(%run_scoped3A_44 : memref<!tpu.dma_semaphore, #tpu.memory_space<semaphore_mem>>)
      %dma_wait3A_49 = arith.constant 0 : i32
      %dma_wait3A_50 = tpu.memref_slice %arg10[%add3A_18, %dma_wait3A_49] : memref<10240x128xbf16, #tpu.memory_space<vmem_shared>> -> memref<80x128xbf16, #tpu.memory_space<vmem_shared>>
      %dma_wait3A_51 = arith.constant 0 : i32
      %dma_wait3A_52 = tpu.memref_slice %arg10[%add3A_18, %dma_wait3A_51] : memref<10240x128xbf16, #tpu.memory_space<vmem_shared>> -> memref<80x128xbf16, #tpu.memory_space<vmem_shared>>
      tpu.wait_dma2 semaphore(%run_scoped3A_44 : memref<!tpu.dma_semaphore, #tpu.memory_space<semaphore_mem>>) src(%arg8 : memref<80x128xbf16, #tpu.memory_space<vmem>>) dst(%dma_wait3A_52 : memref<80x128xbf16, #tpu.memory_space<vmem_shared>>)
      tpu.yield
    }) : () -> ()
    %add3A_19 = arith.constant 400 : i32
    %add3A_20 = arith.addi %mul3A_8, %add3A_19 : i32
    "tpu.region"() ({
      %run_scoped3A_44 = tpu.sem_alloc : memref<!tpu.dma_semaphore, #tpu.memory_space<semaphore_mem>>
      %dma_start3A_45 = arith.constant 0 : i32
      %dma_start3A_46 = tpu.memref_slice %arg10[%add3A_20, %dma_start3A_45] : memref<10240x128xbf16, #tpu.memory_space<vmem_shared>> -> memref<80x128xbf16, #tpu.memory_space<vmem_shared>>
      %dma_start3A_47 = arith.constant 0 : i32
      %dma_start3A_48 = tpu.memref_slice %arg10[%add3A_20, %dma_start3A_47] : memref<10240x128xbf16, #tpu.memory_space<vmem_shared>> -> memref<80x128xbf16, #tpu.memory_space<vmem_shared>>
      tpu.enqueue_dma source(%arg8 : memref<80x128xbf16, #tpu.memory_space<vmem>>) target(%dma_start3A_48 : memref<80x128xbf16, #tpu.memory_space<vmem_shared>>) target_semaphore(%run_scoped3A_44 : memref<!tpu.dma_semaphore, #tpu.memory_space<semaphore_mem>>)
      %dma_wait3A_49 = arith.constant 0 : i32
      %dma_wait3A_50 = tpu.memref_slice %arg10[%add3A_20, %dma_wait3A_49] : memref<10240x128xbf16, #tpu.memory_space<vmem_shared>> -> memref<80x128xbf16, #tpu.memory_space<vmem_shared>>
      %dma_wait3A_51 = arith.constant 0 : i32
      %dma_wait3A_52 = tpu.memref_slice %arg10[%add3A_20, %dma_wait3A_51] : memref<10240x128xbf16, #tpu.memory_space<vmem_shared>> -> memref<80x128xbf16, #tpu.memory_space<vmem_shared>>
      tpu.wait_dma2 semaphore(%run_scoped3A_44 : memref<!tpu.dma_semaphore, #tpu.memory_space<semaphore_mem>>) src(%arg8 : memref<80x128xbf16, #tpu.memory_space<vmem>>) dst(%dma_wait3A_52 : memref<80x128xbf16, #tpu.memory_space<vmem_shared>>)
      tpu.yield
    }) : () -> ()
    %add3A_21 = arith.constant 480 : i32
    %add3A_22 = arith.addi %mul3A_8, %add3A_21 : i32
    "tpu.region"() ({
      %run_scoped3A_44 = tpu.sem_alloc : memref<!tpu.dma_semaphore, #tpu.memory_space<semaphore_mem>>
      %dma_start3A_45 = arith.constant 0 : i32
      %dma_start3A_46 = tpu.memref_slice %arg10[%add3A_22, %dma_start3A_45] : memref<10240x128xbf16, #tpu.memory_space<vmem_shared>> -> memref<80x128xbf16, #tpu.memory_space<vmem_shared>>
      %dma_start3A_47 = arith.constant 0 : i32
      %dma_start3A_48 = tpu.memref_slice %arg10[%add3A_22, %dma_start3A_47] : memref<10240x128xbf16, #tpu.memory_space<vmem_shared>> -> memref<80x128xbf16, #tpu.memory_space<vmem_shared>>
      tpu.enqueue_dma source(%arg8 : memref<80x128xbf16, #tpu.memory_space<vmem>>) target(%dma_start3A_48 : memref<80x128xbf16, #tpu.memory_space<vmem_shared>>) target_semaphore(%run_scoped3A_44 : memref<!tpu.dma_semaphore, #tpu.memory_space<semaphore_mem>>)
      %dma_wait3A_49 = arith.constant 0 : i32
      %dma_wait3A_50 = tpu.memref_slice %arg10[%add3A_22, %dma_wait3A_49] : memref<10240x128xbf16, #tpu.memory_space<vmem_shared>> -> memref<80x128xbf16, #tpu.memory_space<vmem_shared>>
      %dma_wait3A_51 = arith.constant 0 : i32
      %dma_wait3A_52 = tpu.memref_slice %arg10[%add3A_22, %dma_wait3A_51] : memref<10240x128xbf16, #tpu.memory_space<vmem_shared>> -> memref<80x128xbf16, #tpu.memory_space<vmem_shared>>
      tpu.wait_dma2 semaphore(%run_scoped3A_44 : memref<!tpu.dma_semaphore, #tpu.memory_space<semaphore_mem>>) src(%arg8 : memref<80x128xbf16, #tpu.memory_space<vmem>>) dst(%dma_wait3A_52 : memref<80x128xbf16, #tpu.memory_space<vmem_shared>>)
      tpu.yield
    }) : () -> ()
    %add3A_23 = arith.constant 560 : i32
    %add3A_24 = arith.addi %mul3A_8, %add3A_23 : i32
    "tpu.region"() ({
      %run_scoped3A_44 = tpu.sem_alloc : memref<!tpu.dma_semaphore, #tpu.memory_space<semaphore_mem>>
      %dma_start3A_45 = arith.constant 0 : i32
      %dma_start3A_46 = tpu.memref_slice %arg10[%add3A_24, %dma_start3A_45] : memref<10240x128xbf16, #tpu.memory_space<vmem_shared>> -> memref<80x128xbf16, #tpu.memory_space<vmem_shared>>
      %dma_start3A_47 = arith.constant 0 : i32
      %dma_start3A_48 = tpu.memref_slice %arg10[%add3A_24, %dma_start3A_47] : memref<10240x128xbf16, #tpu.memory_space<vmem_shared>> -> memref<80x128xbf16, #tpu.memory_space<vmem_shared>>
      tpu.enqueue_dma source(%arg8 : memref<80x128xbf16, #tpu.memory_space<vmem>>) target(%dma_start3A_48 : memref<80x128xbf16, #tpu.memory_space<vmem_shared>>) target_semaphore(%run_scoped3A_44 : memref<!tpu.dma_semaphore, #tpu.memory_space<semaphore_mem>>)
      %dma_wait3A_49 = arith.constant 0 : i32
      %dma_wait3A_50 = tpu.memref_slice %arg10[%add3A_24, %dma_wait3A_49] : memref<10240x128xbf16, #tpu.memory_space<vmem_shared>> -> memref<80x128xbf16, #tpu.memory_space<vmem_shared>>
      %dma_wait3A_51 = arith.constant 0 : i32
      %dma_wait3A_52 = tpu.memref_slice %arg10[%add3A_24, %dma_wait3A_51] : memref<10240x128xbf16, #tpu.memory_space<vmem_shared>> -> memref<80x128xbf16, #tpu.memory_space<vmem_shared>>
      tpu.wait_dma2 semaphore(%run_scoped3A_44 : memref<!tpu.dma_semaphore, #tpu.memory_space<semaphore_mem>>) src(%arg8 : memref<80x128xbf16, #tpu.memory_space<vmem>>) dst(%dma_wait3A_52 : memref<80x128xbf16, #tpu.memory_space<vmem_shared>>)
      tpu.yield
    }) : () -> ()
    %barrier3A = arith.constant 0 : index
    tpu.barrier barrier_id(%barrier3A)
    %dma_start3A = arith.constant 0 : i32
    %dma_start3A_25 = arith.constant 0 : i32
    %dma_start3A_26 = tpu.memref_slice %arg6[%dma_start3A, %dma_start3A_25] : memref<125x80xi32, #tpu.memory_space<vmem>> -> memref<1x80xi32, #tpu.memory_space<vmem>>
    %dma_start3A_27 = tpu.memref_squeeze %dma_start3A_26 : memref<1x80xi32, #tpu.memory_space<vmem>> -> memref<80xi32, #tpu.memory_space<vmem>>
    %dma_start3A_28 = arith.constant 0 : i32
    %dma_start3A_29 = arith.constant 0 : i32
    %dma_start3A_30 = tpu.memref_slice %arg2[%dma_start3A_28, %dma_start3A_29] : memref<10000x128xbf16, #tpu.memory_space<hbm>> -> memref<10000x128xbf16, #tpu.memory_space<hbm>>
    tpu.enqueue_indirect_dma source(%dma_start3A_30 : memref<10000x128xbf16, #tpu.memory_space<hbm>>) target(%arg8 : memref<80x128xbf16, #tpu.memory_space<vmem>>) offsets(%dma_start3A_27 : memref<80xi32, #tpu.memory_space<vmem>>) semaphore(%arg11 : memref<!tpu.dma_semaphore, #tpu.memory_space<semaphore_mem>>)
    %scan3A_31 = arith.constant 0 : i32
    %scan3A_32 = arith.constant 0 : i32
    %scan3A_33 = arith.constant 62 : i32
    %scan3A_34 = arith.addi %scan3A_32, %scan3A_33 : i32
    %scan3A_35 = arith.constant 1 : i32
    scf.for %scan3A_44 = %scan3A_32 to %scan3A_34 step %scan3A_35  : i32 {
      %mul3A_45 = arith.constant 2 : i32
      %mul3A_46 = arith.muli %mul3A_45, %scan3A_44 : i32
      %dma_wait3A_47 = arith.constant 0 : i32
      %dma_wait3A_48 = tpu.memref_slice %arg6[%mul3A_46, %dma_wait3A_47] : memref<125x80xi32, #tpu.memory_space<vmem>> -> memref<1x80xi32, #tpu.memory_space<vmem>>
      %dma_wait3A_49 = tpu.memref_squeeze %dma_wait3A_48 : memref<1x80xi32, #tpu.memory_space<vmem>> -> memref<80xi32, #tpu.memory_space<vmem>>
      %dma_wait3A_50 = arith.constant 0 : i32
      %dma_wait3A_51 = arith.constant 0 : i32
      %dma_wait3A_52 = tpu.memref_slice %arg2[%dma_wait3A_50, %dma_wait3A_51] : memref<10000x128xbf16, #tpu.memory_space<hbm>> -> memref<10000x128xbf16, #tpu.memory_space<hbm>>
      tpu.wait_indirect_dma semaphore(%arg11 : memref<!tpu.dma_semaphore, #tpu.memory_space<semaphore_mem>>) src(%dma_wait3A_52 : memref<10000x128xbf16, #tpu.memory_space<hbm>>) dst(%arg8 : memref<80x128xbf16, #tpu.memory_space<vmem>>)
      %add3A_53 = arith.constant 1 : i32
      %add3A_54 = arith.addi %mul3A_46, %add3A_53 : i32
      %dma_start3A_55 = arith.constant 0 : i32
      %dma_start3A_56 = tpu.memref_slice %arg6[%add3A_54, %dma_start3A_55] : memref<125x80xi32, #tpu.memory_space<vmem>> -> memref<1x80xi32, #tpu.memory_space<vmem>>
      %dma_start3A_57 = tpu.memref_squeeze %dma_start3A_56 : memref<1x80xi32, #tpu.memory_space<vmem>> -> memref<80xi32, #tpu.memory_space<vmem>>
      %dma_start3A_58 = arith.constant 0 : i32
      %dma_start3A_59 = arith.constant 0 : i32
      %dma_start3A_60 = tpu.memref_slice %arg2[%dma_start3A_58, %dma_start3A_59] : memref<10000x128xbf16, #tpu.memory_space<hbm>> -> memref<10000x128xbf16, #tpu.memory_space<hbm>>
      tpu.enqueue_indirect_dma source(%dma_start3A_60 : memref<10000x128xbf16, #tpu.memory_space<hbm>>) target(%arg9 : memref<80x128xbf16, #tpu.memory_space<vmem>>) offsets(%dma_start3A_57 : memref<80xi32, #tpu.memory_space<vmem>>) semaphore(%arg12 : memref<!tpu.dma_semaphore, #tpu.memory_space<semaphore_mem>>)
      "tpu.region"() ({
        %run_scoped3A_81 = tpu.sem_alloc : memref<!tpu.dma_semaphore, #tpu.memory_space<semaphore_mem>>
        %dma_start3A_82 = arith.constant 0 : i32
        %dma_start3A_83 = tpu.memref_slice %arg7[%mul3A_46, %dma_start3A_82] : memref<125x80xi32, #tpu.memory_space<vmem>> -> memref<1x80xi32, #tpu.memory_space<vmem>>
        %dma_start3A_84 = tpu.memref_squeeze %dma_start3A_83 : memref<1x80xi32, #tpu.memory_space<vmem>> -> memref<80xi32, #tpu.memory_space<vmem>>
        %dma_start3A_85 = arith.constant 0 : i32
        %dma_start3A_86 = arith.constant 0 : i32
        %dma_start3A_87 = tpu.memref_slice %arg10[%dma_start3A_85, %dma_start3A_86] : memref<10240x128xbf16, #tpu.memory_space<vmem_shared>> -> memref<10240x128xbf16, #tpu.memory_space<vmem_shared>>
        tpu.enqueue_indirect_dma source(%arg8 : memref<80x128xbf16, #tpu.memory_space<vmem>>) target(%dma_start3A_87 : memref<10240x128xbf16, #tpu.memory_space<vmem_shared>>) offsets(%dma_start3A_84 : memref<80xi32, #tpu.memory_space<vmem>>) semaphore(%run_scoped3A_81 : memref<!tpu.dma_semaphore, #tpu.memory_space<semaphore_mem>>) {add = true}
        %dma_wait3A_88 = arith.constant 0 : i32
        %dma_wait3A_89 = tpu.memref_slice %arg7[%mul3A_46, %dma_wait3A_88] : memref<125x80xi32, #tpu.memory_space<vmem>> -> memref<1x80xi32, #tpu.memory_space<vmem>>
        %dma_wait3A_90 = tpu.memref_squeeze %dma_wait3A_89 : memref<1x80xi32, #tpu.memory_space<vmem>> -> memref<80xi32, #tpu.memory_space<vmem>>
        %dma_wait3A_91 = arith.constant 0 : i32
        %dma_wait3A_92 = arith.constant 0 : i32
        %dma_wait3A_93 = tpu.memref_slice %arg10[%dma_wait3A_91, %dma_wait3A_92] : memref<10240x128xbf16, #tpu.memory_space<vmem_shared>> -> memref<10240x128xbf16, #tpu.memory_space<vmem_shared>>
        tpu.wait_indirect_dma semaphore(%run_scoped3A_81 : memref<!tpu.dma_semaphore, #tpu.memory_space<semaphore_mem>>) src(%arg8 : memref<80x128xbf16, #tpu.memory_space<vmem>>) dst(%dma_wait3A_93 : memref<10240x128xbf16, #tpu.memory_space<vmem_shared>>)
        tpu.yield
      }) : () -> ()
      %add3A_61 = arith.constant 1 : i32
      %add3A_62 = arith.addi %mul3A_46, %add3A_61 : i32
      %dma_wait3A_63 = arith.constant 0 : i32
      %dma_wait3A_64 = tpu.memref_slice %arg6[%add3A_62, %dma_wait3A_63] : memref<125x80xi32, #tpu.memory_space<vmem>> -> memref<1x80xi32, #tpu.memory_space<vmem>>
      %dma_wait3A_65 = tpu.memref_squeeze %dma_wait3A_64 : memref<1x80xi32, #tpu.memory_space<vmem>> -> memref<80xi32, #tpu.memory_space<vmem>>
      %dma_wait3A_66 = arith.constant 0 : i32
      %dma_wait3A_67 = arith.constant 0 : i32
      %dma_wait3A_68 = tpu.memref_slice %arg2[%dma_wait3A_66, %dma_wait3A_67] : memref<10000x128xbf16, #tpu.memory_space<hbm>> -> memref<10000x128xbf16, #tpu.memory_space<hbm>>
      tpu.wait_indirect_dma semaphore(%arg12 : memref<!tpu.dma_semaphore, #tpu.memory_space<semaphore_mem>>) src(%dma_wait3A_68 : memref<10000x128xbf16, #tpu.memory_space<hbm>>) dst(%arg9 : memref<80x128xbf16, #tpu.memory_space<vmem>>)
      %add3A_69 = arith.constant 2 : i32
      %add3A_70 = arith.addi %mul3A_46, %add3A_69 : i32
      %dma_start3A_71 = arith.constant 0 : i32
      %dma_start3A_72 = tpu.memref_slice %arg6[%add3A_70, %dma_start3A_71] : memref<125x80xi32, #tpu.memory_space<vmem>> -> memref<1x80xi32, #tpu.memory_space<vmem>>
      %dma_start3A_73 = tpu.memref_squeeze %dma_start3A_72 : memref<1x80xi32, #tpu.memory_space<vmem>> -> memref<80xi32, #tpu.memory_space<vmem>>
      %dma_start3A_74 = arith.constant 0 : i32
      %dma_start3A_75 = arith.constant 0 : i32
      %dma_start3A_76 = tpu.memref_slice %arg2[%dma_start3A_74, %dma_start3A_75] : memref<10000x128xbf16, #tpu.memory_space<hbm>> -> memref<10000x128xbf16, #tpu.memory_space<hbm>>
      tpu.enqueue_indirect_dma source(%dma_start3A_76 : memref<10000x128xbf16, #tpu.memory_space<hbm>>) target(%arg8 : memref<80x128xbf16, #tpu.memory_space<vmem>>) offsets(%dma_start3A_73 : memref<80xi32, #tpu.memory_space<vmem>>) semaphore(%arg11 : memref<!tpu.dma_semaphore, #tpu.memory_space<semaphore_mem>>)
      %add3A_77 = arith.constant 1 : i32
      %add3A_78 = arith.addi %mul3A_46, %add3A_77 : i32
      "tpu.region"() ({
        %run_scoped3A_81 = tpu.sem_alloc : memref<!tpu.dma_semaphore, #tpu.memory_space<semaphore_mem>>
        %dma_start3A_82 = arith.constant 0 : i32
        %dma_start3A_83 = tpu.memref_slice %arg7[%add3A_78, %dma_start3A_82] : memref<125x80xi32, #tpu.memory_space<vmem>> -> memref<1x80xi32, #tpu.memory_space<vmem>>
        %dma_start3A_84 = tpu.memref_squeeze %dma_start3A_83 : memref<1x80xi32, #tpu.memory_space<vmem>> -> memref<80xi32, #tpu.memory_space<vmem>>
        %dma_start3A_85 = arith.constant 0 : i32
        %dma_start3A_86 = arith.constant 0 : i32
        %dma_start3A_87 = tpu.memref_slice %arg10[%dma_start3A_85, %dma_start3A_86] : memref<10240x128xbf16, #tpu.memory_space<vmem_shared>> -> memref<10240x128xbf16, #tpu.memory_space<vmem_shared>>
        tpu.enqueue_indirect_dma source(%arg9 : memref<80x128xbf16, #tpu.memory_space<vmem>>) target(%dma_start3A_87 : memref<10240x128xbf16, #tpu.memory_space<vmem_shared>>) offsets(%dma_start3A_84 : memref<80xi32, #tpu.memory_space<vmem>>) semaphore(%run_scoped3A_81 : memref<!tpu.dma_semaphore, #tpu.memory_space<semaphore_mem>>) {add = true}
        %dma_wait3A_88 = arith.constant 0 : i32
        %dma_wait3A_89 = tpu.memref_slice %arg7[%add3A_78, %dma_wait3A_88] : memref<125x80xi32, #tpu.memory_space<vmem>> -> memref<1x80xi32, #tpu.memory_space<vmem>>
        %dma_wait3A_90 = tpu.memref_squeeze %dma_wait3A_89 : memref<1x80xi32, #tpu.memory_space<vmem>> -> memref<80xi32, #tpu.memory_space<vmem>>
        %dma_wait3A_91 = arith.constant 0 : i32
        %dma_wait3A_92 = arith.constant 0 : i32
        %dma_wait3A_93 = tpu.memref_slice %arg10[%dma_wait3A_91, %dma_wait3A_92] : memref<10240x128xbf16, #tpu.memory_space<vmem_shared>> -> memref<10240x128xbf16, #tpu.memory_space<vmem_shared>>
        tpu.wait_indirect_dma semaphore(%run_scoped3A_81 : memref<!tpu.dma_semaphore, #tpu.memory_space<semaphore_mem>>) src(%arg9 : memref<80x128xbf16, #tpu.memory_space<vmem>>) dst(%dma_wait3A_93 : memref<10240x128xbf16, #tpu.memory_space<vmem_shared>>)
        tpu.yield
      }) : () -> ()
      %add3A_79 = arith.constant 1 : i32
      %add3A_80 = arith.addi %mul3A_46, %add3A_79 : i32
    }
    %scan3A_36 = arith.constant 62 : i32
    %dma_wait3A = arith.constant 124 : i32
    %dma_wait3A_37 = arith.constant 0 : i32
    %dma_wait3A_38 = tpu.memref_slice %arg6[%dma_wait3A, %dma_wait3A_37] : memref<125x80xi32, #tpu.memory_space<vmem>> -> memref<1x80xi32, #tpu.memory_space<vmem>>
    %dma_wait3A_39 = tpu.memref_squeeze %dma_wait3A_38 : memref<1x80xi32, #tpu.memory_space<vmem>> -> memref<80xi32, #tpu.memory_space<vmem>>
    %dma_wait3A_40 = arith.constant 0 : i32
    %dma_wait3A_41 = arith.constant 0 : i32
    %dma_wait3A_42 = tpu.memref_slice %arg2[%dma_wait3A_40, %dma_wait3A_41] : memref<10000x128xbf16, #tpu.memory_space<hbm>> -> memref<10000x128xbf16, #tpu.memory_space<hbm>>
    tpu.wait_indirect_dma semaphore(%arg11 : memref<!tpu.dma_semaphore, #tpu.memory_space<semaphore_mem>>) src(%dma_wait3A_42 : memref<10000x128xbf16, #tpu.memory_space<hbm>>) dst(%arg8 : memref<80x128xbf16, #tpu.memory_space<vmem>>)
    %run_scoped3A = arith.constant 124 : i32
    "tpu.region"() ({
      %run_scoped3A_44 = tpu.sem_alloc : memref<!tpu.dma_semaphore, #tpu.memory_space<semaphore_mem>>
      %dma_start3A_45 = arith.constant 0 : i32
      %dma_start3A_46 = tpu.memref_slice %arg7[%run_scoped3A, %dma_start3A_45] : memref<125x80xi32, #tpu.memory_space<vmem>> -> memref<1x80xi32, #tpu.memory_space<vmem>>
      %dma_start3A_47 = tpu.memref_squeeze %dma_start3A_46 : memref<1x80xi32, #tpu.memory_space<vmem>> -> memref<80xi32, #tpu.memory_space<vmem>>
      %dma_start3A_48 = arith.constant 0 : i32
      %dma_start3A_49 = arith.constant 0 : i32
      %dma_start3A_50 = tpu.memref_slice %arg10[%dma_start3A_48, %dma_start3A_49] : memref<10240x128xbf16, #tpu.memory_space<vmem_shared>> -> memref<10240x128xbf16, #tpu.memory_space<vmem_shared>>
      tpu.enqueue_indirect_dma source(%arg8 : memref<80x128xbf16, #tpu.memory_space<vmem>>) target(%dma_start3A_50 : memref<10240x128xbf16, #tpu.memory_space<vmem_shared>>) offsets(%dma_start3A_47 : memref<80xi32, #tpu.memory_space<vmem>>) semaphore(%run_scoped3A_44 : memref<!tpu.dma_semaphore, #tpu.memory_space<semaphore_mem>>) {add = true}
      %dma_wait3A_51 = arith.constant 0 : i32
      %dma_wait3A_52 = tpu.memref_slice %arg7[%run_scoped3A, %dma_wait3A_51] : memref<125x80xi32, #tpu.memory_space<vmem>> -> memref<1x80xi32, #tpu.memory_space<vmem>>
      %dma_wait3A_53 = tpu.memref_squeeze %dma_wait3A_52 : memref<1x80xi32, #tpu.memory_space<vmem>> -> memref<80xi32, #tpu.memory_space<vmem>>
      %dma_wait3A_54 = arith.constant 0 : i32
      %dma_wait3A_55 = arith.constant 0 : i32
      %dma_wait3A_56 = tpu.memref_slice %arg10[%dma_wait3A_54, %dma_wait3A_55] : memref<10240x128xbf16, #tpu.memory_space<vmem_shared>> -> memref<10240x128xbf16, #tpu.memory_space<vmem_shared>>
      tpu.wait_indirect_dma semaphore(%run_scoped3A_44 : memref<!tpu.dma_semaphore, #tpu.memory_space<semaphore_mem>>) src(%arg8 : memref<80x128xbf16, #tpu.memory_space<vmem>>) dst(%dma_wait3A_56 : memref<10240x128xbf16, #tpu.memory_space<vmem_shared>>)
      tpu.yield
    }) : () -> ()
    %barrier3A_43 = arith.constant 0 : index
    tpu.barrier barrier_id(%barrier3A_43)
    "tpu.region"() ({
      %run_scoped3A_44 = tpu.sem_alloc : memref<!tpu.dma_semaphore, #tpu.memory_space<semaphore_mem>>
      %dma_start3A_45 = arith.constant 0 : i32
      %dma_start3A_46 = tpu.memref_slice %arg5[%arg0, %mul3A_8, %dma_start3A_45] : memref<2x10240x128xbf16, #tpu.memory_space<hbm>> -> memref<1x640x128xbf16, #tpu.memory_space<hbm>>
      %dma_start3A_47 = tpu.memref_squeeze %dma_start3A_46 : memref<1x640x128xbf16, #tpu.memory_space<hbm>> -> memref<640x128xbf16, #tpu.memory_space<hbm>>
      %dma_start3A_48 = arith.constant 0 : i32
      %dma_start3A_49 = tpu.memref_slice %arg10[%mul3A_8, %dma_start3A_48] : memref<10240x128xbf16, #tpu.memory_space<vmem_shared>> -> memref<640x128xbf16, #tpu.memory_space<vmem_shared>>
      tpu.enqueue_dma source(%dma_start3A_49 : memref<640x128xbf16, #tpu.memory_space<vmem_shared>>) target(%dma_start3A_47 : memref<640x128xbf16, #tpu.memory_space<hbm>>) target_semaphore(%run_scoped3A_44 : memref<!tpu.dma_semaphore, #tpu.memory_space<semaphore_mem>>)
      %dma_wait3A_50 = arith.constant 0 : i32
      %dma_wait3A_51 = tpu.memref_slice %arg5[%arg0, %mul3A_8, %dma_wait3A_50] : memref<2x10240x128xbf16, #tpu.memory_space<hbm>> -> memref<1x640x128xbf16, #tpu.memory_space<hbm>>
      %dma_wait3A_52 = tpu.memref_squeeze %dma_wait3A_51 : memref<1x640x128xbf16, #tpu.memory_space<hbm>> -> memref<640x128xbf16, #tpu.memory_space<hbm>>
      %dma_wait3A_53 = arith.constant 0 : i32
      %dma_wait3A_54 = tpu.memref_slice %arg10[%mul3A_8, %dma_wait3A_53] : memref<10240x128xbf16, #tpu.memory_space<vmem_shared>> -> memref<640x128xbf16, #tpu.memory_space<vmem_shared>>
      tpu.wait_dma2 semaphore(%run_scoped3A_44 : memref<!tpu.dma_semaphore, #tpu.memory_space<semaphore_mem>>) src(%dma_wait3A_54 : memref<640x128xbf16, #tpu.memory_space<vmem_shared>>) dst(%dma_wait3A_52 : memref<640x128xbf16, #tpu.memory_space<hbm>>)
      tpu.yield
    }) : () -> ()
    return
  }
}

#map = affine_map<(d0, d1) -> (0, 0)>
#map1 = affine_map<(d0, d1) -> (0, 0, 0)>
module attributes {stable_mosaic.version = 14 : i64} {
  func.func @body(%arg0: i32, %arg1: i32, %arg2: memref<10000x128xbf16, #tpu.memory_space<hbm>>, %arg3: memref<32x125x80xi32, #tpu.memory_space<hbm>>, %arg4: memref<32x125x80xi32, #tpu.memory_space<hbm>>, %arg5: memref<2x10240x128xbf16, #tpu.memory_space<hbm>>, %arg6: memref<2x10240x16xf32, #tpu.memory_space<hbm>>, %arg7: memref<125x80xi32, #tpu.memory_space<vmem>>, %arg8: memref<125x80xi32, #tpu.memory_space<vmem>>, %arg9: memref<80x128xbf16, #tpu.memory_space<vmem>>, %arg10: memref<80x128xbf16, #tpu.memory_space<vmem>>, %arg11: memref<10240x128xbf16, #tpu.memory_space<vmem_shared>>, %arg12: memref<!tpu.dma_semaphore, #tpu.memory_space<semaphore_mem>>, %arg13: memref<!tpu.dma_semaphore, #tpu.memory_space<semaphore_mem>>, %arg14: memref<640x16xf32, #tpu.memory_space<vmem>>, %arg15: memref<80x16xf32, #tpu.memory_space<vmem>>, %arg16: memref<10240x16xf32, #tpu.memory_space<vmem_shared>>) attributes {dimension_semantics = [#tpu.dimension_semantics<core_parallel>, #tpu.dimension_semantics<subcore_parallel>], iteration_bounds = array<i64: 2, 16>, scalar_prefetch = 0 : i64, scratch_operands = 10 : i64, tpu.core_type = #tpu.core_type<sc_vector_subcore>, window_params = [{transform_indices = #map}, {transform_indices = #map1}, {transform_indices = #map1}, {transform_indices = #map1}, {transform_indices = #map1}]} {
    %mul3A = arith.constant 2 : i32
    %mul3A_0 = arith.muli %arg1, %mul3A : i32
    %add3A = arith.addi %mul3A_0, %arg0 : i32
    "tpu.region"() ({
      %run_scoped3A_61 = tpu.sem_alloc : memref<!tpu.dma_semaphore, #tpu.memory_space<semaphore_mem>>
      %dma_start3A_62 = arith.constant 0 : i32
      %dma_start3A_63 = arith.constant 0 : i32
      %dma_start3A_64 = tpu.memref_slice %arg3[%add3A, %dma_start3A_62, %dma_start3A_63] : memref<32x125x80xi32, #tpu.memory_space<hbm>> -> memref<1x125x80xi32, #tpu.memory_space<hbm>>
      %dma_start3A_65 = tpu.memref_squeeze %dma_start3A_64 : memref<1x125x80xi32, #tpu.memory_space<hbm>> -> memref<125x80xi32, #tpu.memory_space<hbm>>
      %dma_start3A_66 = arith.constant 0 : i32
      %dma_start3A_67 = arith.constant 0 : i32
      %dma_start3A_68 = tpu.memref_slice %arg3[%add3A, %dma_start3A_66, %dma_start3A_67] : memref<32x125x80xi32, #tpu.memory_space<hbm>> -> memref<1x125x80xi32, #tpu.memory_space<hbm>>
      %dma_start3A_69 = tpu.memref_squeeze %dma_start3A_68 : memref<1x125x80xi32, #tpu.memory_space<hbm>> -> memref<125x80xi32, #tpu.memory_space<hbm>>
      tpu.enqueue_dma source(%dma_start3A_69 : memref<125x80xi32, #tpu.memory_space<hbm>>) target(%arg7 : memref<125x80xi32, #tpu.memory_space<vmem>>) target_semaphore(%run_scoped3A_61 : memref<!tpu.dma_semaphore, #tpu.memory_space<semaphore_mem>>)
      %dma_wait3A_70 = arith.constant 0 : i32
      %dma_wait3A_71 = arith.constant 0 : i32
      %dma_wait3A_72 = tpu.memref_slice %arg3[%add3A, %dma_wait3A_70, %dma_wait3A_71] : memref<32x125x80xi32, #tpu.memory_space<hbm>> -> memref<1x125x80xi32, #tpu.memory_space<hbm>>
      %dma_wait3A_73 = tpu.memref_squeeze %dma_wait3A_72 : memref<1x125x80xi32, #tpu.memory_space<hbm>> -> memref<125x80xi32, #tpu.memory_space<hbm>>
      %dma_wait3A_74 = arith.constant 0 : i32
      %dma_wait3A_75 = arith.constant 0 : i32
      %dma_wait3A_76 = tpu.memref_slice %arg3[%add3A, %dma_wait3A_74, %dma_wait3A_75] : memref<32x125x80xi32, #tpu.memory_space<hbm>> -> memref<1x125x80xi32, #tpu.memory_space<hbm>>
      %dma_wait3A_77 = tpu.memref_squeeze %dma_wait3A_76 : memref<1x125x80xi32, #tpu.memory_space<hbm>> -> memref<125x80xi32, #tpu.memory_space<hbm>>
      tpu.wait_dma2 semaphore(%run_scoped3A_61 : memref<!tpu.dma_semaphore, #tpu.memory_space<semaphore_mem>>) src(%dma_wait3A_77 : memref<125x80xi32, #tpu.memory_space<hbm>>) dst(%arg7 : memref<125x80xi32, #tpu.memory_space<vmem>>)
      tpu.yield
    }) : () -> ()
    "tpu.region"() ({
      %run_scoped3A_61 = tpu.sem_alloc : memref<!tpu.dma_semaphore, #tpu.memory_space<semaphore_mem>>
      %dma_start3A_62 = arith.constant 0 : i32
      %dma_start3A_63 = arith.constant 0 : i32
      %dma_start3A_64 = tpu.memref_slice %arg4[%add3A, %dma_start3A_62, %dma_start3A_63] : memref<32x125x80xi32, #tpu.memory_space<hbm>> -> memref<1x125x80xi32, #tpu.memory_space<hbm>>
      %dma_start3A_65 = tpu.memref_squeeze %dma_start3A_64 : memref<1x125x80xi32, #tpu.memory_space<hbm>> -> memref<125x80xi32, #tpu.memory_space<hbm>>
      %dma_start3A_66 = arith.constant 0 : i32
      %dma_start3A_67 = arith.constant 0 : i32
      %dma_start3A_68 = tpu.memref_slice %arg4[%add3A, %dma_start3A_66, %dma_start3A_67] : memref<32x125x80xi32, #tpu.memory_space<hbm>> -> memref<1x125x80xi32, #tpu.memory_space<hbm>>
      %dma_start3A_69 = tpu.memref_squeeze %dma_start3A_68 : memref<1x125x80xi32, #tpu.memory_space<hbm>> -> memref<125x80xi32, #tpu.memory_space<hbm>>
      tpu.enqueue_dma source(%dma_start3A_69 : memref<125x80xi32, #tpu.memory_space<hbm>>) target(%arg8 : memref<125x80xi32, #tpu.memory_space<vmem>>) target_semaphore(%run_scoped3A_61 : memref<!tpu.dma_semaphore, #tpu.memory_space<semaphore_mem>>)
      %dma_wait3A_70 = arith.constant 0 : i32
      %dma_wait3A_71 = arith.constant 0 : i32
      %dma_wait3A_72 = tpu.memref_slice %arg4[%add3A, %dma_wait3A_70, %dma_wait3A_71] : memref<32x125x80xi32, #tpu.memory_space<hbm>> -> memref<1x125x80xi32, #tpu.memory_space<hbm>>
      %dma_wait3A_73 = tpu.memref_squeeze %dma_wait3A_72 : memref<1x125x80xi32, #tpu.memory_space<hbm>> -> memref<125x80xi32, #tpu.memory_space<hbm>>
      %dma_wait3A_74 = arith.constant 0 : i32
      %dma_wait3A_75 = arith.constant 0 : i32
      %dma_wait3A_76 = tpu.memref_slice %arg4[%add3A, %dma_wait3A_74, %dma_wait3A_75] : memref<32x125x80xi32, #tpu.memory_space<hbm>> -> memref<1x125x80xi32, #tpu.memory_space<hbm>>
      %dma_wait3A_77 = tpu.memref_squeeze %dma_wait3A_76 : memref<1x125x80xi32, #tpu.memory_space<hbm>> -> memref<125x80xi32, #tpu.memory_space<hbm>>
      tpu.wait_dma2 semaphore(%run_scoped3A_61 : memref<!tpu.dma_semaphore, #tpu.memory_space<semaphore_mem>>) src(%dma_wait3A_77 : memref<125x80xi32, #tpu.memory_space<hbm>>) dst(%arg8 : memref<125x80xi32, #tpu.memory_space<vmem>>)
      tpu.yield
    }) : () -> ()
    %broadcast_in_dim3A = arith.constant 0.000000e+00 : bf16
    %broadcast_in_dim3A_1 = vector.broadcast %broadcast_in_dim3A : bf16 to vector<32xbf16>
    %scan3A = arith.constant 0 : i32
    %scan3A_2 = arith.constant 0 : i32
    %scan3A_3 = arith.constant 80 : i32
    %scan3A_4 = arith.addi %scan3A_2, %scan3A_3 : i32
    %scan3A_5 = arith.constant 1 : i32
    scf.for %scan3A_61 = %scan3A_2 to %scan3A_4 step %scan3A_5  : i32 {
      %swap3A = arith.index_cast %scan3A_61 : i32 to index
      %swap3A_62 = arith.constant 0 : index
      %swap3A_63 = tpu.vector_load %arg9[%swap3A, %swap3A_62] {strides = array<i32>} : memref<80x128xbf16, #tpu.memory_space<vmem>>, vector<1x32xbf16>,
      %swap3A_64 = vector.shape_cast %swap3A_63 : vector<1x32xbf16> to vector<32xbf16>
      %swap3A_65 = vector.shape_cast %broadcast_in_dim3A_1 : vector<32xbf16> to vector<1x32xbf16>
      tpu.vector_store %arg9[%swap3A, %swap3A_62], %swap3A_65 {strides = array<i32>} : memref<80x128xbf16, #tpu.memory_space<vmem>>, vector<1x32xbf16>,
      %swap3A_66 = arith.index_cast %scan3A_61 : i32 to index
      %swap3A_67 = arith.constant 32 : index
      %swap3A_68 = tpu.vector_load %arg9[%swap3A_66, %swap3A_67] {strides = array<i32>} : memref<80x128xbf16, #tpu.memory_space<vmem>>, vector<1x32xbf16>,
      %swap3A_69 = vector.shape_cast %swap3A_68 : vector<1x32xbf16> to vector<32xbf16>
      %swap3A_70 = vector.shape_cast %broadcast_in_dim3A_1 : vector<32xbf16> to vector<1x32xbf16>
      tpu.vector_store %arg9[%swap3A_66, %swap3A_67], %swap3A_70 {strides = array<i32>} : memref<80x128xbf16, #tpu.memory_space<vmem>>, vector<1x32xbf16>,
      %swap3A_71 = arith.index_cast %scan3A_61 : i32 to index
      %swap3A_72 = arith.constant 64 : index
      %swap3A_73 = tpu.vector_load %arg9[%swap3A_71, %swap3A_72] {strides = array<i32>} : memref<80x128xbf16, #tpu.memory_space<vmem>>, vector<1x32xbf16>,
      %swap3A_74 = vector.shape_cast %swap3A_73 : vector<1x32xbf16> to vector<32xbf16>
      %swap3A_75 = vector.shape_cast %broadcast_in_dim3A_1 : vector<32xbf16> to vector<1x32xbf16>
      tpu.vector_store %arg9[%swap3A_71, %swap3A_72], %swap3A_75 {strides = array<i32>} : memref<80x128xbf16, #tpu.memory_space<vmem>>, vector<1x32xbf16>,
      %swap3A_76 = arith.index_cast %scan3A_61 : i32 to index
      %swap3A_77 = arith.constant 96 : index
      %swap3A_78 = tpu.vector_load %arg9[%swap3A_76, %swap3A_77] {strides = array<i32>} : memref<80x128xbf16, #tpu.memory_space<vmem>>, vector<1x32xbf16>,
      %swap3A_79 = vector.shape_cast %swap3A_78 : vector<1x32xbf16> to vector<32xbf16>
      %swap3A_80 = vector.shape_cast %broadcast_in_dim3A_1 : vector<32xbf16> to vector<1x32xbf16>
      tpu.vector_store %arg9[%swap3A_76, %swap3A_77], %swap3A_80 {strides = array<i32>} : memref<80x128xbf16, #tpu.memory_space<vmem>>, vector<1x32xbf16>,
    }
    %scan3A_6 = arith.constant 80 : i32
    %mul3A_7 = arith.constant 640 : i32
    %mul3A_8 = arith.muli %arg1, %mul3A_7 : i32
    %add3A_9 = arith.constant 0 : i32
    %add3A_10 = arith.addi %mul3A_8, %add3A_9 : i32
    "tpu.region"() ({
      %run_scoped3A_61 = tpu.sem_alloc : memref<!tpu.dma_semaphore, #tpu.memory_space<semaphore_mem>>
      %dma_start3A_62 = arith.constant 0 : i32
      %dma_start3A_63 = tpu.memref_slice %arg11[%add3A_10, %dma_start3A_62] : memref<10240x128xbf16, #tpu.memory_space<vmem_shared>> -> memref<80x128xbf16, #tpu.memory_space<vmem_shared>>
      %dma_start3A_64 = arith.constant 0 : i32
      %dma_start3A_65 = tpu.memref_slice %arg11[%add3A_10, %dma_start3A_64] : memref<10240x128xbf16, #tpu.memory_space<vmem_shared>> -> memref<80x128xbf16, #tpu.memory_space<vmem_shared>>
      tpu.enqueue_dma source(%arg9 : memref<80x128xbf16, #tpu.memory_space<vmem>>) target(%dma_start3A_65 : memref<80x128xbf16, #tpu.memory_space<vmem_shared>>) target_semaphore(%run_scoped3A_61 : memref<!tpu.dma_semaphore, #tpu.memory_space<semaphore_mem>>)
      %dma_wait3A_66 = arith.constant 0 : i32
      %dma_wait3A_67 = tpu.memref_slice %arg11[%add3A_10, %dma_wait3A_66] : memref<10240x128xbf16, #tpu.memory_space<vmem_shared>> -> memref<80x128xbf16, #tpu.memory_space<vmem_shared>>
      %dma_wait3A_68 = arith.constant 0 : i32
      %dma_wait3A_69 = tpu.memref_slice %arg11[%add3A_10, %dma_wait3A_68] : memref<10240x128xbf16, #tpu.memory_space<vmem_shared>> -> memref<80x128xbf16, #tpu.memory_space<vmem_shared>>
      tpu.wait_dma2 semaphore(%run_scoped3A_61 : memref<!tpu.dma_semaphore, #tpu.memory_space<semaphore_mem>>) src(%arg9 : memref<80x128xbf16, #tpu.memory_space<vmem>>) dst(%dma_wait3A_69 : memref<80x128xbf16, #tpu.memory_space<vmem_shared>>)
      tpu.yield
    }) : () -> ()
    %add3A_11 = arith.constant 80 : i32
    %add3A_12 = arith.addi %mul3A_8, %add3A_11 : i32
    "tpu.region"() ({
      %run_scoped3A_61 = tpu.sem_alloc : memref<!tpu.dma_semaphore, #tpu.memory_space<semaphore_mem>>
      %dma_start3A_62 = arith.constant 0 : i32
      %dma_start3A_63 = tpu.memref_slice %arg11[%add3A_12, %dma_start3A_62] : memref<10240x128xbf16, #tpu.memory_space<vmem_shared>> -> memref<80x128xbf16, #tpu.memory_space<vmem_shared>>
      %dma_start3A_64 = arith.constant 0 : i32
      %dma_start3A_65 = tpu.memref_slice %arg11[%add3A_12, %dma_start3A_64] : memref<10240x128xbf16, #tpu.memory_space<vmem_shared>> -> memref<80x128xbf16, #tpu.memory_space<vmem_shared>>
      tpu.enqueue_dma source(%arg9 : memref<80x128xbf16, #tpu.memory_space<vmem>>) target(%dma_start3A_65 : memref<80x128xbf16, #tpu.memory_space<vmem_shared>>) target_semaphore(%run_scoped3A_61 : memref<!tpu.dma_semaphore, #tpu.memory_space<semaphore_mem>>)
      %dma_wait3A_66 = arith.constant 0 : i32
      %dma_wait3A_67 = tpu.memref_slice %arg11[%add3A_12, %dma_wait3A_66] : memref<10240x128xbf16, #tpu.memory_space<vmem_shared>> -> memref<80x128xbf16, #tpu.memory_space<vmem_shared>>
      %dma_wait3A_68 = arith.constant 0 : i32
      %dma_wait3A_69 = tpu.memref_slice %arg11[%add3A_12, %dma_wait3A_68] : memref<10240x128xbf16, #tpu.memory_space<vmem_shared>> -> memref<80x128xbf16, #tpu.memory_space<vmem_shared>>
      tpu.wait_dma2 semaphore(%run_scoped3A_61 : memref<!tpu.dma_semaphore, #tpu.memory_space<semaphore_mem>>) src(%arg9 : memref<80x128xbf16, #tpu.memory_space<vmem>>) dst(%dma_wait3A_69 : memref<80x128xbf16, #tpu.memory_space<vmem_shared>>)
      tpu.yield
    }) : () -> ()
    %add3A_13 = arith.constant 160 : i32
    %add3A_14 = arith.addi %mul3A_8, %add3A_13 : i32
    "tpu.region"() ({
      %run_scoped3A_61 = tpu.sem_alloc : memref<!tpu.dma_semaphore, #tpu.memory_space<semaphore_mem>>
      %dma_start3A_62 = arith.constant 0 : i32
      %dma_start3A_63 = tpu.memref_slice %arg11[%add3A_14, %dma_start3A_62] : memref<10240x128xbf16, #tpu.memory_space<vmem_shared>> -> memref<80x128xbf16, #tpu.memory_space<vmem_shared>>
      %dma_start3A_64 = arith.constant 0 : i32
      %dma_start3A_65 = tpu.memref_slice %arg11[%add3A_14, %dma_start3A_64] : memref<10240x128xbf16, #tpu.memory_space<vmem_shared>> -> memref<80x128xbf16, #tpu.memory_space<vmem_shared>>
      tpu.enqueue_dma source(%arg9 : memref<80x128xbf16, #tpu.memory_space<vmem>>) target(%dma_start3A_65 : memref<80x128xbf16, #tpu.memory_space<vmem_shared>>) target_semaphore(%run_scoped3A_61 : memref<!tpu.dma_semaphore, #tpu.memory_space<semaphore_mem>>)
      %dma_wait3A_66 = arith.constant 0 : i32
      %dma_wait3A_67 = tpu.memref_slice %arg11[%add3A_14, %dma_wait3A_66] : memref<10240x128xbf16, #tpu.memory_space<vmem_shared>> -> memref<80x128xbf16, #tpu.memory_space<vmem_shared>>
      %dma_wait3A_68 = arith.constant 0 : i32
      %dma_wait3A_69 = tpu.memref_slice %arg11[%add3A_14, %dma_wait3A_68] : memref<10240x128xbf16, #tpu.memory_space<vmem_shared>> -> memref<80x128xbf16, #tpu.memory_space<vmem_shared>>
      tpu.wait_dma2 semaphore(%run_scoped3A_61 : memref<!tpu.dma_semaphore, #tpu.memory_space<semaphore_mem>>) src(%arg9 : memref<80x128xbf16, #tpu.memory_space<vmem>>) dst(%dma_wait3A_69 : memref<80x128xbf16, #tpu.memory_space<vmem_shared>>)
      tpu.yield
    }) : () -> ()
    %add3A_15 = arith.constant 240 : i32
    %add3A_16 = arith.addi %mul3A_8, %add3A_15 : i32
    "tpu.region"() ({
      %run_scoped3A_61 = tpu.sem_alloc : memref<!tpu.dma_semaphore, #tpu.memory_space<semaphore_mem>>
      %dma_start3A_62 = arith.constant 0 : i32
      %dma_start3A_63 = tpu.memref_slice %arg11[%add3A_16, %dma_start3A_62] : memref<10240x128xbf16, #tpu.memory_space<vmem_shared>> -> memref<80x128xbf16, #tpu.memory_space<vmem_shared>>
      %dma_start3A_64 = arith.constant 0 : i32
      %dma_start3A_65 = tpu.memref_slice %arg11[%add3A_16, %dma_start3A_64] : memref<10240x128xbf16, #tpu.memory_space<vmem_shared>> -> memref<80x128xbf16, #tpu.memory_space<vmem_shared>>
      tpu.enqueue_dma source(%arg9 : memref<80x128xbf16, #tpu.memory_space<vmem>>) target(%dma_start3A_65 : memref<80x128xbf16, #tpu.memory_space<vmem_shared>>) target_semaphore(%run_scoped3A_61 : memref<!tpu.dma_semaphore, #tpu.memory_space<semaphore_mem>>)
      %dma_wait3A_66 = arith.constant 0 : i32
      %dma_wait3A_67 = tpu.memref_slice %arg11[%add3A_16, %dma_wait3A_66] : memref<10240x128xbf16, #tpu.memory_space<vmem_shared>> -> memref<80x128xbf16, #tpu.memory_space<vmem_shared>>
      %dma_wait3A_68 = arith.constant 0 : i32
      %dma_wait3A_69 = tpu.memref_slice %arg11[%add3A_16, %dma_wait3A_68] : memref<10240x128xbf16, #tpu.memory_space<vmem_shared>> -> memref<80x128xbf16, #tpu.memory_space<vmem_shared>>
      tpu.wait_dma2 semaphore(%run_scoped3A_61 : memref<!tpu.dma_semaphore, #tpu.memory_space<semaphore_mem>>) src(%arg9 : memref<80x128xbf16, #tpu.memory_space<vmem>>) dst(%dma_wait3A_69 : memref<80x128xbf16, #tpu.memory_space<vmem_shared>>)
      tpu.yield
    }) : () -> ()
    %add3A_17 = arith.constant 320 : i32
    %add3A_18 = arith.addi %mul3A_8, %add3A_17 : i32
    "tpu.region"() ({
      %run_scoped3A_61 = tpu.sem_alloc : memref<!tpu.dma_semaphore, #tpu.memory_space<semaphore_mem>>
      %dma_start3A_62 = arith.constant 0 : i32
      %dma_start3A_63 = tpu.memref_slice %arg11[%add3A_18, %dma_start3A_62] : memref<10240x128xbf16, #tpu.memory_space<vmem_shared>> -> memref<80x128xbf16, #tpu.memory_space<vmem_shared>>
      %dma_start3A_64 = arith.constant 0 : i32
      %dma_start3A_65 = tpu.memref_slice %arg11[%add3A_18, %dma_start3A_64] : memref<10240x128xbf16, #tpu.memory_space<vmem_shared>> -> memref<80x128xbf16, #tpu.memory_space<vmem_shared>>
      tpu.enqueue_dma source(%arg9 : memref<80x128xbf16, #tpu.memory_space<vmem>>) target(%dma_start3A_65 : memref<80x128xbf16, #tpu.memory_space<vmem_shared>>) target_semaphore(%run_scoped3A_61 : memref<!tpu.dma_semaphore, #tpu.memory_space<semaphore_mem>>)
      %dma_wait3A_66 = arith.constant 0 : i32
      %dma_wait3A_67 = tpu.memref_slice %arg11[%add3A_18, %dma_wait3A_66] : memref<10240x128xbf16, #tpu.memory_space<vmem_shared>> -> memref<80x128xbf16, #tpu.memory_space<vmem_shared>>
      %dma_wait3A_68 = arith.constant 0 : i32
      %dma_wait3A_69 = tpu.memref_slice %arg11[%add3A_18, %dma_wait3A_68] : memref<10240x128xbf16, #tpu.memory_space<vmem_shared>> -> memref<80x128xbf16, #tpu.memory_space<vmem_shared>>
      tpu.wait_dma2 semaphore(%run_scoped3A_61 : memref<!tpu.dma_semaphore, #tpu.memory_space<semaphore_mem>>) src(%arg9 : memref<80x128xbf16, #tpu.memory_space<vmem>>) dst(%dma_wait3A_69 : memref<80x128xbf16, #tpu.memory_space<vmem_shared>>)
      tpu.yield
    }) : () -> ()
    %add3A_19 = arith.constant 400 : i32
    %add3A_20 = arith.addi %mul3A_8, %add3A_19 : i32
    "tpu.region"() ({
      %run_scoped3A_61 = tpu.sem_alloc : memref<!tpu.dma_semaphore, #tpu.memory_space<semaphore_mem>>
      %dma_start3A_62 = arith.constant 0 : i32
      %dma_start3A_63 = tpu.memref_slice %arg11[%add3A_20, %dma_start3A_62] : memref<10240x128xbf16, #tpu.memory_space<vmem_shared>> -> memref<80x128xbf16, #tpu.memory_space<vmem_shared>>
      %dma_start3A_64 = arith.constant 0 : i32
      %dma_start3A_65 = tpu.memref_slice %arg11[%add3A_20, %dma_start3A_64] : memref<10240x128xbf16, #tpu.memory_space<vmem_shared>> -> memref<80x128xbf16, #tpu.memory_space<vmem_shared>>
      tpu.enqueue_dma source(%arg9 : memref<80x128xbf16, #tpu.memory_space<vmem>>) target(%dma_start3A_65 : memref<80x128xbf16, #tpu.memory_space<vmem_shared>>) target_semaphore(%run_scoped3A_61 : memref<!tpu.dma_semaphore, #tpu.memory_space<semaphore_mem>>)
      %dma_wait3A_66 = arith.constant 0 : i32
      %dma_wait3A_67 = tpu.memref_slice %arg11[%add3A_20, %dma_wait3A_66] : memref<10240x128xbf16, #tpu.memory_space<vmem_shared>> -> memref<80x128xbf16, #tpu.memory_space<vmem_shared>>
      %dma_wait3A_68 = arith.constant 0 : i32
      %dma_wait3A_69 = tpu.memref_slice %arg11[%add3A_20, %dma_wait3A_68] : memref<10240x128xbf16, #tpu.memory_space<vmem_shared>> -> memref<80x128xbf16, #tpu.memory_space<vmem_shared>>
      tpu.wait_dma2 semaphore(%run_scoped3A_61 : memref<!tpu.dma_semaphore, #tpu.memory_space<semaphore_mem>>) src(%arg9 : memref<80x128xbf16, #tpu.memory_space<vmem>>) dst(%dma_wait3A_69 : memref<80x128xbf16, #tpu.memory_space<vmem_shared>>)
      tpu.yield
    }) : () -> ()
    %add3A_21 = arith.constant 480 : i32
    %add3A_22 = arith.addi %mul3A_8, %add3A_21 : i32
    "tpu.region"() ({
      %run_scoped3A_61 = tpu.sem_alloc : memref<!tpu.dma_semaphore, #tpu.memory_space<semaphore_mem>>
      %dma_start3A_62 = arith.constant 0 : i32
      %dma_start3A_63 = tpu.memref_slice %arg11[%add3A_22, %dma_start3A_62] : memref<10240x128xbf16, #tpu.memory_space<vmem_shared>> -> memref<80x128xbf16, #tpu.memory_space<vmem_shared>>
      %dma_start3A_64 = arith.constant 0 : i32
      %dma_start3A_65 = tpu.memref_slice %arg11[%add3A_22, %dma_start3A_64] : memref<10240x128xbf16, #tpu.memory_space<vmem_shared>> -> memref<80x128xbf16, #tpu.memory_space<vmem_shared>>
      tpu.enqueue_dma source(%arg9 : memref<80x128xbf16, #tpu.memory_space<vmem>>) target(%dma_start3A_65 : memref<80x128xbf16, #tpu.memory_space<vmem_shared>>) target_semaphore(%run_scoped3A_61 : memref<!tpu.dma_semaphore, #tpu.memory_space<semaphore_mem>>)
      %dma_wait3A_66 = arith.constant 0 : i32
      %dma_wait3A_67 = tpu.memref_slice %arg11[%add3A_22, %dma_wait3A_66] : memref<10240x128xbf16, #tpu.memory_space<vmem_shared>> -> memref<80x128xbf16, #tpu.memory_space<vmem_shared>>
      %dma_wait3A_68 = arith.constant 0 : i32
      %dma_wait3A_69 = tpu.memref_slice %arg11[%add3A_22, %dma_wait3A_68] : memref<10240x128xbf16, #tpu.memory_space<vmem_shared>> -> memref<80x128xbf16, #tpu.memory_space<vmem_shared>>
      tpu.wait_dma2 semaphore(%run_scoped3A_61 : memref<!tpu.dma_semaphore, #tpu.memory_space<semaphore_mem>>) src(%arg9 : memref<80x128xbf16, #tpu.memory_space<vmem>>) dst(%dma_wait3A_69 : memref<80x128xbf16, #tpu.memory_space<vmem_shared>>)
      tpu.yield
    }) : () -> ()
    %add3A_23 = arith.constant 560 : i32
    %add3A_24 = arith.addi %mul3A_8, %add3A_23 : i32
    "tpu.region"() ({
      %run_scoped3A_61 = tpu.sem_alloc : memref<!tpu.dma_semaphore, #tpu.memory_space<semaphore_mem>>
      %dma_start3A_62 = arith.constant 0 : i32
      %dma_start3A_63 = tpu.memref_slice %arg11[%add3A_24, %dma_start3A_62] : memref<10240x128xbf16, #tpu.memory_space<vmem_shared>> -> memref<80x128xbf16, #tpu.memory_space<vmem_shared>>
      %dma_start3A_64 = arith.constant 0 : i32
      %dma_start3A_65 = tpu.memref_slice %arg11[%add3A_24, %dma_start3A_64] : memref<10240x128xbf16, #tpu.memory_space<vmem_shared>> -> memref<80x128xbf16, #tpu.memory_space<vmem_shared>>
      tpu.enqueue_dma source(%arg9 : memref<80x128xbf16, #tpu.memory_space<vmem>>) target(%dma_start3A_65 : memref<80x128xbf16, #tpu.memory_space<vmem_shared>>) target_semaphore(%run_scoped3A_61 : memref<!tpu.dma_semaphore, #tpu.memory_space<semaphore_mem>>)
      %dma_wait3A_66 = arith.constant 0 : i32
      %dma_wait3A_67 = tpu.memref_slice %arg11[%add3A_24, %dma_wait3A_66] : memref<10240x128xbf16, #tpu.memory_space<vmem_shared>> -> memref<80x128xbf16, #tpu.memory_space<vmem_shared>>
      %dma_wait3A_68 = arith.constant 0 : i32
      %dma_wait3A_69 = tpu.memref_slice %arg11[%add3A_24, %dma_wait3A_68] : memref<10240x128xbf16, #tpu.memory_space<vmem_shared>> -> memref<80x128xbf16, #tpu.memory_space<vmem_shared>>
      tpu.wait_dma2 semaphore(%run_scoped3A_61 : memref<!tpu.dma_semaphore, #tpu.memory_space<semaphore_mem>>) src(%arg9 : memref<80x128xbf16, #tpu.memory_space<vmem>>) dst(%dma_wait3A_69 : memref<80x128xbf16, #tpu.memory_space<vmem_shared>>)
      tpu.yield
    }) : () -> ()
    %broadcast_in_dim3A_25 = arith.constant 0.000000e+00 : f32
    %broadcast_in_dim3A_26 = vector.broadcast %broadcast_in_dim3A_25 : f32 to vector<16xf32>
    %scan3A_27 = arith.constant 0 : i32
    %scan3A_28 = arith.constant 0 : i32
    %scan3A_29 = arith.constant 640 : i32
    %scan3A_30 = arith.addi %scan3A_28, %scan3A_29 : i32
    %scan3A_31 = arith.constant 1 : i32
    scf.for %scan3A_61 = %scan3A_28 to %scan3A_30 step %scan3A_31  : i32 {
      %swap3A = arith.index_cast %scan3A_61 : i32 to index
      %swap3A_62 = arith.constant 0 : index
      %swap3A_63 = tpu.vector_load %arg14[%swap3A, %swap3A_62] {strides = array<i32>} : memref<640x16xf32, #tpu.memory_space<vmem>>, vector<1x16xf32>,
      %swap3A_64 = vector.shape_cast %swap3A_63 : vector<1x16xf32> to vector<16xf32>
      %swap3A_65 = vector.shape_cast %broadcast_in_dim3A_26 : vector<16xf32> to vector<1x16xf32>
      tpu.vector_store %arg14[%swap3A, %swap3A_62], %swap3A_65 {strides = array<i32>} : memref<640x16xf32, #tpu.memory_space<vmem>>, vector<1x16xf32>,
    }
    %scan3A_32 = arith.constant 640 : i32
    "tpu.region"() ({
      %run_scoped3A_61 = tpu.sem_alloc : memref<!tpu.dma_semaphore, #tpu.memory_space<semaphore_mem>>
      %dma_start3A_62 = arith.constant 0 : i32
      %dma_start3A_63 = tpu.memref_slice %arg16[%mul3A_8, %dma_start3A_62] : memref<10240x16xf32, #tpu.memory_space<vmem_shared>> -> memref<640x16xf32, #tpu.memory_space<vmem_shared>>
      %dma_start3A_64 = arith.constant 0 : i32
      %dma_start3A_65 = tpu.memref_slice %arg16[%mul3A_8, %dma_start3A_64] : memref<10240x16xf32, #tpu.memory_space<vmem_shared>> -> memref<640x16xf32, #tpu.memory_space<vmem_shared>>
      tpu.enqueue_dma source(%arg14 : memref<640x16xf32, #tpu.memory_space<vmem>>) target(%dma_start3A_65 : memref<640x16xf32, #tpu.memory_space<vmem_shared>>) target_semaphore(%run_scoped3A_61 : memref<!tpu.dma_semaphore, #tpu.memory_space<semaphore_mem>>)
      %dma_wait3A_66 = arith.constant 0 : i32
      %dma_wait3A_67 = tpu.memref_slice %arg16[%mul3A_8, %dma_wait3A_66] : memref<10240x16xf32, #tpu.memory_space<vmem_shared>> -> memref<640x16xf32, #tpu.memory_space<vmem_shared>>
      %dma_wait3A_68 = arith.constant 0 : i32
      %dma_wait3A_69 = tpu.memref_slice %arg16[%mul3A_8, %dma_wait3A_68] : memref<10240x16xf32, #tpu.memory_space<vmem_shared>> -> memref<640x16xf32, #tpu.memory_space<vmem_shared>>
      tpu.wait_dma2 semaphore(%run_scoped3A_61 : memref<!tpu.dma_semaphore, #tpu.memory_space<semaphore_mem>>) src(%arg14 : memref<640x16xf32, #tpu.memory_space<vmem>>) dst(%dma_wait3A_69 : memref<640x16xf32, #tpu.memory_space<vmem_shared>>)
      tpu.yield
    }) : () -> ()
    %broadcast_in_dim3A_33 = arith.constant 1.000000e+00 : f32
    %broadcast_in_dim3A_34 = vector.broadcast %broadcast_in_dim3A_33 : f32 to vector<16xf32>
    %scan3A_35 = arith.constant 0 : i32
    %scan3A_36 = arith.constant 0 : i32
    %scan3A_37 = arith.constant 80 : i32
    %scan3A_38 = arith.addi %scan3A_36, %scan3A_37 : i32
    %scan3A_39 = arith.constant 1 : i32
    scf.for %scan3A_61 = %scan3A_36 to %scan3A_38 step %scan3A_39  : i32 {
      %swap3A = arith.index_cast %scan3A_61 : i32 to index
      %swap3A_62 = arith.constant 0 : index
      %swap3A_63 = tpu.vector_load %arg15[%swap3A, %swap3A_62] {strides = array<i32>} : memref<80x16xf32, #tpu.memory_space<vmem>>, vector<1x16xf32>,
      %swap3A_64 = vector.shape_cast %swap3A_63 : vector<1x16xf32> to vector<16xf32>
      %swap3A_65 = vector.shape_cast %broadcast_in_dim3A_34 : vector<16xf32> to vector<1x16xf32>
      tpu.vector_store %arg15[%swap3A, %swap3A_62], %swap3A_65 {strides = array<i32>} : memref<80x16xf32, #tpu.memory_space<vmem>>, vector<1x16xf32>,
    }
    %scan3A_40 = arith.constant 80 : i32
    %barrier3A = arith.constant 0 : index
    tpu.barrier barrier_id(%barrier3A)
    %dma_start3A = arith.constant 0 : i32
    %dma_start3A_41 = arith.constant 0 : i32
    %dma_start3A_42 = tpu.memref_slice %arg7[%dma_start3A, %dma_start3A_41] : memref<125x80xi32, #tpu.memory_space<vmem>> -> memref<1x80xi32, #tpu.memory_space<vmem>>
    %dma_start3A_43 = tpu.memref_squeeze %dma_start3A_42 : memref<1x80xi32, #tpu.memory_space<vmem>> -> memref<80xi32, #tpu.memory_space<vmem>>
    %dma_start3A_44 = arith.constant 0 : i32
    %dma_start3A_45 = arith.constant 0 : i32
    %dma_start3A_46 = tpu.memref_slice %arg2[%dma_start3A_44, %dma_start3A_45] : memref<10000x128xbf16, #tpu.memory_space<hbm>> -> memref<10000x128xbf16, #tpu.memory_space<hbm>>
    tpu.enqueue_indirect_dma source(%dma_start3A_46 : memref<10000x128xbf16, #tpu.memory_space<hbm>>) target(%arg9 : memref<80x128xbf16, #tpu.memory_space<vmem>>) offsets(%dma_start3A_43 : memref<80xi32, #tpu.memory_space<vmem>>) semaphore(%arg12 : memref<!tpu.dma_semaphore, #tpu.memory_space<semaphore_mem>>)
    %scan3A_47 = arith.constant 0 : i32
    %scan3A_48 = arith.constant 0 : i32
    %scan3A_49 = arith.constant 62 : i32
    %scan3A_50 = arith.addi %scan3A_48, %scan3A_49 : i32
    %scan3A_51 = arith.constant 1 : i32
    scf.for %scan3A_61 = %scan3A_48 to %scan3A_50 step %scan3A_51  : i32 {
      %mul3A_62 = arith.constant 2 : i32
      %mul3A_63 = arith.muli %mul3A_62, %scan3A_61 : i32
      %dma_wait3A_64 = arith.constant 0 : i32
      %dma_wait3A_65 = tpu.memref_slice %arg7[%mul3A_63, %dma_wait3A_64] : memref<125x80xi32, #tpu.memory_space<vmem>> -> memref<1x80xi32, #tpu.memory_space<vmem>>
      %dma_wait3A_66 = tpu.memref_squeeze %dma_wait3A_65 : memref<1x80xi32, #tpu.memory_space<vmem>> -> memref<80xi32, #tpu.memory_space<vmem>>
      %dma_wait3A_67 = arith.constant 0 : i32
      %dma_wait3A_68 = arith.constant 0 : i32
      %dma_wait3A_69 = tpu.memref_slice %arg2[%dma_wait3A_67, %dma_wait3A_68] : memref<10000x128xbf16, #tpu.memory_space<hbm>> -> memref<10000x128xbf16, #tpu.memory_space<hbm>>
      tpu.wait_indirect_dma semaphore(%arg12 : memref<!tpu.dma_semaphore, #tpu.memory_space<semaphore_mem>>) src(%dma_wait3A_69 : memref<10000x128xbf16, #tpu.memory_space<hbm>>) dst(%arg9 : memref<80x128xbf16, #tpu.memory_space<vmem>>)
      %add3A_70 = arith.constant 1 : i32
      %add3A_71 = arith.addi %mul3A_63, %add3A_70 : i32
      %dma_start3A_72 = arith.constant 0 : i32
      %dma_start3A_73 = tpu.memref_slice %arg7[%add3A_71, %dma_start3A_72] : memref<125x80xi32, #tpu.memory_space<vmem>> -> memref<1x80xi32, #tpu.memory_space<vmem>>
      %dma_start3A_74 = tpu.memref_squeeze %dma_start3A_73 : memref<1x80xi32, #tpu.memory_space<vmem>> -> memref<80xi32, #tpu.memory_space<vmem>>
      %dma_start3A_75 = arith.constant 0 : i32
      %dma_start3A_76 = arith.constant 0 : i32
      %dma_start3A_77 = tpu.memref_slice %arg2[%dma_start3A_75, %dma_start3A_76] : memref<10000x128xbf16, #tpu.memory_space<hbm>> -> memref<10000x128xbf16, #tpu.memory_space<hbm>>
      tpu.enqueue_indirect_dma source(%dma_start3A_77 : memref<10000x128xbf16, #tpu.memory_space<hbm>>) target(%arg10 : memref<80x128xbf16, #tpu.memory_space<vmem>>) offsets(%dma_start3A_74 : memref<80xi32, #tpu.memory_space<vmem>>) semaphore(%arg13 : memref<!tpu.dma_semaphore, #tpu.memory_space<semaphore_mem>>)
      "tpu.region"() ({
        %run_scoped3A_98 = tpu.sem_alloc : memref<!tpu.dma_semaphore, #tpu.memory_space<semaphore_mem>>
        %dma_start3A_99 = arith.constant 0 : i32
        %dma_start3A_100 = tpu.memref_slice %arg8[%mul3A_63, %dma_start3A_99] : memref<125x80xi32, #tpu.memory_space<vmem>> -> memref<1x80xi32, #tpu.memory_space<vmem>>
        %dma_start3A_101 = tpu.memref_squeeze %dma_start3A_100 : memref<1x80xi32, #tpu.memory_space<vmem>> -> memref<80xi32, #tpu.memory_space<vmem>>
        %dma_start3A_102 = arith.constant 0 : i32
        %dma_start3A_103 = arith.constant 0 : i32
        %dma_start3A_104 = tpu.memref_slice %arg11[%dma_start3A_102, %dma_start3A_103] : memref<10240x128xbf16, #tpu.memory_space<vmem_shared>> -> memref<10240x128xbf16, #tpu.memory_space<vmem_shared>>
        tpu.enqueue_indirect_dma source(%arg9 : memref<80x128xbf16, #tpu.memory_space<vmem>>) target(%dma_start3A_104 : memref<10240x128xbf16, #tpu.memory_space<vmem_shared>>) offsets(%dma_start3A_101 : memref<80xi32, #tpu.memory_space<vmem>>) semaphore(%run_scoped3A_98 : memref<!tpu.dma_semaphore, #tpu.memory_space<semaphore_mem>>) {add = true}
        %dma_wait3A_105 = arith.constant 0 : i32
        %dma_wait3A_106 = tpu.memref_slice %arg8[%mul3A_63, %dma_wait3A_105] : memref<125x80xi32, #tpu.memory_space<vmem>> -> memref<1x80xi32, #tpu.memory_space<vmem>>
        %dma_wait3A_107 = tpu.memref_squeeze %dma_wait3A_106 : memref<1x80xi32, #tpu.memory_space<vmem>> -> memref<80xi32, #tpu.memory_space<vmem>>
        %dma_wait3A_108 = arith.constant 0 : i32
        %dma_wait3A_109 = arith.constant 0 : i32
        %dma_wait3A_110 = tpu.memref_slice %arg11[%dma_wait3A_108, %dma_wait3A_109] : memref<10240x128xbf16, #tpu.memory_space<vmem_shared>> -> memref<10240x128xbf16, #tpu.memory_space<vmem_shared>>
        tpu.wait_indirect_dma semaphore(%run_scoped3A_98 : memref<!tpu.dma_semaphore, #tpu.memory_space<semaphore_mem>>) src(%arg9 : memref<80x128xbf16, #tpu.memory_space<vmem>>) dst(%dma_wait3A_110 : memref<10240x128xbf16, #tpu.memory_space<vmem_shared>>)
        tpu.yield
      }) : () -> ()
      "tpu.region"() ({
        %run_scoped3A_98 = tpu.sem_alloc : memref<!tpu.dma_semaphore, #tpu.memory_space<semaphore_mem>>
        %dma_start3A_99 = arith.constant 0 : i32
        %dma_start3A_100 = tpu.memref_slice %arg8[%mul3A_63, %dma_start3A_99] : memref<125x80xi32, #tpu.memory_space<vmem>> -> memref<1x80xi32, #tpu.memory_space<vmem>>
        %dma_start3A_101 = tpu.memref_squeeze %dma_start3A_100 : memref<1x80xi32, #tpu.memory_space<vmem>> -> memref<80xi32, #tpu.memory_space<vmem>>
        %dma_start3A_102 = arith.constant 0 : i32
        %dma_start3A_103 = arith.constant 0 : i32
        %dma_start3A_104 = tpu.memref_slice %arg16[%dma_start3A_102, %dma_start3A_103] : memref<10240x16xf32, #tpu.memory_space<vmem_shared>> -> memref<10240x16xf32, #tpu.memory_space<vmem_shared>>
        tpu.enqueue_indirect_dma source(%arg15 : memref<80x16xf32, #tpu.memory_space<vmem>>) target(%dma_start3A_104 : memref<10240x16xf32, #tpu.memory_space<vmem_shared>>) offsets(%dma_start3A_101 : memref<80xi32, #tpu.memory_space<vmem>>) semaphore(%run_scoped3A_98 : memref<!tpu.dma_semaphore, #tpu.memory_space<semaphore_mem>>) {add = true}
        %dma_wait3A_105 = arith.constant 0 : i32
        %dma_wait3A_106 = tpu.memref_slice %arg8[%mul3A_63, %dma_wait3A_105] : memref<125x80xi32, #tpu.memory_space<vmem>> -> memref<1x80xi32, #tpu.memory_space<vmem>>
        %dma_wait3A_107 = tpu.memref_squeeze %dma_wait3A_106 : memref<1x80xi32, #tpu.memory_space<vmem>> -> memref<80xi32, #tpu.memory_space<vmem>>
        %dma_wait3A_108 = arith.constant 0 : i32
        %dma_wait3A_109 = arith.constant 0 : i32
        %dma_wait3A_110 = tpu.memref_slice %arg16[%dma_wait3A_108, %dma_wait3A_109] : memref<10240x16xf32, #tpu.memory_space<vmem_shared>> -> memref<10240x16xf32, #tpu.memory_space<vmem_shared>>
        tpu.wait_indirect_dma semaphore(%run_scoped3A_98 : memref<!tpu.dma_semaphore, #tpu.memory_space<semaphore_mem>>) src(%arg15 : memref<80x16xf32, #tpu.memory_space<vmem>>) dst(%dma_wait3A_110 : memref<10240x16xf32, #tpu.memory_space<vmem_shared>>)
        tpu.yield
      }) : () -> ()
      %add3A_78 = arith.constant 1 : i32
      %add3A_79 = arith.addi %mul3A_63, %add3A_78 : i32
      %dma_wait3A_80 = arith.constant 0 : i32
      %dma_wait3A_81 = tpu.memref_slice %arg7[%add3A_79, %dma_wait3A_80] : memref<125x80xi32, #tpu.memory_space<vmem>> -> memref<1x80xi32, #tpu.memory_space<vmem>>
      %dma_wait3A_82 = tpu.memref_squeeze %dma_wait3A_81 : memref<1x80xi32, #tpu.memory_space<vmem>> -> memref<80xi32, #tpu.memory_space<vmem>>
      %dma_wait3A_83 = arith.constant 0 : i32
      %dma_wait3A_84 = arith.constant 0 : i32
      %dma_wait3A_85 = tpu.memref_slice %arg2[%dma_wait3A_83, %dma_wait3A_84] : memref<10000x128xbf16, #tpu.memory_space<hbm>> -> memref<10000x128xbf16, #tpu.memory_space<hbm>>
      tpu.wait_indirect_dma semaphore(%arg13 : memref<!tpu.dma_semaphore, #tpu.memory_space<semaphore_mem>>) src(%dma_wait3A_85 : memref<10000x128xbf16, #tpu.memory_space<hbm>>) dst(%arg10 : memref<80x128xbf16, #tpu.memory_space<vmem>>)
      %add3A_86 = arith.constant 2 : i32
      %add3A_87 = arith.addi %mul3A_63, %add3A_86 : i32
      %dma_start3A_88 = arith.constant 0 : i32
      %dma_start3A_89 = tpu.memref_slice %arg7[%add3A_87, %dma_start3A_88] : memref<125x80xi32, #tpu.memory_space<vmem>> -> memref<1x80xi32, #tpu.memory_space<vmem>>
      %dma_start3A_90 = tpu.memref_squeeze %dma_start3A_89 : memref<1x80xi32, #tpu.memory_space<vmem>> -> memref<80xi32, #tpu.memory_space<vmem>>
      %dma_start3A_91 = arith.constant 0 : i32
      %dma_start3A_92 = arith.constant 0 : i32
      %dma_start3A_93 = tpu.memref_slice %arg2[%dma_start3A_91, %dma_start3A_92] : memref<10000x128xbf16, #tpu.memory_space<hbm>> -> memref<10000x128xbf16, #tpu.memory_space<hbm>>
      tpu.enqueue_indirect_dma source(%dma_start3A_93 : memref<10000x128xbf16, #tpu.memory_space<hbm>>) target(%arg9 : memref<80x128xbf16, #tpu.memory_space<vmem>>) offsets(%dma_start3A_90 : memref<80xi32, #tpu.memory_space<vmem>>) semaphore(%arg12 : memref<!tpu.dma_semaphore, #tpu.memory_space<semaphore_mem>>)
      %add3A_94 = arith.constant 1 : i32
      %add3A_95 = arith.addi %mul3A_63, %add3A_94 : i32
      "tpu.region"() ({
        %run_scoped3A_98 = tpu.sem_alloc : memref<!tpu.dma_semaphore, #tpu.memory_space<semaphore_mem>>
        %dma_start3A_99 = arith.constant 0 : i32
        %dma_start3A_100 = tpu.memref_slice %arg8[%add3A_95, %dma_start3A_99] : memref<125x80xi32, #tpu.memory_space<vmem>> -> memref<1x80xi32, #tpu.memory_space<vmem>>
        %dma_start3A_101 = tpu.memref_squeeze %dma_start3A_100 : memref<1x80xi32, #tpu.memory_space<vmem>> -> memref<80xi32, #tpu.memory_space<vmem>>
        %dma_start3A_102 = arith.constant 0 : i32
        %dma_start3A_103 = arith.constant 0 : i32
        %dma_start3A_104 = tpu.memref_slice %arg11[%dma_start3A_102, %dma_start3A_103] : memref<10240x128xbf16, #tpu.memory_space<vmem_shared>> -> memref<10240x128xbf16, #tpu.memory_space<vmem_shared>>
        tpu.enqueue_indirect_dma source(%arg10 : memref<80x128xbf16, #tpu.memory_space<vmem>>) target(%dma_start3A_104 : memref<10240x128xbf16, #tpu.memory_space<vmem_shared>>) offsets(%dma_start3A_101 : memref<80xi32, #tpu.memory_space<vmem>>) semaphore(%run_scoped3A_98 : memref<!tpu.dma_semaphore, #tpu.memory_space<semaphore_mem>>) {add = true}
        %dma_wait3A_105 = arith.constant 0 : i32
        %dma_wait3A_106 = tpu.memref_slice %arg8[%add3A_95, %dma_wait3A_105] : memref<125x80xi32, #tpu.memory_space<vmem>> -> memref<1x80xi32, #tpu.memory_space<vmem>>
        %dma_wait3A_107 = tpu.memref_squeeze %dma_wait3A_106 : memref<1x80xi32, #tpu.memory_space<vmem>> -> memref<80xi32, #tpu.memory_space<vmem>>
        %dma_wait3A_108 = arith.constant 0 : i32
        %dma_wait3A_109 = arith.constant 0 : i32
        %dma_wait3A_110 = tpu.memref_slice %arg11[%dma_wait3A_108, %dma_wait3A_109] : memref<10240x128xbf16, #tpu.memory_space<vmem_shared>> -> memref<10240x128xbf16, #tpu.memory_space<vmem_shared>>
        tpu.wait_indirect_dma semaphore(%run_scoped3A_98 : memref<!tpu.dma_semaphore, #tpu.memory_space<semaphore_mem>>) src(%arg10 : memref<80x128xbf16, #tpu.memory_space<vmem>>) dst(%dma_wait3A_110 : memref<10240x128xbf16, #tpu.memory_space<vmem_shared>>)
        tpu.yield
      }) : () -> ()
      %add3A_96 = arith.constant 1 : i32
      %add3A_97 = arith.addi %mul3A_63, %add3A_96 : i32
      "tpu.region"() ({
        %run_scoped3A_98 = tpu.sem_alloc : memref<!tpu.dma_semaphore, #tpu.memory_space<semaphore_mem>>
        %dma_start3A_99 = arith.constant 0 : i32
        %dma_start3A_100 = tpu.memref_slice %arg8[%add3A_97, %dma_start3A_99] : memref<125x80xi32, #tpu.memory_space<vmem>> -> memref<1x80xi32, #tpu.memory_space<vmem>>
        %dma_start3A_101 = tpu.memref_squeeze %dma_start3A_100 : memref<1x80xi32, #tpu.memory_space<vmem>> -> memref<80xi32, #tpu.memory_space<vmem>>
        %dma_start3A_102 = arith.constant 0 : i32
        %dma_start3A_103 = arith.constant 0 : i32
        %dma_start3A_104 = tpu.memref_slice %arg16[%dma_start3A_102, %dma_start3A_103] : memref<10240x16xf32, #tpu.memory_space<vmem_shared>> -> memref<10240x16xf32, #tpu.memory_space<vmem_shared>>
        tpu.enqueue_indirect_dma source(%arg15 : memref<80x16xf32, #tpu.memory_space<vmem>>) target(%dma_start3A_104 : memref<10240x16xf32, #tpu.memory_space<vmem_shared>>) offsets(%dma_start3A_101 : memref<80xi32, #tpu.memory_space<vmem>>) semaphore(%run_scoped3A_98 : memref<!tpu.dma_semaphore, #tpu.memory_space<semaphore_mem>>) {add = true}
        %dma_wait3A_105 = arith.constant 0 : i32
        %dma_wait3A_106 = tpu.memref_slice %arg8[%add3A_97, %dma_wait3A_105] : memref<125x80xi32, #tpu.memory_space<vmem>> -> memref<1x80xi32, #tpu.memory_space<vmem>>
        %dma_wait3A_107 = tpu.memref_squeeze %dma_wait3A_106 : memref<1x80xi32, #tpu.memory_space<vmem>> -> memref<80xi32, #tpu.memory_space<vmem>>
        %dma_wait3A_108 = arith.constant 0 : i32
        %dma_wait3A_109 = arith.constant 0 : i32
        %dma_wait3A_110 = tpu.memref_slice %arg16[%dma_wait3A_108, %dma_wait3A_109] : memref<10240x16xf32, #tpu.memory_space<vmem_shared>> -> memref<10240x16xf32, #tpu.memory_space<vmem_shared>>
        tpu.wait_indirect_dma semaphore(%run_scoped3A_98 : memref<!tpu.dma_semaphore, #tpu.memory_space<semaphore_mem>>) src(%arg15 : memref<80x16xf32, #tpu.memory_space<vmem>>) dst(%dma_wait3A_110 : memref<10240x16xf32, #tpu.memory_space<vmem_shared>>)
        tpu.yield
      }) : () -> ()
    }
    %scan3A_52 = arith.constant 62 : i32
    %dma_wait3A = arith.constant 124 : i32
    %dma_wait3A_53 = arith.constant 0 : i32
    %dma_wait3A_54 = tpu.memref_slice %arg7[%dma_wait3A, %dma_wait3A_53] : memref<125x80xi32, #tpu.memory_space<vmem>> -> memref<1x80xi32, #tpu.memory_space<vmem>>
    %dma_wait3A_55 = tpu.memref_squeeze %dma_wait3A_54 : memref<1x80xi32, #tpu.memory_space<vmem>> -> memref<80xi32, #tpu.memory_space<vmem>>
    %dma_wait3A_56 = arith.constant 0 : i32
    %dma_wait3A_57 = arith.constant 0 : i32
    %dma_wait3A_58 = tpu.memref_slice %arg2[%dma_wait3A_56, %dma_wait3A_57] : memref<10000x128xbf16, #tpu.memory_space<hbm>> -> memref<10000x128xbf16, #tpu.memory_space<hbm>>
    tpu.wait_indirect_dma semaphore(%arg12 : memref<!tpu.dma_semaphore, #tpu.memory_space<semaphore_mem>>) src(%dma_wait3A_58 : memref<10000x128xbf16, #tpu.memory_space<hbm>>) dst(%arg9 : memref<80x128xbf16, #tpu.memory_space<vmem>>)
    %run_scoped3A = arith.constant 124 : i32
    "tpu.region"() ({
      %run_scoped3A_61 = tpu.sem_alloc : memref<!tpu.dma_semaphore, #tpu.memory_space<semaphore_mem>>
      %dma_start3A_62 = arith.constant 0 : i32
      %dma_start3A_63 = tpu.memref_slice %arg8[%run_scoped3A, %dma_start3A_62] : memref<125x80xi32, #tpu.memory_space<vmem>> -> memref<1x80xi32, #tpu.memory_space<vmem>>
      %dma_start3A_64 = tpu.memref_squeeze %dma_start3A_63 : memref<1x80xi32, #tpu.memory_space<vmem>> -> memref<80xi32, #tpu.memory_space<vmem>>
      %dma_start3A_65 = arith.constant 0 : i32
      %dma_start3A_66 = arith.constant 0 : i32
      %dma_start3A_67 = tpu.memref_slice %arg11[%dma_start3A_65, %dma_start3A_66] : memref<10240x128xbf16, #tpu.memory_space<vmem_shared>> -> memref<10240x128xbf16, #tpu.memory_space<vmem_shared>>
      tpu.enqueue_indirect_dma source(%arg9 : memref<80x128xbf16, #tpu.memory_space<vmem>>) target(%dma_start3A_67 : memref<10240x128xbf16, #tpu.memory_space<vmem_shared>>) offsets(%dma_start3A_64 : memref<80xi32, #tpu.memory_space<vmem>>) semaphore(%run_scoped3A_61 : memref<!tpu.dma_semaphore, #tpu.memory_space<semaphore_mem>>) {add = true}
      %dma_wait3A_68 = arith.constant 0 : i32
      %dma_wait3A_69 = tpu.memref_slice %arg8[%run_scoped3A, %dma_wait3A_68] : memref<125x80xi32, #tpu.memory_space<vmem>> -> memref<1x80xi32, #tpu.memory_space<vmem>>
      %dma_wait3A_70 = tpu.memref_squeeze %dma_wait3A_69 : memref<1x80xi32, #tpu.memory_space<vmem>> -> memref<80xi32, #tpu.memory_space<vmem>>
      %dma_wait3A_71 = arith.constant 0 : i32
      %dma_wait3A_72 = arith.constant 0 : i32
      %dma_wait3A_73 = tpu.memref_slice %arg11[%dma_wait3A_71, %dma_wait3A_72] : memref<10240x128xbf16, #tpu.memory_space<vmem_shared>> -> memref<10240x128xbf16, #tpu.memory_space<vmem_shared>>
      tpu.wait_indirect_dma semaphore(%run_scoped3A_61 : memref<!tpu.dma_semaphore, #tpu.memory_space<semaphore_mem>>) src(%arg9 : memref<80x128xbf16, #tpu.memory_space<vmem>>) dst(%dma_wait3A_73 : memref<10240x128xbf16, #tpu.memory_space<vmem_shared>>)
      tpu.yield
    }) : () -> ()
    %run_scoped3A_59 = arith.constant 124 : i32
    "tpu.region"() ({
      %run_scoped3A_61 = tpu.sem_alloc : memref<!tpu.dma_semaphore, #tpu.memory_space<semaphore_mem>>
      %dma_start3A_62 = arith.constant 0 : i32
      %dma_start3A_63 = tpu.memref_slice %arg8[%run_scoped3A_59, %dma_start3A_62] : memref<125x80xi32, #tpu.memory_space<vmem>> -> memref<1x80xi32, #tpu.memory_space<vmem>>
      %dma_start3A_64 = tpu.memref_squeeze %dma_start3A_63 : memref<1x80xi32, #tpu.memory_space<vmem>> -> memref<80xi32, #tpu.memory_space<vmem>>
      %dma_start3A_65 = arith.constant 0 : i32
      %dma_start3A_66 = arith.constant 0 : i32
      %dma_start3A_67 = tpu.memref_slice %arg16[%dma_start3A_65, %dma_start3A_66] : memref<10240x16xf32, #tpu.memory_space<vmem_shared>> -> memref<10240x16xf32, #tpu.memory_space<vmem_shared>>
      tpu.enqueue_indirect_dma source(%arg15 : memref<80x16xf32, #tpu.memory_space<vmem>>) target(%dma_start3A_67 : memref<10240x16xf32, #tpu.memory_space<vmem_shared>>) offsets(%dma_start3A_64 : memref<80xi32, #tpu.memory_space<vmem>>) semaphore(%run_scoped3A_61 : memref<!tpu.dma_semaphore, #tpu.memory_space<semaphore_mem>>) {add = true}
      %dma_wait3A_68 = arith.constant 0 : i32
      %dma_wait3A_69 = tpu.memref_slice %arg8[%run_scoped3A_59, %dma_wait3A_68] : memref<125x80xi32, #tpu.memory_space<vmem>> -> memref<1x80xi32, #tpu.memory_space<vmem>>
      %dma_wait3A_70 = tpu.memref_squeeze %dma_wait3A_69 : memref<1x80xi32, #tpu.memory_space<vmem>> -> memref<80xi32, #tpu.memory_space<vmem>>
      %dma_wait3A_71 = arith.constant 0 : i32
      %dma_wait3A_72 = arith.constant 0 : i32
      %dma_wait3A_73 = tpu.memref_slice %arg16[%dma_wait3A_71, %dma_wait3A_72] : memref<10240x16xf32, #tpu.memory_space<vmem_shared>> -> memref<10240x16xf32, #tpu.memory_space<vmem_shared>>
      tpu.wait_indirect_dma semaphore(%run_scoped3A_61 : memref<!tpu.dma_semaphore, #tpu.memory_space<semaphore_mem>>) src(%arg15 : memref<80x16xf32, #tpu.memory_space<vmem>>) dst(%dma_wait3A_73 : memref<10240x16xf32, #tpu.memory_space<vmem_shared>>)
      tpu.yield
    }) : () -> ()
    %barrier3A_60 = arith.constant 0 : index
    tpu.barrier barrier_id(%barrier3A_60)
    "tpu.region"() ({
      %run_scoped3A_61 = tpu.sem_alloc : memref<!tpu.dma_semaphore, #tpu.memory_space<semaphore_mem>>
      %dma_start3A_62 = arith.constant 0 : i32
      %dma_start3A_63 = tpu.memref_slice %arg5[%arg0, %mul3A_8, %dma_start3A_62] : memref<2x10240x128xbf16, #tpu.memory_space<hbm>> -> memref<1x640x128xbf16, #tpu.memory_space<hbm>>
      %dma_start3A_64 = tpu.memref_squeeze %dma_start3A_63 : memref<1x640x128xbf16, #tpu.memory_space<hbm>> -> memref<640x128xbf16, #tpu.memory_space<hbm>>
      %dma_start3A_65 = arith.constant 0 : i32
      %dma_start3A_66 = tpu.memref_slice %arg11[%mul3A_8, %dma_start3A_65] : memref<10240x128xbf16, #tpu.memory_space<vmem_shared>> -> memref<640x128xbf16, #tpu.memory_space<vmem_shared>>
      tpu.enqueue_dma source(%dma_start3A_66 : memref<640x128xbf16, #tpu.memory_space<vmem_shared>>) target(%dma_start3A_64 : memref<640x128xbf16, #tpu.memory_space<hbm>>) target_semaphore(%run_scoped3A_61 : memref<!tpu.dma_semaphore, #tpu.memory_space<semaphore_mem>>)
      %dma_wait3A_67 = arith.constant 0 : i32
      %dma_wait3A_68 = tpu.memref_slice %arg5[%arg0, %mul3A_8, %dma_wait3A_67] : memref<2x10240x128xbf16, #tpu.memory_space<hbm>> -> memref<1x640x128xbf16, #tpu.memory_space<hbm>>
      %dma_wait3A_69 = tpu.memref_squeeze %dma_wait3A_68 : memref<1x640x128xbf16, #tpu.memory_space<hbm>> -> memref<640x128xbf16, #tpu.memory_space<hbm>>
      %dma_wait3A_70 = arith.constant 0 : i32
      %dma_wait3A_71 = tpu.memref_slice %arg11[%mul3A_8, %dma_wait3A_70] : memref<10240x128xbf16, #tpu.memory_space<vmem_shared>> -> memref<640x128xbf16, #tpu.memory_space<vmem_shared>>
      tpu.wait_dma2 semaphore(%run_scoped3A_61 : memref<!tpu.dma_semaphore, #tpu.memory_space<semaphore_mem>>) src(%dma_wait3A_71 : memref<640x128xbf16, #tpu.memory_space<vmem_shared>>) dst(%dma_wait3A_69 : memref<640x128xbf16, #tpu.memory_space<hbm>>)
      tpu.yield
    }) : () -> ()
    "tpu.region"() ({
      %run_scoped3A_61 = tpu.sem_alloc : memref<!tpu.dma_semaphore, #tpu.memory_space<semaphore_mem>>
      %dma_start3A_62 = arith.constant 0 : i32
      %dma_start3A_63 = tpu.memref_slice %arg6[%arg0, %mul3A_8, %dma_start3A_62] : memref<2x10240x16xf32, #tpu.memory_space<hbm>> -> memref<1x640x16xf32, #tpu.memory_space<hbm>>
      %dma_start3A_64 = tpu.memref_squeeze %dma_start3A_63 : memref<1x640x16xf32, #tpu.memory_space<hbm>> -> memref<640x16xf32, #tpu.memory_space<hbm>>
      %dma_start3A_65 = arith.constant 0 : i32
      %dma_start3A_66 = tpu.memref_slice %arg16[%mul3A_8, %dma_start3A_65] : memref<10240x16xf32, #tpu.memory_space<vmem_shared>> -> memref<640x16xf32, #tpu.memory_space<vmem_shared>>
      tpu.enqueue_dma source(%dma_start3A_66 : memref<640x16xf32, #tpu.memory_space<vmem_shared>>) target(%dma_start3A_64 : memref<640x16xf32, #tpu.memory_space<hbm>>) target_semaphore(%run_scoped3A_61 : memref<!tpu.dma_semaphore, #tpu.memory_space<semaphore_mem>>)
      %dma_wait3A_67 = arith.constant 0 : i32
      %dma_wait3A_68 = tpu.memref_slice %arg6[%arg0, %mul3A_8, %dma_wait3A_67] : memref<2x10240x16xf32, #tpu.memory_space<hbm>> -> memref<1x640x16xf32, #tpu.memory_space<hbm>>
      %dma_wait3A_69 = tpu.memref_squeeze %dma_wait3A_68 : memref<1x640x16xf32, #tpu.memory_space<hbm>> -> memref<640x16xf32, #tpu.memory_space<hbm>>
      %dma_wait3A_70 = arith.constant 0 : i32
      %dma_wait3A_71 = tpu.memref_slice %arg16[%mul3A_8, %dma_wait3A_70] : memref<10240x16xf32, #tpu.memory_space<vmem_shared>> -> memref<640x16xf32, #tpu.memory_space<vmem_shared>>
      tpu.wait_dma2 semaphore(%run_scoped3A_61 : memref<!tpu.dma_semaphore, #tpu.memory_space<semaphore_mem>>) src(%dma_wait3A_71 : memref<640x16xf32, #tpu.memory_space<vmem_shared>>) dst(%dma_wait3A_69 : memref<640x16xf32, #tpu.memory_space<hbm>>)
      tpu.yield
    }) : () -> ()
    return
  }
}

module attributes {stable_mosaic.version = 14 : i64} {
  func.func @_dense0_body(%arg0: i32, %arg1: memref<2x2000x128xbf16, #tpu.memory_space<vmem>>, %arg2: memref<2x2000x16xf32, #tpu.memory_space<vmem>>, %arg3: memref<128x128xf32, #tpu.memory_space<vmem>>, %arg4: memref<1x128xf32, #tpu.memory_space<vmem>>, %arg5: memref<2000x128xbf16, #tpu.memory_space<vmem>>, %arg6: memref<2000x128xf32, #tpu.memory_space<vmem>>) attributes {dimension_semantics = [#tpu.dimension_semantics<arbitrary>], iteration_bounds = array<i64: 5>, scalar_prefetch = 0 : i64, scratch_operands = 0 : i64, tpu.core_type = #tpu.core_type<tc>, window_params = [{transform_indices = @transform_0, window_bounds = array<i64: 2, 2000, 128>}, {transform_indices = @transform_1, window_bounds = array<i64: 2, 2000, 16>}, {pipeline_mode = #tpu.pipeline_mode<synchronous>, transform_indices = @transform_2, window_bounds = array<i64: 128, 128>}, {pipeline_mode = #tpu.pipeline_mode<synchronous>, transform_indices = @transform_3, window_bounds = array<i64: 1, 128>}, {transform_indices = @transform_4, window_bounds = array<i64: 2000, 128>}, {transform_indices = @transform_5, window_bounds = array<i64: 2000, 128>}]} {
    %get3A = arith.constant 0 : index
    %get3A_0 = arith.constant 0 : index
    %get3A_1 = arith.constant 0 : index
    %get3A_2 = vector.load %arg1[%get3A, %get3A_0, %get3A_1] : memref<2x2000x128xbf16, #tpu.memory_space<vmem>>, vector<2x2000x128xbf16>
    %convert_element_type3A = arith.extf %get3A_2 : vector<2x2000x128xbf16> to vector<2x2000x128xf32>
    %slice3A = vector.extract_strided_slice %convert_element_type3A {offsets = [0, 0, 0], sizes = [1, 2000, 128], strides = [1, 1, 1]} : vector<2x2000x128xf32> to vector<1x2000x128xf32>
    %squeeze3A = vector.shape_cast %slice3A : vector<1x2000x128xf32> to vector<2000x128xf32>
    %slice3A_3 = vector.extract_strided_slice %convert_element_type3A {offsets = [1, 0, 0], sizes = [1, 2000, 128], strides = [1, 1, 1]} : vector<2x2000x128xf32> to vector<1x2000x128xf32>
    %squeeze3A_4 = vector.shape_cast %slice3A_3 : vector<1x2000x128xf32> to vector<2000x128xf32>
    %add3A = arith.addf %squeeze3A, %squeeze3A_4 : vector<2000x128xf32>
    %get3A_5 = arith.constant 0 : index
    %get3A_6 = arith.constant 0 : index
    %get3A_7 = arith.constant 0 : index
    %get3A_8 = vector.load %arg2[%get3A_5, %get3A_6, %get3A_7] : memref<2x2000x16xf32, #tpu.memory_space<vmem>>, vector<2x2000x16xf32>
    %slice3A_9 = vector.extract_strided_slice %get3A_8 {offsets = [0, 0, 0], sizes = [1, 2000, 16], strides = [1, 1, 1]} : vector<2x2000x16xf32> to vector<1x2000x16xf32>
    %squeeze3A_10 = vector.shape_cast %slice3A_9 : vector<1x2000x16xf32> to vector<2000x16xf32>
    %reduce_sum3A = arith.constant dense<0.000000e+00> : vector<2000xf32>
    %reduce_sum3A_11 = vector.multi_reduction <add>, %squeeze3A_10, %reduce_sum3A [1] : vector<2000x16xf32> to vector<2000xf32>
    %slice3A_12 = vector.extract_strided_slice %get3A_8 {offsets = [1, 0, 0], sizes = [1, 2000, 16], strides = [1, 1, 1]} : vector<2x2000x16xf32> to vector<1x2000x16xf32>
    %squeeze3A_13 = vector.shape_cast %slice3A_12 : vector<1x2000x16xf32> to vector<2000x16xf32>
    %reduce_sum3A_14 = arith.constant dense<0.000000e+00> : vector<2000xf32>
    %reduce_sum3A_15 = vector.multi_reduction <add>, %squeeze3A_13, %reduce_sum3A_14 [1] : vector<2000x16xf32> to vector<2000xf32>
    %add3A_16 = arith.addf %reduce_sum3A_11, %reduce_sum3A_15 : vector<2000xf32>
    %mul3A = arith.constant 6.250000e-02 : f32
    %mul3A_17 = vector.broadcast %mul3A : f32 to vector<2000xf32>
    %mul3A_18 = arith.mulf %add3A_16, %mul3A_17 : vector<2000xf32>
    %max3A = arith.constant 1.000000e+00 : f32
    %max3A_19 = vector.broadcast %max3A : f32 to vector<2000xf32>
    %max3A_20 = arith.maximumf %mul3A_18, %max3A_19 : vector<2000xf32>
    %broadcast_in_dim3A = vector.shape_cast %max3A_20 : vector<2000xf32> to vector<2000x1xf32>
    %div3A = vector.broadcast %broadcast_in_dim3A : vector<2000x1xf32> to vector<2000x128xf32>
    %div3A_21 = arith.divf %add3A, %div3A : vector<2000x128xf32>
    %get3A_22 = arith.constant 0 : index
    %get3A_23 = arith.constant 0 : index
    %get3A_24 = vector.load %arg3[%get3A_22, %get3A_23] : memref<128x128xf32, #tpu.memory_space<vmem>>, vector<128x128xf32>
    %dot_general3A = arith.constant dense<0.000000e+00> : vector<2000x128xf32>
    %dot_general3A_25 = tpu.matmul %div3A_21, %get3A_24, %dot_general3A {dimension_numbers = #tpu.dot_dimension_numbers<[1], [0], [0], [1], [0, 0, 1, 1], [], []>, transpose_lhs_hint = false} : vector<2000x128xf32>, vector<128x128xf32>, vector<2000x128xf32> -> vector<2000x128xf32>
    %get3A_26 = arith.constant 0 : index
    %get3A_27 = arith.constant 0 : index
    %get3A_28 = vector.load %arg4[%get3A_26, %get3A_27] : memref<1x128xf32, #tpu.memory_space<vmem>>, vector<1x128xf32>
    %add3A_29 = vector.broadcast %get3A_28 : vector<1x128xf32> to vector<2000x128xf32>
    %add3A_30 = arith.addf %dot_general3A_25, %add3A_29 : vector<2000x128xf32>
    %max3A_31 = arith.constant 0.000000e+00 : f32
    %max3A_32 = vector.broadcast %max3A_31 : f32 to vector<2000x128xf32>
    %max3A_33 = arith.maximumf %add3A_30, %max3A_32 : vector<2000x128xf32>
    %convert_element_type3A_34 = arith.truncf %max3A_33 : vector<2000x128xf32> to vector<2000x128xbf16>
    %swap3A = arith.constant 0 : index
    %swap3A_35 = arith.constant 0 : index
    %swap3A_36 = vector.load %arg5[%swap3A, %swap3A_35] : memref<2000x128xbf16, #tpu.memory_space<vmem>>, vector<2000x128xbf16>
    tpu.vector_store %arg5[%swap3A, %swap3A_35], %convert_element_type3A_34 {strides = array<i32>} : memref<2000x128xbf16, #tpu.memory_space<vmem>>, vector<2000x128xbf16>,
    %broadcast_in_dim3A_37 = vector.shape_cast %broadcast_in_dim3A : vector<2000x1xf32> to vector<2000x1xf32>
    %broadcast_in_dim3A_38 = vector.broadcast %broadcast_in_dim3A_37 : vector<2000x1xf32> to vector<2000x128xf32>
    %swap3A_39 = arith.constant 0 : index
    %swap3A_40 = arith.constant 0 : index
    %swap3A_41 = vector.load %arg6[%swap3A_39, %swap3A_40] : memref<2000x128xf32, #tpu.memory_space<vmem>>, vector<2000x128xf32>
    tpu.vector_store %arg6[%swap3A_39, %swap3A_40], %broadcast_in_dim3A_38 {strides = array<i32>} : memref<2000x128xf32, #tpu.memory_space<vmem>>, vector<2000x128xf32>,
    return
  }
  func.func @transform_0(%arg0: i32) -> (i32, i32, i32) {
    %c0_i32 = arith.constant 0 : i32
    %c0_i32_0 = arith.constant 0 : i32
    %c0_i32_1 = arith.constant 0 : i32
    return %c0_i32, %arg0, %c0_i32_0 : i32, i32, i32
  }
  func.func @transform_1(%arg0: i32) -> (i32, i32, i32) {
    %c0_i32 = arith.constant 0 : i32
    %c0_i32_0 = arith.constant 0 : i32
    %c0_i32_1 = arith.constant 0 : i32
    return %c0_i32, %arg0, %c0_i32_0 : i32, i32, i32
  }
  func.func @transform_2(%arg0: i32) -> (i32, i32) {
    %c0_i32 = arith.constant 0 : i32
    %c0_i32_0 = arith.constant 0 : i32
    %c0_i32_1 = arith.constant 0 : i32
    return %c0_i32, %c0_i32_0 : i32, i32
  }
  func.func @transform_3(%arg0: i32) -> (i32, i32) {
    %c0_i32 = arith.constant 0 : i32
    %c0_i32_0 = arith.constant 0 : i32
    %c0_i32_1 = arith.constant 0 : i32
    return %c0_i32, %c0_i32_0 : i32, i32
  }
  func.func @transform_4(%arg0: i32) -> (i32, i32) {
    %c0_i32 = arith.constant 0 : i32
    %c0_i32_0 = arith.constant 0 : i32
    return %arg0, %c0_i32 : i32, i32
  }
  func.func @transform_5(%arg0: i32) -> (i32, i32) {
    %c0_i32 = arith.constant 0 : i32
    %c0_i32_0 = arith.constant 0 : i32
    return %arg0, %c0_i32 : i32, i32
  }
}

module attributes {stable_mosaic.version = 14 : i64} {
  func.func @_dense_body(%arg0: i32, %arg1: memref<2x2000x128xbf16, #tpu.memory_space<vmem>>, %arg2: memref<2000x128xf32, #tpu.memory_space<vmem>>, %arg3: memref<128x128xf32, #tpu.memory_space<vmem>>, %arg4: memref<1x128xf32, #tpu.memory_space<vmem>>, %arg5: memref<2000x128xbf16, #tpu.memory_space<vmem>>) attributes {dimension_semantics = [#tpu.dimension_semantics<arbitrary>], iteration_bounds = array<i64: 5>, scalar_prefetch = 0 : i64, scratch_operands = 0 : i64, tpu.core_type = #tpu.core_type<tc>, window_params = [{transform_indices = @transform_0, window_bounds = array<i64: 2, 2000, 128>}, {transform_indices = @transform_1, window_bounds = array<i64: 2000, 128>}, {pipeline_mode = #tpu.pipeline_mode<synchronous>, transform_indices = @transform_2, window_bounds = array<i64: 128, 128>}, {pipeline_mode = #tpu.pipeline_mode<synchronous>, transform_indices = @transform_3, window_bounds = array<i64: 1, 128>}, {transform_indices = @transform_4, window_bounds = array<i64: 2000, 128>}]} {
    %get3A = arith.constant 0 : index
    %get3A_0 = arith.constant 0 : index
    %get3A_1 = arith.constant 0 : index
    %get3A_2 = vector.load %arg1[%get3A, %get3A_0, %get3A_1] : memref<2x2000x128xbf16, #tpu.memory_space<vmem>>, vector<2x2000x128xbf16>
    %convert_element_type3A = arith.extf %get3A_2 : vector<2x2000x128xbf16> to vector<2x2000x128xf32>
    %slice3A = vector.extract_strided_slice %convert_element_type3A {offsets = [0, 0, 0], sizes = [1, 2000, 128], strides = [1, 1, 1]} : vector<2x2000x128xf32> to vector<1x2000x128xf32>
    %squeeze3A = vector.shape_cast %slice3A : vector<1x2000x128xf32> to vector<2000x128xf32>
    %slice3A_3 = vector.extract_strided_slice %convert_element_type3A {offsets = [1, 0, 0], sizes = [1, 2000, 128], strides = [1, 1, 1]} : vector<2x2000x128xf32> to vector<1x2000x128xf32>
    %squeeze3A_4 = vector.shape_cast %slice3A_3 : vector<1x2000x128xf32> to vector<2000x128xf32>
    %add3A = arith.addf %squeeze3A, %squeeze3A_4 : vector<2000x128xf32>
    %get3A_5 = arith.constant 0 : index
    %get3A_6 = arith.constant 0 : index
    %get3A_7 = vector.load %arg2[%get3A_5, %get3A_6] : memref<2000x128xf32, #tpu.memory_space<vmem>>, vector<2000x128xf32>
    %div3A = arith.divf %add3A, %get3A_7 : vector<2000x128xf32>
    %get3A_8 = arith.constant 0 : index
    %get3A_9 = arith.constant 0 : index
    %get3A_10 = vector.load %arg3[%get3A_8, %get3A_9] : memref<128x128xf32, #tpu.memory_space<vmem>>, vector<128x128xf32>
    %dot_general3A = arith.constant dense<0.000000e+00> : vector<2000x128xf32>
    %dot_general3A_11 = tpu.matmul %div3A, %get3A_10, %dot_general3A {dimension_numbers = #tpu.dot_dimension_numbers<[1], [0], [0], [1], [0, 0, 1, 1], [], []>, transpose_lhs_hint = false} : vector<2000x128xf32>, vector<128x128xf32>, vector<2000x128xf32> -> vector<2000x128xf32>
    %get3A_12 = arith.constant 0 : index
    %get3A_13 = arith.constant 0 : index
    %get3A_14 = vector.load %arg4[%get3A_12, %get3A_13] : memref<1x128xf32, #tpu.memory_space<vmem>>, vector<1x128xf32>
    %add3A_15 = vector.broadcast %get3A_14 : vector<1x128xf32> to vector<2000x128xf32>
    %add3A_16 = arith.addf %dot_general3A_11, %add3A_15 : vector<2000x128xf32>
    %max3A = arith.constant 0.000000e+00 : f32
    %max3A_17 = vector.broadcast %max3A : f32 to vector<2000x128xf32>
    %max3A_18 = arith.maximumf %add3A_16, %max3A_17 : vector<2000x128xf32>
    %convert_element_type3A_19 = arith.truncf %max3A_18 : vector<2000x128xf32> to vector<2000x128xbf16>
    %swap3A = arith.constant 0 : index
    %swap3A_20 = arith.constant 0 : index
    %swap3A_21 = vector.load %arg5[%swap3A, %swap3A_20] : memref<2000x128xbf16, #tpu.memory_space<vmem>>, vector<2000x128xbf16>
    tpu.vector_store %arg5[%swap3A, %swap3A_20], %convert_element_type3A_19 {strides = array<i32>} : memref<2000x128xbf16, #tpu.memory_space<vmem>>, vector<2000x128xbf16>,
    return
  }
  func.func @transform_0(%arg0: i32) -> (i32, i32, i32) {
    %c0_i32 = arith.constant 0 : i32
    %c0_i32_0 = arith.constant 0 : i32
    %c0_i32_1 = arith.constant 0 : i32
    return %c0_i32, %arg0, %c0_i32_0 : i32, i32, i32
  }
  func.func @transform_1(%arg0: i32) -> (i32, i32) {
    %c0_i32 = arith.constant 0 : i32
    %c0_i32_0 = arith.constant 0 : i32
    return %arg0, %c0_i32 : i32, i32
  }
  func.func @transform_2(%arg0: i32) -> (i32, i32) {
    %c0_i32 = arith.constant 0 : i32
    %c0_i32_0 = arith.constant 0 : i32
    %c0_i32_1 = arith.constant 0 : i32
    return %c0_i32, %c0_i32_0 : i32, i32
  }
  func.func @transform_3(%arg0: i32) -> (i32, i32) {
    %c0_i32 = arith.constant 0 : i32
    %c0_i32_0 = arith.constant 0 : i32
    %c0_i32_1 = arith.constant 0 : i32
    return %c0_i32, %c0_i32_0 : i32, i32
  }
  func.func @transform_4(%arg0: i32) -> (i32, i32) {
    %c0_i32 = arith.constant 0 : i32
    %c0_i32_0 = arith.constant 0 : i32
    return %arg0, %c0_i32 : i32, i32
  }
}

module attributes {stable_mosaic.version = 14 : i64} {
  func.func @_dense_body(%arg0: i32, %arg1: memref<2x2000x128xbf16, #tpu.memory_space<vmem>>, %arg2: memref<2000x128xf32, #tpu.memory_space<vmem>>, %arg3: memref<128x128xf32, #tpu.memory_space<vmem>>, %arg4: memref<1x128xf32, #tpu.memory_space<vmem>>, %arg5: memref<2000x128xf32, #tpu.memory_space<vmem>>) attributes {dimension_semantics = [#tpu.dimension_semantics<arbitrary>], iteration_bounds = array<i64: 5>, scalar_prefetch = 0 : i64, scratch_operands = 0 : i64, tpu.core_type = #tpu.core_type<tc>, window_params = [{transform_indices = @transform_0, window_bounds = array<i64: 2, 2000, 128>}, {transform_indices = @transform_1, window_bounds = array<i64: 2000, 128>}, {pipeline_mode = #tpu.pipeline_mode<synchronous>, transform_indices = @transform_2, window_bounds = array<i64: 128, 128>}, {pipeline_mode = #tpu.pipeline_mode<synchronous>, transform_indices = @transform_3, window_bounds = array<i64: 1, 128>}, {transform_indices = @transform_4, window_bounds = array<i64: 2000, 128>}]} {
    %get3A = arith.constant 0 : index
    %get3A_0 = arith.constant 0 : index
    %get3A_1 = arith.constant 0 : index
    %get3A_2 = vector.load %arg1[%get3A, %get3A_0, %get3A_1] : memref<2x2000x128xbf16, #tpu.memory_space<vmem>>, vector<2x2000x128xbf16>
    %convert_element_type3A = arith.extf %get3A_2 : vector<2x2000x128xbf16> to vector<2x2000x128xf32>
    %slice3A = vector.extract_strided_slice %convert_element_type3A {offsets = [0, 0, 0], sizes = [1, 2000, 128], strides = [1, 1, 1]} : vector<2x2000x128xf32> to vector<1x2000x128xf32>
    %squeeze3A = vector.shape_cast %slice3A : vector<1x2000x128xf32> to vector<2000x128xf32>
    %slice3A_3 = vector.extract_strided_slice %convert_element_type3A {offsets = [1, 0, 0], sizes = [1, 2000, 128], strides = [1, 1, 1]} : vector<2x2000x128xf32> to vector<1x2000x128xf32>
    %squeeze3A_4 = vector.shape_cast %slice3A_3 : vector<1x2000x128xf32> to vector<2000x128xf32>
    %add3A = arith.addf %squeeze3A, %squeeze3A_4 : vector<2000x128xf32>
    %get3A_5 = arith.constant 0 : index
    %get3A_6 = arith.constant 0 : index
    %get3A_7 = vector.load %arg2[%get3A_5, %get3A_6] : memref<2000x128xf32, #tpu.memory_space<vmem>>, vector<2000x128xf32>
    %div3A = arith.divf %add3A, %get3A_7 : vector<2000x128xf32>
    %get3A_8 = arith.constant 0 : index
    %get3A_9 = arith.constant 0 : index
    %get3A_10 = vector.load %arg3[%get3A_8, %get3A_9] : memref<128x128xf32, #tpu.memory_space<vmem>>, vector<128x128xf32>
    %dot_general3A = arith.constant dense<0.000000e+00> : vector<2000x128xf32>
    %dot_general3A_11 = tpu.matmul %div3A, %get3A_10, %dot_general3A {dimension_numbers = #tpu.dot_dimension_numbers<[1], [0], [0], [1], [0, 0, 1, 1], [], []>, transpose_lhs_hint = false} : vector<2000x128xf32>, vector<128x128xf32>, vector<2000x128xf32> -> vector<2000x128xf32>
    %get3A_12 = arith.constant 0 : index
    %get3A_13 = arith.constant 0 : index
    %get3A_14 = vector.load %arg4[%get3A_12, %get3A_13] : memref<1x128xf32, #tpu.memory_space<vmem>>, vector<1x128xf32>
    %add3A_15 = vector.broadcast %get3A_14 : vector<1x128xf32> to vector<2000x128xf32>
    %add3A_16 = arith.addf %dot_general3A_11, %add3A_15 : vector<2000x128xf32>
    %max3A = arith.constant 0.000000e+00 : f32
    %max3A_17 = vector.broadcast %max3A : f32 to vector<2000x128xf32>
    %max3A_18 = arith.maximumf %add3A_16, %max3A_17 : vector<2000x128xf32>
    %swap3A = arith.constant 0 : index
    %swap3A_19 = arith.constant 0 : index
    %swap3A_20 = vector.load %arg5[%swap3A, %swap3A_19] : memref<2000x128xf32, #tpu.memory_space<vmem>>, vector<2000x128xf32>
    tpu.vector_store %arg5[%swap3A, %swap3A_19], %max3A_18 {strides = array<i32>} : memref<2000x128xf32, #tpu.memory_space<vmem>>, vector<2000x128xf32>,
    return
  }
  func.func @transform_0(%arg0: i32) -> (i32, i32, i32) {
    %c0_i32 = arith.constant 0 : i32
    %c0_i32_0 = arith.constant 0 : i32
    %c0_i32_1 = arith.constant 0 : i32
    return %c0_i32, %arg0, %c0_i32_0 : i32, i32, i32
  }
  func.func @transform_1(%arg0: i32) -> (i32, i32) {
    %c0_i32 = arith.constant 0 : i32
    %c0_i32_0 = arith.constant 0 : i32
    return %arg0, %c0_i32 : i32, i32
  }
  func.func @transform_2(%arg0: i32) -> (i32, i32) {
    %c0_i32 = arith.constant 0 : i32
    %c0_i32_0 = arith.constant 0 : i32
    %c0_i32_1 = arith.constant 0 : i32
    return %c0_i32, %c0_i32_0 : i32, i32
  }
  func.func @transform_3(%arg0: i32) -> (i32, i32) {
    %c0_i32 = arith.constant 0 : i32
    %c0_i32_0 = arith.constant 0 : i32
    %c0_i32_1 = arith.constant 0 : i32
    return %c0_i32, %c0_i32_0 : i32, i32
  }
  func.func @transform_4(%arg0: i32) -> (i32, i32) {
    %c0_i32 = arith.constant 0 : i32
    %c0_i32_0 = arith.constant 0 : i32
    return %arg0, %c0_i32 : i32, i32
  }
}

</mosaic_0001>

<sc_bundles>
// kernel: kernel.11.cloned.1.call-start
scs
__scs_entry_jumppad:
0x0: {  	(pc) =	sbr.rel $0x88, $3  }
0x1: {  	(tag) =	ssettag $0x0;
	lr =	simm.s32 $0x1  }
0x2: {  	[smem:$0x3F99] =	sst lr;
	_ =	strace $0xD0000000  }
0x3: {  	_ = 	snop  }
0x4: {  	_ = 	snop  }
0x5: {  	_ = 	snop  }
0x6: {  	_ = 	snop  }
0x7: {  	_ = 	snop  }
__scs_overlays_trampoline_lowered:
0x8: {  	[smem:$0x3FA8] =	sst s0  }
0x9: {  	[smem:$0x3FA9] =	sst s1  }
0xa: {  	[smem:$0x3FAA] =	sst s2  }
0xb: {  	[smem:$0x3FAB] =	sst s3  }
0xc: {  	[smem:$0x3FAC] =	sst s4  }
0xd: {  	[smem:$0x3FAD] =	sst s5  }
0xe: {  	[smem:$0x3FAE] =	sst s6  }
0xf: {  	[smem:$0x3FAF] =	sst s7  }
0x10: {  	[smem:$0x3FB0] =	sst s8  }
0x11: {  	[smem:$0x3FB1] =	sst s9;
	s0 =	simm.s32 @!p0 $0x0  }
0x12: {  	s1 =	sld [smem:$0x3F97];
	s0 =	simm.s32 @p0 $0x1  }
0x13: {  	[smem:$0x3FB2] =	sst s0;
	s0 =	simm.s32 @!p1 $0x0  }
0x14: {  	s2 =	sld [smem:$0x3F96];
	s0 =	simm.s32 @p1 $0x1  }
0x15: {  	[smem:$0x3FB3] =	sst s0;
	s0 =	simm.s32 @!p2 $0x0  }
0x16: {  	s3 =	sld [smem:$0x3FDB];
	s0 =	simm.s32 @p2 $0x1  }
0x17: {  	s4 =	simm.s32 $0x1BF5;
	[smem:$0x3FB5] =	sst s0  }
0x18: {  	s0 =	sld [smem:$0x3F98];
	_ =	swait.ge [sflag:s4], $0x0  }
0x19: {  	s7 =	sld [smem:$0x3F99]  }
0x1a: {  	s8 =	sadd.s32 $0xFFFFE003, lr  }
0x1b: {  	s9 =	sadd.s32 $0xFFFFFEF7, lr;
	s5 =	simm.s32 $0xFFFFFFFF;
	p2 =	slt.u32 s8, $0xFFFFF086  }
0x1c: {  	p1 =	slt.u32 s9, $0xF7A;
	s5 =	simm.s32 @!p2 $0x0  }
0x1d: {  	s5 =	simm.s32 @p1 $0x1;
	p0 =	seq.s32 s7, s2  }
0x1e: {  	s7 =	smul.u32 @!p0 $0xF7A, s2;
	p2 =	seq.s32 @!p0 s5, $0x0  }
0x1f: {  	s9 =	smul.u32 $0xF7A, s1;
	s8 =	simm.s32 @!p0 $0x1BF5;
	p2 =	por !p2, p0  }
0x20: {  	[sflag:s8] =	ssyncset.s32 @!p0 $0xFFFFF086;
	s6 =	sadd.s32 @!p0 s3, s7;
	s7 =	simm.s32 @!p0 $0x108  }
0x21: {  	s3 =	sadd.s32 s3, s9;
	s6 =	sadd.s32 @!p0 $0x88, s6;
	s7 =	simm.s32 @p2 $0x1082  }
0x22: {  	[simem:s7], [sflag:s8] =	dma.local @!p0 [hbm:s6], $0xF7A  }
0x23: {  	s9 =	sor.u32 $0xD0000000, s2;
	s6 =	simm.s32 $0x108;
	_ =	swait.ge @!p0 [sflag:s8], $0x0  }
0x24: {  	s3 =	sadd.s32 $0x88, s3;
	s6 =	simm.s32 @!p1 $0x1082;
	[sflag:s4] =	ssyncset.s32 $0xFFFFF086  }
0x25: {  	[simem:s6], [sflag:s4] =	dma.local [hbm:s3], $0xF7A  }
0x26: {  	[smem:$0x3F99] =	sst s1;
	(tag) =	ssettag s2;
	_ =	strace s9  }
0x27: {  	s1 =	sld [smem:$0x3FA9]  }
0x28: {  	s2 =	sld [smem:$0x3FAA]  }
0x29: {  	s4 =	sld [smem:$0x3FAC]  }
0x2a: {  	p0 =	seq.s32 s5, $0x0;
	s5 =	sld [smem:$0x3FAD]  }
0x2b: {  	s6 =	sld [smem:$0x3FAE]  }
0x2c: {  	s7 =	sld [smem:$0x3FAF]  }
0x2d: {  	s3 =	simm.s32 $0x108;
	s8 =	sld [smem:$0x3FB0]  }
0x2e: {  	s3 =	simm.s32 @!p0 $0x1082;
	s9 =	sld [smem:$0x3FB1]  }
0x2f: {  	lr =	sadd.s32 s0, s3;
	s0 =	sld [smem:$0x3FA8]  }
0x30: {  	s3 =	sld [smem:$0x3FAB]  }
0x31: {  	[smem:$0x3FB4] =	sst s10  }
0x32: {  	s10 =	sld [smem:$0x3FB2];
	_ =	sdelay $0x3  }
0x33: {  	p0 =	seq.s32 s10, $0x1;
	s10 =	sld [smem:$0x3FB4];
	_ =	sdelay $0x3  }
0x34: {  	[smem:$0x3FB4] =	sst s10  }
0x35: {  	s10 =	sld [smem:$0x3FB3];
	_ =	sdelay $0x3  }
0x36: {  	p1 =	seq.s32 s10, $0x1;
	s10 =	sld [smem:$0x3FB4];
	_ =	sdelay $0x3  }
0x37: {  	[smem:$0x3FB4] =	sst s10  }
0x38: {  	s10 =	sld [smem:$0x3FB5]  }
0x39: {  	_ = 	snop;
	(pc) =	sbr.ind lr, $3  }
0x3a: {  	_ = 	snop  }
0x3b: {  	_ = 	snop  }
0x3c: {  	p2 =	seq.s32 s10, $0x1;
	s10 =	sld [smem:$0x3FB4]  }
0x3d: {  	_ =	shalt  }
0x3e: {  	_ =	shalt  }
0x3f: {  	_ =	shalt  }
0x40: {  	_ =	shalt  }
0x41: {  	_ =	shalt  }
0x42: {  	_ =	shalt  }
0x43: {  	_ =	shalt  }
0x44: {  	_ =	shalt  }
0x45: {  	_ =	shalt  }
0x46: {  	_ =	shalt  }
0x47: {  	_ =	shalt  }
0x48: {  	_ =	shalt  }
0x49: {  	_ =	shalt  }
0x4a: {  	_ =	shalt  }
0x4b: {  	_ =	shalt  }
0x4c: {  	_ =	shalt  }
0x4d: {  	_ =	shalt  }
0x4e: {  	_ =	shalt  }
0x4f: {  	_ =	shalt  }
0x50: {  	_ =	shalt  }
0x51: {  	_ =	shalt  }
0x52: {  	_ =	shalt  }
0x53: {  	_ =	shalt  }
0x54: {  	_ =	shalt  }
0x55: {  	_ =	shalt  }
0x56: {  	_ =	shalt  }
0x57: {  	_ =	shalt  }
0x58: {  	_ =	shalt  }
0x59: {  	_ =	shalt  }
0x5a: {  	_ =	shalt  }
0x5b: {  	_ =	shalt  }
0x5c: {  	_ =	shalt  }
0x5d: {  	_ =	shalt  }
0x5e: {  	_ =	shalt  }
0x5f: {  	_ =	shalt  }
0x60: {  	_ =	shalt  }
0x61: {  	_ =	shalt  }
0x62: {  	_ =	shalt  }
0x63: {  	_ =	shalt  }
0x64: {  	_ =	shalt  }
0x65: {  	_ =	shalt  }
0x66: {  	_ =	shalt  }
0x67: {  	_ =	shalt  }
0x68: {  	_ =	shalt  }
0x69: {  	_ =	shalt  }
0x6a: {  	_ =	shalt  }
0x6b: {  	_ =	shalt  }
0x6c: {  	_ =	shalt  }
0x6d: {  	_ =	shalt  }
0x6e: {  	_ =	shalt  }
0x6f: {  	_ =	shalt  }
0x70: {  	_ =	shalt  }
0x71: {  	_ =	shalt  }
0x72: {  	_ =	shalt  }
0x73: {  	_ =	shalt  }
0x74: {  	_ =	shalt  }
0x75: {  	_ =	shalt  }
0x76: {  	_ =	shalt  }
0x77: {  	_ =	shalt  }
0x78: {  	_ =	shalt  }
0x79: {  	_ =	shalt  }
0x7a: {  	_ =	shalt  }
0x7b: {  	_ =	shalt  }
0x7c: {  	_ =	shalt  }
0x7d: {  	_ =	shalt  }
0x7e: {  	_ =	shalt  }
0x7f: {  	_ =	shalt  }
0x80: {  	_ =	shalt  }
0x81: {  	_ =	shalt  }
0x82: {  	_ =	shalt  }
0x83: {  	_ =	shalt  }
0x84: {  	_ =	shalt  }
0x85: {  	_ =	shalt  }
0x86: {  	_ =	shalt  }
0x87: {  	_ =	shalt  }
.Lfunc_end0:
.L_simem_size_0:
called_computation.1_lowered:
.L_overlay_start_0:
0x88: {  	s2 =	sld [smem:$0x3FD9]  }
0x89: {  	s3 =	sld [smem:$0x3FFE];
	_ =	sdelay $0x1  }
0x8a: {  	s1 =	srdreg.scid  }
0x8b: {  	s0 =	sand.u32 $0x1, s1  }
0x8c: {  	s17 =	sshll.u32 s0, $0xA;
	s2 =	sadd.s32 s3, s2  }
0x8d: {  	s2 =	sadd.s32 s2, s17  }
0x8e: {  	[smem:$0x3FC0] =	sst s2  }
0x8f: {  	_ = 	snop  }
0x90: {  	s2 =	sld [smem:$0x3FD0];
	(tm) =	ssettm $0x1  }
0x91: {  	s18 =	sld [smem:$0x3FFB];
	_ =	sdelay $0x3  }
0x92: {  	_ =	strace s18  }
0x93: {  	s3 =	sld [smem:$0x3FFC];
	_ =	sdelay $0x3  }
0x94: {  	_ =	strace s3  }
0x95: {  	s3 =	sld [smem:$0x3FFD];
	_ =	sdelay $0x3  }
0x96: {  	_ =	strace s3  }
0x97: {  	_ =	strace $0x8FFFFFFF  }
0x98: {  	s19 =	sld [smem:$0x3FDB];
	_ =	sdelay $0x1  }
0x99: {  	s4 =	simm.s32 $_scs_section_size  }
0x9a: {  	s5 =	simm.s32 $_size__tile_overlayer_lowered;
	s6 =	simm.s32 $_tile_overlayer_lowered  }
0x9b: {  	s22 =	simm.s32 $0x1BFF;
	s21 =	sshll.u32 s6, $0x1;
	s3 =	sadd.s32 s4, s19  }
0x9c: {  	s7 =	simm.s32 $0x0;
	s20 =	sshll.u32 s5, $0x1;
	s5 =	sadd.s32 s21, s3  }
0x9d: {  	[timem:s7], [sflag:s22] =	dma.local [hbm:s5], s20  }
0x9e: {  	_ =	swait.ge [sflag:s22], s20  }
0x9f: {  	s4 =	ssub.s32 $0x0, s20;
	[sflag:s22] =	ssyncset.done $0x0  }
0xa0: {  	[sflag:s22] =	ssyncadd.s32 s4;
	_ =	sdelay $0x1  }
0xa1: {  	s23 =	simm.s32 $0x1B8B  }
0xa2: {  	_ =	swait.ge [sflag:s23], $0x1  }
0xa3: {  	[sflag:s23] =	ssyncset.done $0x0  }
0xa4: {  	s25 =	simm.s32 $0x1B8E;
	s24 =	sld [smem:$0x3FFE];
	[sflag:s23] =	ssyncadd.s32 $0xFFFFFFFF  }
0xa5: {  	s26 =	simm.s32 $execute0_lowered;
	[smem:$0x3FD2] =	sst s25  }
0xa6: {  	s5 =	sshll.u32 s26, $0x1;
	_ =	strace $0x80000049;
	[dreg:$0x1] =	wrdreg $0xFFFFFFFF  }
0xa7: {  	s28 =	simm.s32 $_size_execute0_lowered;
	s3 =	sadd.s32 s3, s5;
	[dreg:$0x0] =	wrdreg $0x0  }
0xa8: {  	s5 =	sshll.u32 s28, $0x1;
	[dreg:$0x2] =	wrdreg s3  }
0xa9: {  	[dreg:$0x3] =	wrdreg s5  }
0xaa: {  	[dreg:$0x4] =	wrdreg $0xC0  }
0xab: {  	_ =	task [dreg:s7], $0x5FFFF  }
0xac: {  	[dreg:$0x1] =	wrdreg $0xFFFFFFFF  }
0xad: {  	[dreg:$0x0] =	wrdreg $0x60  }
0xae: {  	[dreg:$0x2] =	wrdreg s2  }
0xaf: {  	[dreg:$0x3] =	wrdreg s24  }
0xb0: {  	[dreg:$0x4] =	wrdreg $0x76200  }
0xb1: {  	[dreg:$0x5] =	wrdreg $0x9  }
0xb2: {  	_ =	task.clear_ibuf [dreg:s7], $0x6FFFF;
	_ =	strace $0x90000049  }
0xb3: {  	s29 =	simm.s32 $0x9;
	_ =	strace $0x8000004B  }
0xb4: {  	_ =	swait.ge [sflag:s29], $0x1  }
0xb5: {  	[sflag:s29] =	ssyncadd.s32 $0xFFFFFFFF  }
0xb6: {  	_ =	strace $0x9000004B  }
0xb7: {  	_ =	sfence  }
0xb8: {  	s30 =	sld [smem:$0x0];
	_ =	sdelay $0x2  }
0xb9: {  	s31 =	sshll.u32 s1, $0xD;
	s1 =	sshrl.u32 s1, $0x2  }
0xba: {  	s3 =	sand.u32 $0x4000, s31;
	s1 =	sadd.s32 s1, s30  }
0xbb: {  	s0 =	sor.u32 s3, s0;
	s1 =	sshll.u32 s1, $0x11  }
0xbc: {  	s0 =	sor.u32 s1, s0  }
0xbd: {  	s0 =	sadd.s32 $0x8F2B, s0  }
0xbe: {  	[sflag:s0] =	ssyncadd.remote.s32 $0x1  }
0xbf: {  	_ =	sfence.sel $0xFFFF  }
0xc0: {  	[dreg:$0x0] =	wrdreg $0xFFFFFFFF;
	(pc) =	sbr.abs _section_cstart, $3  }
0xc1: {  	[dreg:$0x1] =	wrdreg $0xFFFFFFFF  }
0xc2: {  	_ =	task.clear_ibuf [dreg:s7], $0x2FFFF;
	_ =	strace $0x9FFFFFFF  }
0xc3: {  	(tm) =	ssettm $0x7FFFFFFF  }
tec
execute0_lowered:
.L_overlay_start_1:
0x0: {  	(tag) =	ssettag $0x1  }
0x1: {  	s1 =	rddreg [dreg:$0x0]  }
0x2: {  	s5 =	rddreg [dreg:$0x1]  }
0x3: {  	s3 =	rddreg [dreg:$0x2]  }
0x4: {  	s0 =	rddreg [dreg:$0x3];
	s6 =	srdreg.scid  }
0x5: {  	s2 =	stileid.u32;
	s4 =	simm.s32 $0x0;
	s17 =	simm.s32 $0x3  }
0x6: {  	s18 =	simm.s32 $0x2710;
	s19 =	simm.s32 $0x4E20;
	s20 =	simm.s32 $0x50  }
0x7: {  	s21 =	simm.s32 $0x1;
	s22 =	simm.s32 $0x6220;
	s23 =	simm.s32 $0x2  }
0x8: {  	s24 =	simm.s32 $0x4DD0;
	s25 =	simm.s32 $0x0;
	s7 =	smul.u32 $0x14000, s2  }
0x9: {  	s6 =	sand.u32 $0x1, s6;
	s8 =	sshll.u32 s2, $0x1;
	s11 =	smul.u32 $0x28000, s2  }
0xa: {  	[smem:$0x7FF] =	sst s4;
	s9 =	smul.u32 $0x140000, s6;
	s8 =	sor.u32 s6, s8  }
0xb: {  	_ =	strace $0x8000004A;
	s6 =	ssub.s32 $0x2, s6;
	s8 =	smul.u32 $0x4E2, s8  }
0xc: {  	s10 =	sshrl.u32 s6, $0x1;
	s31 =	sshrl.u32 s11, $0x2;
	s9 =	sadd.s32 s7, s9  }
0xd: {  	s16 =	ssub.s32 s6, s10;
	s7 =	sshrl.u32 s7, $0x1;
	s14 =	sadd.s32 s31, s3  }
0xe: {  	s9 =	sshrl.u32 s9, $0x4;
	s8 =	sadd.s32 s8, s5;
	s7 =	sadd.s32 s7, s3  }
0xf: {  	s10 =	sadd.s32 $0x3C00, s14;
	s11 =	sadd.s32 $0x5000, s14;
	s12 =	sadd.s32 $0x6400, s14  }
0x10: {  	s13 =	sadd.s32 $0x7800, s14;
	s16 =	smax.u32 s16, $0x1;
	s15 =	sadd.s32 s9, s5  }
0x11: {  	s5 =	sadd.s32 $0xB800, s8;
	s6 =	sadd.s32 $0x1A00, s8;
	s8 =	sadd.s32 $0x1400, s14  }
0x12: {  	v0 =	vimm.bf16 $0.0e+00;
	s9 =	sadd.s32 $0x2800, s14;
	s14 =	sadd.s32 $0x8C00, s14;
	s15 =	sadd.s32 $0x15600, s15  }
.LBB2_1:
0x13: {  	[tilespmem:s4], [sflag:$0x3] =	stream.linear.gather [hbm4b:s5+s4], $0x2710, $0x38;
	[tilespmem:$0x11620] =	vst v63  }
0x14: {  	_ =	swait.ge [sflag:s17], $0x2710  }
0x15: {  	[sflag:s17] =	ssyncset.done $0x0  }
0x16: {  	[sflag:s17] =	ssyncadd.s32 $0xFFFFD8F0  }
0x17: {  	[tilespmem:s18], [sflag:$0x3] =	stream.linear.gather [hbm4b:s6+s4], $0x2710, $0x38;
	[tilespmem:$0x11620] =	vst v63  }
0x18: {  	_ =	swait.ge [sflag:s17], $0x2710  }
0x19: {  	[sflag:s17] =	ssyncset.done $0x0  }
0x1a: {  	s28 =	simm.s32 $0x100;
	s26 =	simm.s32 $0x0;
	[sflag:s17] =	ssyncadd.s32 $0xFFFFD8F0  }
.LBB2_2:
0x1b: {  	p0 =	sne.s32 s28, $0x4F00;
	[tilespmem:s26+$0x4E50] =	vst v0;
	s29 =	smov.u32 s28;
	s28 =	sadd.s32 $0x100, s28  }
.Ltmp0:
0x1c: {  	[tilespmem:s26+$0x4E40] =	vst v0;
	(pc) =	sbr.rel @p0 .LBB2_2-.Ltmp0, $3  }
0x1d: {  	[tilespmem:s26+$0x4E20] =	vst v0  }
0x1e: {  	[tilespmem:s26+$0x4E30] =	vst v0;
	_ =	sdelay $0x1  }
0x1f: {  	s26 =	sshra.s32 s29, $0x2  }
0x20: {  	[tilespmem:s26+$0x4E50] =	vst v0  }
0x21: {  	[tilespmem:s26+$0x4E40] =	vst v0  }
0x22: {  	[tilespmem:s26+$0x4E20] =	vst v0  }
0x23: {  	[tilespmem:s26+$0x4E30] =	vst v0  }
0x24: {  	[spmem:s7] =	stream.linear.scatter [tilespmem:s19], [sflag:$0x3], $0x1400, $0x38;
	[tilespmem:$0x11620] =	vst v63  }
0x25: {  	_ =	swait.ge [sflag:s17], $0x1400  }
0x26: {  	[sflag:s17] =	ssyncset.done $0x0  }
0x27: {  	[sflag:s17] =	ssyncadd.s32 $0xFFFFEC00  }
0x28: {  	[spmem:s8] =	stream.linear.scatter [tilespmem:s19], [sflag:$0x3], $0x1400, $0x38;
	[tilespmem:$0x11620] =	vst v63  }
0x29: {  	_ =	swait.ge [sflag:s17], $0x1400  }
0x2a: {  	[sflag:s17] =	ssyncset.done $0x0  }
0x2b: {  	[sflag:s17] =	ssyncadd.s32 $0xFFFFEC00  }
0x2c: {  	[spmem:s9] =	stream.linear.scatter [tilespmem:s19], [sflag:$0x3], $0x1400, $0x38;
	[tilespmem:$0x11620] =	vst v63  }
0x2d: {  	_ =	swait.ge [sflag:s17], $0x1400  }
0x2e: {  	[sflag:s17] =	ssyncset.done $0x0  }
0x2f: {  	[sflag:s17] =	ssyncadd.s32 $0xFFFFEC00  }
0x30: {  	[spmem:s10] =	stream.linear.scatter [tilespmem:s19], [sflag:$0x3], $0x1400, $0x38;
	[tilespmem:$0x11620] =	vst v63  }
0x31: {  	_ =	swait.ge [sflag:s17], $0x1400  }
0x32: {  	[sflag:s17] =	ssyncset.done $0x0  }
0x33: {  	[sflag:s17] =	ssyncadd.s32 $0xFFFFEC00  }
0x34: {  	[spmem:s11] =	stream.linear.scatter [tilespmem:s19], [sflag:$0x3], $0x1400, $0x38;
	[tilespmem:$0x11620] =	vst v63  }
0x35: {  	_ =	swait.ge [sflag:s17], $0x1400  }
0x36: {  	[sflag:s17] =	ssyncset.done $0x0  }
0x37: {  	[sflag:s17] =	ssyncadd.s32 $0xFFFFEC00  }
0x38: {  	[spmem:s12] =	stream.linear.scatter [tilespmem:s19], [sflag:$0x3], $0x1400, $0x38;
	[tilespmem:$0x11620] =	vst v63  }
0x39: {  	_ =	swait.ge [sflag:s17], $0x1400  }
0x3a: {  	[sflag:s17] =	ssyncset.done $0x0  }
0x3b: {  	[sflag:s17] =	ssyncadd.s32 $0xFFFFEC00  }
0x3c: {  	[spmem:s13] =	stream.linear.scatter [tilespmem:s19], [sflag:$0x3], $0x1400, $0x38;
	[tilespmem:$0x11620] =	vst v63  }
0x3d: {  	_ =	swait.ge [sflag:s17], $0x1400  }
0x3e: {  	[sflag:s17] =	ssyncset.done $0x0  }
0x3f: {  	[sflag:s17] =	ssyncadd.s32 $0xFFFFEC00  }
0x40: {  	[spmem:s14] =	stream.linear.scatter [tilespmem:s19], [sflag:$0x3], $0x1400, $0x38;
	[tilespmem:$0x11620] =	vst v63  }
0x41: {  	_ =	swait.ge [sflag:s17], $0x1400  }
0x42: {  	[sflag:s17] =	ssyncset.done $0x0  }
0x43: {  	[sflag:s17] =	ssyncadd.s32 $0xFFFFEC00  }
0x44: {  	s31 =	simm.s32 $0x0;
	[bflag:$0x0] =	sbarrier.arrive $0xFFFF  }
0x45: {  	[tilespmem:s19], [sflag:$0x1] =	stream.indirect.gather [hbm4b:s1+s20], $0x40, s31, s20, $0xb8;
	[tilespmem:$0x11620] =	vst v63  }
0x46: {  	_ =	swait.ge [sflag:s21], $0x1400  }
0x47: {  	[sflag:s21] =	ssyncset.done $0x0  }
0x48: {  	s28 =	simm.s32 $0x50;
	[sflag:s21] =	ssyncadd.s32 $0xFFFFEC00  }
0x49: {  	[tilespmem:s22], [sflag:$0x2] =	stream.indirect.gather [hbm4b:s1+s20], $0x40, s28, s20, $0xb8;
	[tilespmem:$0x11620] =	vst v63  }
0x4a: {  	s29 =	simm.s32 $0x2710  }
0x4b: {  	[spmem:s3] =	stream.indirect.scatter.add.bf16 [tilespmem:s19], [sflag:$0x3], $0x40, s29, s20, $0xb8;
	[tilespmem:$0x11620] =	vst v63  }
0x4c: {  	_ =	swait.ge [sflag:s17], $0x1400  }
0x4d: {  	[sflag:s17] =	ssyncset.done $0x0  }
0x4e: {  	[sflag:s17] =	ssyncadd.s32 $0xFFFFEC00  }
0x4f: {  	_ =	swait.ge [sflag:s23], $0x1400  }
0x50: {  	[sflag:s23] =	ssyncset.done $0x0  }
0x51: {  	s30 =	simm.s32 $0xA0;
	[sflag:s23] =	ssyncadd.s32 $0xFFFFEC00  }
0x52: {  	[tilespmem:s19], [sflag:$0x1] =	stream.indirect.gather [hbm4b:s1+s20], $0x40, s30, s20, $0xb8;
	[tilespmem:$0x11620] =	vst v63  }
0x53: {  	s31 =	simm.s32 $0x2760  }
0x54: {  	[spmem:s3] =	stream.indirect.scatter.add.bf16 [tilespmem:s22], [sflag:$0x3], $0x40, s31, s20, $0xb8;
	[tilespmem:$0x11620] =	vst v63  }
0x55: {  	_ =	swait.ge [sflag:s17], $0x1400  }
0x56: {  	s26 =	simm.s32 $0x280;
	[sflag:s17] =	ssyncset.done $0x0  }
.LBB2_4:
0x57: {  	p0 =	sne.s32 s26, $0x9880  }
0x58: {  	[sflag:s17] =	ssyncadd.s32 $0xFFFFEC00;
	s28 =	smov.u32 s26;
	s26 =	sadd.s32 $0x280, s26  }
0x59: {  	_ = 	snop  }
0x5a: {  	_ =	swait.ge [sflag:s21], $0x1400  }
0x5b: {  	s28 =	sshra.s32 s28, $0x2;
	[sflag:s21] =	ssyncset.done $0x0  }
0x5c: {  	s29 =	sadd.s32 $0x50, s28;
	[sflag:s21] =	ssyncadd.s32 $0xFFFFEC00  }
0x5d: {  	[tilespmem:s22], [sflag:$0x2] =	stream.indirect.gather [hbm4b:s1+s20], $0x40, s29, s20, $0xb8;
	[tilespmem:$0x11620] =	vst v63  }
0x5e: {  	s29 =	sadd.s32 $0x2710, s28  }
0x5f: {  	[spmem:s3] =	stream.indirect.scatter.add.bf16 [tilespmem:s19], [sflag:$0x3], $0x40, s29, s20, $0xb8;
	[tilespmem:$0x11620] =	vst v63  }
0x60: {  	_ =	swait.ge [sflag:s17], $0x1400  }
0x61: {  	[sflag:s17] =	ssyncset.done $0x0  }
0x62: {  	[sflag:s17] =	ssyncadd.s32 $0xFFFFEC00  }
0x63: {  	_ =	swait.ge [sflag:s23], $0x1400  }
0x64: {  	[sflag:s23] =	ssyncset.done $0x0  }
0x65: {  	s29 =	sadd.s32 $0xA0, s28;
	[sflag:s23] =	ssyncadd.s32 $0xFFFFEC00  }
0x66: {  	[tilespmem:s19], [sflag:$0x1] =	stream.indirect.gather [hbm4b:s1+s20], $0x40, s29, s20, $0xb8;
	[tilespmem:$0x11620] =	vst v63  }
.Ltmp1:
0x67: {  	_ = 	snop;
	(pc) =	sbr.rel @p0 .LBB2_4-.Ltmp1, $4  }
0x68: {  	s28 =	sadd.s32 $0x2760, s28  }
0x69: {  	[spmem:s3] =	stream.indirect.scatter.add.bf16 [tilespmem:s22], [sflag:$0x3], $0x40, s28, s20, $0xb8;
	[tilespmem:$0x11620] =	vst v63  }
0x6a: {  	_ =	swait.ge [sflag:s17], $0x1400  }
0x6b: {  	[sflag:s17] =	ssyncset.done $0x0  }
0x6c: {  	[sflag:s17] =	ssyncadd.s32 $0xFFFFEC00  }
0x6d: {  	_ =	swait.ge [sflag:s21], $0x1400  }
0x6e: {  	[sflag:s21] =	ssyncset.done $0x0  }
0x6f: {  	[sflag:s21] =	ssyncadd.s32 $0xFFFFEC00  }
0x70: {  	[spmem:s3] =	stream.indirect.scatter.add.bf16 [tilespmem:s19], [sflag:$0x3], $0x40, s24, s20, $0xb8;
	[tilespmem:$0x11620] =	vst v63  }
0x71: {  	_ =	swait.ge [sflag:s17], $0x1400  }
0x72: {  	s26 =	sshll.u32 s2, $0x6;
	s25 =	sadd.s32 $0x1, s25;
	[sflag:s17] =	ssyncset.done $0x0  }
0x73: {  	s28 =	sshrl.u32 s7, $0x3;
	p0 =	sne.s32 s25, s16;
	[sflag:s17] =	ssyncadd.s32 $0xFFFFEC00  }
.Ltmp2:
0x74: {  	s26 =	sor.u32 $0x1C03, s26;
	[bflag:$0x0] =	sbarrier.arrive $0xFFFF;
	(pc) =	sbr.rel @p0 .LBB2_1-.Ltmp2, $4  }
0x75: {  	[hbm:s15], [sflag:s26] =	dma.local [spmem:s28], $0x1400  }
0x76: {  	_ =	swait.ge [sflag:s17], $0x1400  }
0x77: {  	[sflag:s17] =	ssyncset.done $0x0  }
0x78: {  	[sflag:s17] =	ssyncadd.s32 $0xFFFFEC00  }
0x79: {  	_ =	sfence.sel $0x180000  }
0x7a: {  	[bflag:$0x0] =	sbarrier.arrive $0xFFFF  }
0x7b: {  	p0 =	sne.s32 s2, $0x0;
	_ =	strace $0x9000004A  }
0x7c: {  	s0 =	sadd.s32 @!p0 $0x100000, s0;
	[bflag:$0x2] =	sbarrier.arrive $0xFFFF  }
0x7d: {  	[sflag:s0] =	ssyncadd.tile.s32 @!p0 $0x1;
	_ =	shalt  }
.Lfunc_end2:
_tile_overlayer_lowered:
.L_overlay_start_2:
0x7e: {  	(tag) =	ssettag $0x2  }
0x7f: {  	s0 =	rddreg [dreg:$0x0];
	s2 =	stileid.u32  }
0x80: {  	s1 =	rddreg [dreg:$0x1];
	p0 =	sne.s32 s2, $0x0  }
0x81: {  	s3 =	rddreg [dreg:$0x2];
	[bflag:$0x3] =	sbarrier.arrive $0xFFFF;
	s2 =	simm.s32 @!p0 $0x1C03  }
0x82: {  	[timem:s3], [sflag:s2] =	dma.local @!p0 [hbm:s0], s1  }
0x83: {  	s0 =	simm.s32 @!p0 $0x3  }
0x84: {  	_ =	swait.ge @!p0 [sflag:s0], s1  }
0x85: {  	s1 =	ssub.s32 @!p0 $0x0, s1;
	[sflag:s0] =	ssyncset.done @!p0 $0x0  }
0x86: {  	[sflag:s0] =	ssyncadd.s32 @!p0 s1  }
0x87: {  	[bflag:$0x3] =	sbarrier.arrive $0xFFFF  }
0x88: {  	_ =	shalt  }

// kernel: kernel.14.cloned.1.call-start
scs
__scs_entry_jumppad:
0x0: {  	(pc) =	sbr.rel $0x88, $3  }
0x1: {  	(tag) =	ssettag $0x0;
	lr =	simm.s32 $0x1  }
0x2: {  	[smem:$0x3F99] =	sst lr;
	_ =	strace $0xD0000000  }
0x3: {  	_ = 	snop  }
0x4: {  	_ = 	snop  }
0x5: {  	_ = 	snop  }
0x6: {  	_ = 	snop  }
0x7: {  	_ = 	snop  }
__scs_overlays_trampoline_lowered:
0x8: {  	[smem:$0x3FA8] =	sst s0  }
0x9: {  	[smem:$0x3FA9] =	sst s1  }
0xa: {  	[smem:$0x3FAA] =	sst s2  }
0xb: {  	[smem:$0x3FAB] =	sst s3  }
0xc: {  	[smem:$0x3FAC] =	sst s4  }
0xd: {  	[smem:$0x3FAD] =	sst s5  }
0xe: {  	[smem:$0x3FAE] =	sst s6  }
0xf: {  	[smem:$0x3FAF] =	sst s7  }
0x10: {  	[smem:$0x3FB0] =	sst s8  }
0x11: {  	[smem:$0x3FB1] =	sst s9;
	s0 =	simm.s32 @!p0 $0x0  }
0x12: {  	s1 =	sld [smem:$0x3F97];
	s0 =	simm.s32 @p0 $0x1  }
0x13: {  	[smem:$0x3FB2] =	sst s0;
	s0 =	simm.s32 @!p1 $0x0  }
0x14: {  	s2 =	sld [smem:$0x3F96];
	s0 =	simm.s32 @p1 $0x1  }
0x15: {  	[smem:$0x3FB3] =	sst s0;
	s0 =	simm.s32 @!p2 $0x0  }
0x16: {  	s3 =	sld [smem:$0x3FDB];
	s0 =	simm.s32 @p2 $0x1  }
0x17: {  	s4 =	simm.s32 $0x1BF5;
	[smem:$0x3FB5] =	sst s0  }
0x18: {  	s0 =	sld [smem:$0x3F98];
	_ =	swait.ge [sflag:s4], $0x0  }
0x19: {  	s7 =	sld [smem:$0x3F99]  }
0x1a: {  	s8 =	sadd.s32 $0xFFFFE003, lr  }
0x1b: {  	s9 =	sadd.s32 $0xFFFFFEF7, lr;
	s5 =	simm.s32 $0xFFFFFFFF;
	p2 =	slt.u32 s8, $0xFFFFF086  }
0x1c: {  	p1 =	slt.u32 s9, $0xF7A;
	s5 =	simm.s32 @!p2 $0x0  }
0x1d: {  	s5 =	simm.s32 @p1 $0x1;
	p0 =	seq.s32 s7, s2  }
0x1e: {  	s7 =	smul.u32 @!p0 $0xF7A, s2;
	p2 =	seq.s32 @!p0 s5, $0x0  }
0x1f: {  	s9 =	smul.u32 $0xF7A, s1;
	s8 =	simm.s32 @!p0 $0x1BF5;
	p2 =	por !p2, p0  }
0x20: {  	[sflag:s8] =	ssyncset.s32 @!p0 $0xFFFFF086;
	s6 =	sadd.s32 @!p0 s3, s7;
	s7 =	simm.s32 @!p0 $0x108  }
0x21: {  	s3 =	sadd.s32 s3, s9;
	s6 =	sadd.s32 @!p0 $0x88, s6;
	s7 =	simm.s32 @p2 $0x1082  }
0x22: {  	[simem:s7], [sflag:s8] =	dma.local @!p0 [hbm:s6], $0xF7A  }
0x23: {  	s9 =	sor.u32 $0xD0000000, s2;
	s6 =	simm.s32 $0x108;
	_ =	swait.ge @!p0 [sflag:s8], $0x0  }
0x24: {  	s3 =	sadd.s32 $0x88, s3;
	s6 =	simm.s32 @!p1 $0x1082;
	[sflag:s4] =	ssyncset.s32 $0xFFFFF086  }
0x25: {  	[simem:s6], [sflag:s4] =	dma.local [hbm:s3], $0xF7A  }
0x26: {  	[smem:$0x3F99] =	sst s1;
	(tag) =	ssettag s2;
	_ =	strace s9  }
0x27: {  	s1 =	sld [smem:$0x3FA9]  }
0x28: {  	s2 =	sld [smem:$0x3FAA]  }
0x29: {  	s4 =	sld [smem:$0x3FAC]  }
0x2a: {  	p0 =	seq.s32 s5, $0x0;
	s5 =	sld [smem:$0x3FAD]  }
0x2b: {  	s6 =	sld [smem:$0x3FAE]  }
0x2c: {  	s7 =	sld [smem:$0x3FAF]  }
0x2d: {  	s3 =	simm.s32 $0x108;
	s8 =	sld [smem:$0x3FB0]  }
0x2e: {  	s3 =	simm.s32 @!p0 $0x1082;
	s9 =	sld [smem:$0x3FB1]  }
0x2f: {  	lr =	sadd.s32 s0, s3;
	s0 =	sld [smem:$0x3FA8]  }
0x30: {  	s3 =	sld [smem:$0x3FAB]  }
0x31: {  	[smem:$0x3FB4] =	sst s10  }
0x32: {  	s10 =	sld [smem:$0x3FB2];
	_ =	sdelay $0x3  }
0x33: {  	p0 =	seq.s32 s10, $0x1;
	s10 =	sld [smem:$0x3FB4];
	_ =	sdelay $0x3  }
0x34: {  	[smem:$0x3FB4] =	sst s10  }
0x35: {  	s10 =	sld [smem:$0x3FB3];
	_ =	sdelay $0x3  }
0x36: {  	p1 =	seq.s32 s10, $0x1;
	s10 =	sld [smem:$0x3FB4];
	_ =	sdelay $0x3  }
0x37: {  	[smem:$0x3FB4] =	sst s10  }
0x38: {  	s10 =	sld [smem:$0x3FB5]  }
0x39: {  	_ = 	snop;
	(pc) =	sbr.ind lr, $3  }
0x3a: {  	_ = 	snop  }
0x3b: {  	_ = 	snop  }
0x3c: {  	p2 =	seq.s32 s10, $0x1;
	s10 =	sld [smem:$0x3FB4]  }
0x3d: {  	_ =	shalt  }
0x3e: {  	_ =	shalt  }
0x3f: {  	_ =	shalt  }
0x40: {  	_ =	shalt  }
0x41: {  	_ =	shalt  }
0x42: {  	_ =	shalt  }
0x43: {  	_ =	shalt  }
0x44: {  	_ =	shalt  }
0x45: {  	_ =	shalt  }
0x46: {  	_ =	shalt  }
0x47: {  	_ =	shalt  }
0x48: {  	_ =	shalt  }
0x49: {  	_ =	shalt  }
0x4a: {  	_ =	shalt  }
0x4b: {  	_ =	shalt  }
0x4c: {  	_ =	shalt  }
0x4d: {  	_ =	shalt  }
0x4e: {  	_ =	shalt  }
0x4f: {  	_ =	shalt  }
0x50: {  	_ =	shalt  }
0x51: {  	_ =	shalt  }
0x52: {  	_ =	shalt  }
0x53: {  	_ =	shalt  }
0x54: {  	_ =	shalt  }
0x55: {  	_ =	shalt  }
0x56: {  	_ =	shalt  }
0x57: {  	_ =	shalt  }
0x58: {  	_ =	shalt  }
0x59: {  	_ =	shalt  }
0x5a: {  	_ =	shalt  }
0x5b: {  	_ =	shalt  }
0x5c: {  	_ =	shalt  }
0x5d: {  	_ =	shalt  }
0x5e: {  	_ =	shalt  }
0x5f: {  	_ =	shalt  }
0x60: {  	_ =	shalt  }
0x61: {  	_ =	shalt  }
0x62: {  	_ =	shalt  }
0x63: {  	_ =	shalt  }
0x64: {  	_ =	shalt  }
0x65: {  	_ =	shalt  }
0x66: {  	_ =	shalt  }
0x67: {  	_ =	shalt  }
0x68: {  	_ =	shalt  }
0x69: {  	_ =	shalt  }
0x6a: {  	_ =	shalt  }
0x6b: {  	_ =	shalt  }
0x6c: {  	_ =	shalt  }
0x6d: {  	_ =	shalt  }
0x6e: {  	_ =	shalt  }
0x6f: {  	_ =	shalt  }
0x70: {  	_ =	shalt  }
0x71: {  	_ =	shalt  }
0x72: {  	_ =	shalt  }
0x73: {  	_ =	shalt  }
0x74: {  	_ =	shalt  }
0x75: {  	_ =	shalt  }
0x76: {  	_ =	shalt  }
0x77: {  	_ =	shalt  }
0x78: {  	_ =	shalt  }
0x79: {  	_ =	shalt  }
0x7a: {  	_ =	shalt  }
0x7b: {  	_ =	shalt  }
0x7c: {  	_ =	shalt  }
0x7d: {  	_ =	shalt  }
0x7e: {  	_ =	shalt  }
0x7f: {  	_ =	shalt  }
0x80: {  	_ =	shalt  }
0x81: {  	_ =	shalt  }
0x82: {  	_ =	shalt  }
0x83: {  	_ =	shalt  }
0x84: {  	_ =	shalt  }
0x85: {  	_ =	shalt  }
0x86: {  	_ =	shalt  }
0x87: {  	_ =	shalt  }
.Lfunc_end0:
.L_simem_size_0:
called_computation.2_lowered:
.L_overlay_start_0:
0x88: {  	s2 =	sld [smem:$0x3FD9]  }
0x89: {  	s3 =	sld [smem:$0x3FFE];
	_ =	sdelay $0x1  }
0x8a: {  	s1 =	srdreg.scid  }
0x8b: {  	s0 =	sand.u32 $0x1, s1  }
0x8c: {  	s17 =	sshll.u32 s0, $0xA;
	s2 =	sadd.s32 s3, s2  }
0x8d: {  	s2 =	sadd.s32 s2, s17  }
0x8e: {  	[smem:$0x3FC0] =	sst s2  }
0x8f: {  	_ = 	snop  }
0x90: {  	s2 =	sld [smem:$0x3FD0];
	(tm) =	ssettm $0x1  }
0x91: {  	s18 =	sld [smem:$0x3FFB];
	_ =	sdelay $0x3  }
0x92: {  	_ =	strace s18  }
0x93: {  	s3 =	sld [smem:$0x3FFC];
	_ =	sdelay $0x3  }
0x94: {  	_ =	strace s3  }
0x95: {  	s3 =	sld [smem:$0x3FFD];
	_ =	sdelay $0x3  }
0x96: {  	_ =	strace s3  }
0x97: {  	_ =	strace $0x8FFFFFFF  }
0x98: {  	s19 =	sld [smem:$0x3FDB];
	_ =	sdelay $0x1  }
0x99: {  	s4 =	simm.s32 $_scs_section_size  }
0x9a: {  	s5 =	simm.s32 $_size__tile_overlayer_lowered;
	s6 =	simm.s32 $_tile_overlayer_lowered  }
0x9b: {  	s22 =	simm.s32 $0x1BFF;
	s21 =	sshll.u32 s6, $0x1;
	s3 =	sadd.s32 s4, s19  }
0x9c: {  	s7 =	simm.s32 $0x0;
	s20 =	sshll.u32 s5, $0x1;
	s5 =	sadd.s32 s21, s3  }
0x9d: {  	[timem:s7], [sflag:s22] =	dma.local [hbm:s5], s20  }
0x9e: {  	_ =	swait.ge [sflag:s22], s20  }
0x9f: {  	s4 =	ssub.s32 $0x0, s20;
	[sflag:s22] =	ssyncset.done $0x0  }
0xa0: {  	[sflag:s22] =	ssyncadd.s32 s4;
	_ =	sdelay $0x1  }
0xa1: {  	s23 =	simm.s32 $0x1B8B  }
0xa2: {  	_ =	swait.ge [sflag:s23], $0x1  }
0xa3: {  	[sflag:s23] =	ssyncset.done $0x0  }
0xa4: {  	s25 =	simm.s32 $0x1B8E;
	s24 =	sld [smem:$0x3FFE];
	[sflag:s23] =	ssyncadd.s32 $0xFFFFFFFF  }
0xa5: {  	s26 =	simm.s32 $execute0_lowered;
	[smem:$0x3FD2] =	sst s25  }
0xa6: {  	s5 =	sshll.u32 s26, $0x1;
	_ =	strace $0x8000004C;
	[dreg:$0x1] =	wrdreg $0xFFFFFFFF  }
0xa7: {  	s28 =	simm.s32 $_size_execute0_lowered;
	s3 =	sadd.s32 s3, s5;
	[dreg:$0x0] =	wrdreg $0x0  }
0xa8: {  	s5 =	sshll.u32 s28, $0x1;
	[dreg:$0x2] =	wrdreg s3  }
0xa9: {  	[dreg:$0x3] =	wrdreg s5  }
0xaa: {  	[dreg:$0x4] =	wrdreg $0xC0  }
0xab: {  	_ =	task [dreg:s7], $0x5FFFF  }
0xac: {  	[dreg:$0x1] =	wrdreg $0xFFFFFFFF  }
0xad: {  	[dreg:$0x0] =	wrdreg $0x60  }
0xae: {  	[dreg:$0x2] =	wrdreg s2  }
0xaf: {  	[dreg:$0x3] =	wrdreg s24  }
0xb0: {  	[dreg:$0x4] =	wrdreg $0x76200  }
0xb1: {  	[dreg:$0x5] =	wrdreg $0x9  }
0xb2: {  	_ =	task.clear_ibuf [dreg:s7], $0x6FFFF;
	_ =	strace $0x9000004C  }
0xb3: {  	s29 =	simm.s32 $0x9;
	_ =	strace $0x8000004E  }
0xb4: {  	_ =	swait.ge [sflag:s29], $0x1  }
0xb5: {  	[sflag:s29] =	ssyncadd.s32 $0xFFFFFFFF  }
0xb6: {  	_ =	strace $0x9000004E  }
0xb7: {  	_ =	sfence  }
0xb8: {  	s30 =	sld [smem:$0x0];
	_ =	sdelay $0x2  }
0xb9: {  	s31 =	sshll.u32 s1, $0xD;
	s1 =	sshrl.u32 s1, $0x2  }
0xba: {  	s3 =	sand.u32 $0x4000, s31;
	s1 =	sadd.s32 s1, s30  }
0xbb: {  	s0 =	sor.u32 s3, s0;
	s1 =	sshll.u32 s1, $0x11  }
0xbc: {  	s0 =	sor.u32 s1, s0  }
0xbd: {  	s0 =	sadd.s32 $0x8F2B, s0  }
0xbe: {  	[sflag:s0] =	ssyncadd.remote.s32 $0x1  }
0xbf: {  	_ =	sfence.sel $0xFFFF  }
0xc0: {  	[dreg:$0x0] =	wrdreg $0xFFFFFFFF;
	(pc) =	sbr.abs _section_cstart, $3  }
0xc1: {  	[dreg:$0x1] =	wrdreg $0xFFFFFFFF  }
0xc2: {  	_ =	task.clear_ibuf [dreg:s7], $0x2FFFF;
	_ =	strace $0x9FFFFFFF  }
0xc3: {  	(tm) =	ssettm $0x7FFFFFFF  }
tec
execute0_lowered:
.L_overlay_start_1:
0x0: {  	(tag) =	ssettag $0x1  }
0x1: {  	s1 =	rddreg [dreg:$0x0]  }
0x2: {  	s5 =	rddreg [dreg:$0x1]  }
0x3: {  	s3 =	rddreg [dreg:$0x2]  }
0x4: {  	s0 =	rddreg [dreg:$0x3];
	s6 =	srdreg.scid  }
0x5: {  	s2 =	stileid.u32;
	s4 =	simm.s32 $0x0;
	s17 =	simm.s32 $0x3  }
0x6: {  	s18 =	simm.s32 $0x2710;
	s19 =	simm.s32 $0x4E20;
	s20 =	simm.s32 $0x50  }
0x7: {  	s21 =	simm.s32 $0x1;
	s22 =	simm.s32 $0x6220;
	s23 =	simm.s32 $0x2  }
0x8: {  	s24 =	simm.s32 $0x4DD0;
	s25 =	simm.s32 $0x0;
	s7 =	smul.u32 $0x14000, s2  }
0x9: {  	s6 =	sand.u32 $0x1, s6;
	s8 =	sshll.u32 s2, $0x1;
	s11 =	smul.u32 $0x28000, s2  }
0xa: {  	[smem:$0x7FF] =	sst s4;
	s9 =	smul.u32 $0x140000, s6;
	s8 =	sor.u32 s6, s8  }
0xb: {  	_ =	strace $0x8000004D;
	s6 =	ssub.s32 $0x2, s6;
	s8 =	smul.u32 $0x4E2, s8  }
0xc: {  	s10 =	sshrl.u32 s6, $0x1;
	s31 =	sshrl.u32 s11, $0x2;
	s9 =	sadd.s32 s7, s9  }
0xd: {  	s16 =	ssub.s32 s6, s10;
	s7 =	sshrl.u32 s7, $0x1;
	s14 =	sadd.s32 s31, s3  }
0xe: {  	s9 =	sshrl.u32 s9, $0x4;
	s8 =	sadd.s32 s8, s5;
	s7 =	sadd.s32 s7, s3  }
0xf: {  	s10 =	sadd.s32 $0x3C00, s14;
	s11 =	sadd.s32 $0x5000, s14;
	s12 =	sadd.s32 $0x6400, s14  }
0x10: {  	s13 =	sadd.s32 $0x7800, s14;
	s16 =	smax.u32 s16, $0x1;
	s15 =	sadd.s32 s9, s5  }
0x11: {  	s5 =	sadd.s32 $0xB800, s8;
	s6 =	sadd.s32 $0x1A00, s8;
	s8 =	sadd.s32 $0x1400, s14  }
0x12: {  	v0 =	vimm.bf16 $0.0e+00;
	s9 =	sadd.s32 $0x2800, s14;
	s14 =	sadd.s32 $0x8C00, s14;
	s15 =	sadd.s32 $0x15600, s15  }
.LBB2_1:
0x13: {  	[tilespmem:s4], [sflag:$0x3] =	stream.linear.gather [hbm4b:s5+s4], $0x2710, $0x38;
	[tilespmem:$0x11620] =	vst v63  }
0x14: {  	_ =	swait.ge [sflag:s17], $0x2710  }
0x15: {  	[sflag:s17] =	ssyncset.done $0x0  }
0x16: {  	[sflag:s17] =	ssyncadd.s32 $0xFFFFD8F0  }
0x17: {  	[tilespmem:s18], [sflag:$0x3] =	stream.linear.gather [hbm4b:s6+s4], $0x2710, $0x38;
	[tilespmem:$0x11620] =	vst v63  }
0x18: {  	_ =	swait.ge [sflag:s17], $0x2710  }
0x19: {  	[sflag:s17] =	ssyncset.done $0x0  }
0x1a: {  	s28 =	simm.s32 $0x100;
	s26 =	simm.s32 $0x0;
	[sflag:s17] =	ssyncadd.s32 $0xFFFFD8F0  }
.LBB2_2:
0x1b: {  	p0 =	sne.s32 s28, $0x4F00;
	[tilespmem:s26+$0x4E50] =	vst v0;
	s29 =	smov.u32 s28;
	s28 =	sadd.s32 $0x100, s28  }
.Ltmp0:
0x1c: {  	[tilespmem:s26+$0x4E40] =	vst v0;
	(pc) =	sbr.rel @p0 .LBB2_2-.Ltmp0, $3  }
0x1d: {  	[tilespmem:s26+$0x4E20] =	vst v0  }
0x1e: {  	[tilespmem:s26+$0x4E30] =	vst v0;
	_ =	sdelay $0x1  }
0x1f: {  	s26 =	sshra.s32 s29, $0x2  }
0x20: {  	[tilespmem:s26+$0x4E50] =	vst v0  }
0x21: {  	[tilespmem:s26+$0x4E40] =	vst v0  }
0x22: {  	[tilespmem:s26+$0x4E20] =	vst v0  }
0x23: {  	[tilespmem:s26+$0x4E30] =	vst v0  }
0x24: {  	[spmem:s7] =	stream.linear.scatter [tilespmem:s19], [sflag:$0x3], $0x1400, $0x38;
	[tilespmem:$0x11620] =	vst v63  }
0x25: {  	_ =	swait.ge [sflag:s17], $0x1400  }
0x26: {  	[sflag:s17] =	ssyncset.done $0x0  }
0x27: {  	[sflag:s17] =	ssyncadd.s32 $0xFFFFEC00  }
0x28: {  	[spmem:s8] =	stream.linear.scatter [tilespmem:s19], [sflag:$0x3], $0x1400, $0x38;
	[tilespmem:$0x11620] =	vst v63  }
0x29: {  	_ =	swait.ge [sflag:s17], $0x1400  }
0x2a: {  	[sflag:s17] =	ssyncset.done $0x0  }
0x2b: {  	[sflag:s17] =	ssyncadd.s32 $0xFFFFEC00  }
0x2c: {  	[spmem:s9] =	stream.linear.scatter [tilespmem:s19], [sflag:$0x3], $0x1400, $0x38;
	[tilespmem:$0x11620] =	vst v63  }
0x2d: {  	_ =	swait.ge [sflag:s17], $0x1400  }
0x2e: {  	[sflag:s17] =	ssyncset.done $0x0  }
0x2f: {  	[sflag:s17] =	ssyncadd.s32 $0xFFFFEC00  }
0x30: {  	[spmem:s10] =	stream.linear.scatter [tilespmem:s19], [sflag:$0x3], $0x1400, $0x38;
	[tilespmem:$0x11620] =	vst v63  }
0x31: {  	_ =	swait.ge [sflag:s17], $0x1400  }
0x32: {  	[sflag:s17] =	ssyncset.done $0x0  }
0x33: {  	[sflag:s17] =	ssyncadd.s32 $0xFFFFEC00  }
0x34: {  	[spmem:s11] =	stream.linear.scatter [tilespmem:s19], [sflag:$0x3], $0x1400, $0x38;
	[tilespmem:$0x11620] =	vst v63  }
0x35: {  	_ =	swait.ge [sflag:s17], $0x1400  }
0x36: {  	[sflag:s17] =	ssyncset.done $0x0  }
0x37: {  	[sflag:s17] =	ssyncadd.s32 $0xFFFFEC00  }
0x38: {  	[spmem:s12] =	stream.linear.scatter [tilespmem:s19], [sflag:$0x3], $0x1400, $0x38;
	[tilespmem:$0x11620] =	vst v63  }
0x39: {  	_ =	swait.ge [sflag:s17], $0x1400  }
0x3a: {  	[sflag:s17] =	ssyncset.done $0x0  }
0x3b: {  	[sflag:s17] =	ssyncadd.s32 $0xFFFFEC00  }
0x3c: {  	[spmem:s13] =	stream.linear.scatter [tilespmem:s19], [sflag:$0x3], $0x1400, $0x38;
	[tilespmem:$0x11620] =	vst v63  }
0x3d: {  	_ =	swait.ge [sflag:s17], $0x1400  }
0x3e: {  	[sflag:s17] =	ssyncset.done $0x0  }
0x3f: {  	[sflag:s17] =	ssyncadd.s32 $0xFFFFEC00  }
0x40: {  	[spmem:s14] =	stream.linear.scatter [tilespmem:s19], [sflag:$0x3], $0x1400, $0x38;
	[tilespmem:$0x11620] =	vst v63  }
0x41: {  	_ =	swait.ge [sflag:s17], $0x1400  }
0x42: {  	[sflag:s17] =	ssyncset.done $0x0  }
0x43: {  	[sflag:s17] =	ssyncadd.s32 $0xFFFFEC00  }
0x44: {  	s31 =	simm.s32 $0x0;
	[bflag:$0x0] =	sbarrier.arrive $0xFFFF  }
0x45: {  	[tilespmem:s19], [sflag:$0x1] =	stream.indirect.gather [hbm4b:s1+s20], $0x40, s31, s20, $0xb8;
	[tilespmem:$0x11620] =	vst v63  }
0x46: {  	_ =	swait.ge [sflag:s21], $0x1400  }
0x47: {  	[sflag:s21] =	ssyncset.done $0x0  }
0x48: {  	s28 =	simm.s32 $0x50;
	[sflag:s21] =	ssyncadd.s32 $0xFFFFEC00  }
0x49: {  	[tilespmem:s22], [sflag:$0x2] =	stream.indirect.gather [hbm4b:s1+s20], $0x40, s28, s20, $0xb8;
	[tilespmem:$0x11620] =	vst v63  }
0x4a: {  	s29 =	simm.s32 $0x2710  }
0x4b: {  	[spmem:s3] =	stream.indirect.scatter.add.bf16 [tilespmem:s19], [sflag:$0x3], $0x40, s29, s20, $0xb8;
	[tilespmem:$0x11620] =	vst v63  }
0x4c: {  	_ =	swait.ge [sflag:s17], $0x1400  }
0x4d: {  	[sflag:s17] =	ssyncset.done $0x0  }
0x4e: {  	[sflag:s17] =	ssyncadd.s32 $0xFFFFEC00  }
0x4f: {  	_ =	swait.ge [sflag:s23], $0x1400  }
0x50: {  	[sflag:s23] =	ssyncset.done $0x0  }
0x51: {  	s30 =	simm.s32 $0xA0;
	[sflag:s23] =	ssyncadd.s32 $0xFFFFEC00  }
0x52: {  	[tilespmem:s19], [sflag:$0x1] =	stream.indirect.gather [hbm4b:s1+s20], $0x40, s30, s20, $0xb8;
	[tilespmem:$0x11620] =	vst v63  }
0x53: {  	s31 =	simm.s32 $0x2760  }
0x54: {  	[spmem:s3] =	stream.indirect.scatter.add.bf16 [tilespmem:s22], [sflag:$0x3], $0x40, s31, s20, $0xb8;
	[tilespmem:$0x11620] =	vst v63  }
0x55: {  	_ =	swait.ge [sflag:s17], $0x1400  }
0x56: {  	s26 =	simm.s32 $0x280;
	[sflag:s17] =	ssyncset.done $0x0  }
.LBB2_4:
0x57: {  	p0 =	sne.s32 s26, $0x9880  }
0x58: {  	[sflag:s17] =	ssyncadd.s32 $0xFFFFEC00;
	s28 =	smov.u32 s26;
	s26 =	sadd.s32 $0x280, s26  }
0x59: {  	_ = 	snop  }
0x5a: {  	_ =	swait.ge [sflag:s21], $0x1400  }
0x5b: {  	s28 =	sshra.s32 s28, $0x2;
	[sflag:s21] =	ssyncset.done $0x0  }
0x5c: {  	s29 =	sadd.s32 $0x50, s28;
	[sflag:s21] =	ssyncadd.s32 $0xFFFFEC00  }
0x5d: {  	[tilespmem:s22], [sflag:$0x2] =	stream.indirect.gather [hbm4b:s1+s20], $0x40, s29, s20, $0xb8;
	[tilespmem:$0x11620] =	vst v63  }
0x5e: {  	s29 =	sadd.s32 $0x2710, s28  }
0x5f: {  	[spmem:s3] =	stream.indirect.scatter.add.bf16 [tilespmem:s19], [sflag:$0x3], $0x40, s29, s20, $0xb8;
	[tilespmem:$0x11620] =	vst v63  }
0x60: {  	_ =	swait.ge [sflag:s17], $0x1400  }
0x61: {  	[sflag:s17] =	ssyncset.done $0x0  }
0x62: {  	[sflag:s17] =	ssyncadd.s32 $0xFFFFEC00  }
0x63: {  	_ =	swait.ge [sflag:s23], $0x1400  }
0x64: {  	[sflag:s23] =	ssyncset.done $0x0  }
0x65: {  	s29 =	sadd.s32 $0xA0, s28;
	[sflag:s23] =	ssyncadd.s32 $0xFFFFEC00  }
0x66: {  	[tilespmem:s19], [sflag:$0x1] =	stream.indirect.gather [hbm4b:s1+s20], $0x40, s29, s20, $0xb8;
	[tilespmem:$0x11620] =	vst v63  }
.Ltmp1:
0x67: {  	_ = 	snop;
	(pc) =	sbr.rel @p0 .LBB2_4-.Ltmp1, $4  }
0x68: {  	s28 =	sadd.s32 $0x2760, s28  }
0x69: {  	[spmem:s3] =	stream.indirect.scatter.add.bf16 [tilespmem:s22], [sflag:$0x3], $0x40, s28, s20, $0xb8;
	[tilespmem:$0x11620] =	vst v63  }
0x6a: {  	_ =	swait.ge [sflag:s17], $0x1400  }
0x6b: {  	[sflag:s17] =	ssyncset.done $0x0  }
0x6c: {  	[sflag:s17] =	ssyncadd.s32 $0xFFFFEC00  }
0x6d: {  	_ =	swait.ge [sflag:s21], $0x1400  }
0x6e: {  	[sflag:s21] =	ssyncset.done $0x0  }
0x6f: {  	[sflag:s21] =	ssyncadd.s32 $0xFFFFEC00  }
0x70: {  	[spmem:s3] =	stream.indirect.scatter.add.bf16 [tilespmem:s19], [sflag:$0x3], $0x40, s24, s20, $0xb8;
	[tilespmem:$0x11620] =	vst v63  }
0x71: {  	_ =	swait.ge [sflag:s17], $0x1400  }
0x72: {  	s26 =	sshll.u32 s2, $0x6;
	s25 =	sadd.s32 $0x1, s25;
	[sflag:s17] =	ssyncset.done $0x0  }
0x73: {  	s28 =	sshrl.u32 s7, $0x3;
	p0 =	sne.s32 s25, s16;
	[sflag:s17] =	ssyncadd.s32 $0xFFFFEC00  }
.Ltmp2:
0x74: {  	s26 =	sor.u32 $0x1C03, s26;
	[bflag:$0x0] =	sbarrier.arrive $0xFFFF;
	(pc) =	sbr.rel @p0 .LBB2_1-.Ltmp2, $4  }
0x75: {  	[hbm:s15], [sflag:s26] =	dma.local [spmem:s28], $0x1400  }
0x76: {  	_ =	swait.ge [sflag:s17], $0x1400  }
0x77: {  	[sflag:s17] =	ssyncset.done $0x0  }
0x78: {  	[sflag:s17] =	ssyncadd.s32 $0xFFFFEC00  }
0x79: {  	_ =	sfence.sel $0x180000  }
0x7a: {  	[bflag:$0x0] =	sbarrier.arrive $0xFFFF  }
0x7b: {  	p0 =	sne.s32 s2, $0x0;
	_ =	strace $0x9000004D  }
0x7c: {  	s0 =	sadd.s32 @!p0 $0x100000, s0;
	[bflag:$0x2] =	sbarrier.arrive $0xFFFF  }
0x7d: {  	[sflag:s0] =	ssyncadd.tile.s32 @!p0 $0x1;
	_ =	shalt  }
.Lfunc_end2:
_tile_overlayer_lowered:
.L_overlay_start_2:
0x7e: {  	(tag) =	ssettag $0x2  }
0x7f: {  	s0 =	rddreg [dreg:$0x0];
	s2 =	stileid.u32  }
0x80: {  	s1 =	rddreg [dreg:$0x1];
	p0 =	sne.s32 s2, $0x0  }
0x81: {  	s3 =	rddreg [dreg:$0x2];
	[bflag:$0x3] =	sbarrier.arrive $0xFFFF;
	s2 =	simm.s32 @!p0 $0x1C03  }
0x82: {  	[timem:s3], [sflag:s2] =	dma.local @!p0 [hbm:s0], s1  }
0x83: {  	s0 =	simm.s32 @!p0 $0x3  }
0x84: {  	_ =	swait.ge @!p0 [sflag:s0], s1  }
0x85: {  	s1 =	ssub.s32 @!p0 $0x0, s1;
	[sflag:s0] =	ssyncset.done @!p0 $0x0  }
0x86: {  	[sflag:s0] =	ssyncadd.s32 @!p0 s1  }
0x87: {  	[bflag:$0x3] =	sbarrier.arrive $0xFFFF  }
0x88: {  	_ =	shalt  }

// kernel: kernel.8.cloned.1.call-start
scs
__scs_entry_jumppad:
0x0: {  	(pc) =	sbr.rel $0x88, $3  }
0x1: {  	(tag) =	ssettag $0x0;
	lr =	simm.s32 $0x1  }
0x2: {  	[smem:$0x3F99] =	sst lr;
	_ =	strace $0xD0000000  }
0x3: {  	_ = 	snop  }
0x4: {  	_ = 	snop  }
0x5: {  	_ = 	snop  }
0x6: {  	_ = 	snop  }
0x7: {  	_ = 	snop  }
__scs_overlays_trampoline_lowered:
0x8: {  	[smem:$0x3FA8] =	sst s0  }
0x9: {  	[smem:$0x3FA9] =	sst s1  }
0xa: {  	[smem:$0x3FAA] =	sst s2  }
0xb: {  	[smem:$0x3FAB] =	sst s3  }
0xc: {  	[smem:$0x3FAC] =	sst s4  }
0xd: {  	[smem:$0x3FAD] =	sst s5  }
0xe: {  	[smem:$0x3FAE] =	sst s6  }
0xf: {  	[smem:$0x3FAF] =	sst s7  }
0x10: {  	[smem:$0x3FB0] =	sst s8  }
0x11: {  	[smem:$0x3FB1] =	sst s9;
	s0 =	simm.s32 @!p0 $0x0  }
0x12: {  	s1 =	sld [smem:$0x3F97];
	s0 =	simm.s32 @p0 $0x1  }
0x13: {  	[smem:$0x3FB2] =	sst s0;
	s0 =	simm.s32 @!p1 $0x0  }
0x14: {  	s2 =	sld [smem:$0x3F96];
	s0 =	simm.s32 @p1 $0x1  }
0x15: {  	[smem:$0x3FB3] =	sst s0;
	s0 =	simm.s32 @!p2 $0x0  }
0x16: {  	s3 =	sld [smem:$0x3FDB];
	s0 =	simm.s32 @p2 $0x1  }
0x17: {  	s4 =	simm.s32 $0x1BF5;
	[smem:$0x3FB5] =	sst s0  }
0x18: {  	s0 =	sld [smem:$0x3F98];
	_ =	swait.ge [sflag:s4], $0x0  }
0x19: {  	s7 =	sld [smem:$0x3F99]  }
0x1a: {  	s8 =	sadd.s32 $0xFFFFE003, lr  }
0x1b: {  	s9 =	sadd.s32 $0xFFFFFEF7, lr;
	s5 =	simm.s32 $0xFFFFFFFF;
	p2 =	slt.u32 s8, $0xFFFFF086  }
0x1c: {  	p1 =	slt.u32 s9, $0xF7A;
	s5 =	simm.s32 @!p2 $0x0  }
0x1d: {  	s5 =	simm.s32 @p1 $0x1;
	p0 =	seq.s32 s7, s2  }
0x1e: {  	s7 =	smul.u32 @!p0 $0xF7A, s2;
	p2 =	seq.s32 @!p0 s5, $0x0  }
0x1f: {  	s9 =	smul.u32 $0xF7A, s1;
	s8 =	simm.s32 @!p0 $0x1BF5;
	p2 =	por !p2, p0  }
0x20: {  	[sflag:s8] =	ssyncset.s32 @!p0 $0xFFFFF086;
	s6 =	sadd.s32 @!p0 s3, s7;
	s7 =	simm.s32 @!p0 $0x108  }
0x21: {  	s3 =	sadd.s32 s3, s9;
	s6 =	sadd.s32 @!p0 $0x88, s6;
	s7 =	simm.s32 @p2 $0x1082  }
0x22: {  	[simem:s7], [sflag:s8] =	dma.local @!p0 [hbm:s6], $0xF7A  }
0x23: {  	s9 =	sor.u32 $0xD0000000, s2;
	s6 =	simm.s32 $0x108;
	_ =	swait.ge @!p0 [sflag:s8], $0x0  }
0x24: {  	s3 =	sadd.s32 $0x88, s3;
	s6 =	simm.s32 @!p1 $0x1082;
	[sflag:s4] =	ssyncset.s32 $0xFFFFF086  }
0x25: {  	[simem:s6], [sflag:s4] =	dma.local [hbm:s3], $0xF7A  }
0x26: {  	[smem:$0x3F99] =	sst s1;
	(tag) =	ssettag s2;
	_ =	strace s9  }
0x27: {  	s1 =	sld [smem:$0x3FA9]  }
0x28: {  	s2 =	sld [smem:$0x3FAA]  }
0x29: {  	s4 =	sld [smem:$0x3FAC]  }
0x2a: {  	p0 =	seq.s32 s5, $0x0;
	s5 =	sld [smem:$0x3FAD]  }
0x2b: {  	s6 =	sld [smem:$0x3FAE]  }
0x2c: {  	s7 =	sld [smem:$0x3FAF]  }
0x2d: {  	s3 =	simm.s32 $0x108;
	s8 =	sld [smem:$0x3FB0]  }
0x2e: {  	s3 =	simm.s32 @!p0 $0x1082;
	s9 =	sld [smem:$0x3FB1]  }
0x2f: {  	lr =	sadd.s32 s0, s3;
	s0 =	sld [smem:$0x3FA8]  }
0x30: {  	s3 =	sld [smem:$0x3FAB]  }
0x31: {  	[smem:$0x3FB4] =	sst s10  }
0x32: {  	s10 =	sld [smem:$0x3FB2];
	_ =	sdelay $0x3  }
0x33: {  	p0 =	seq.s32 s10, $0x1;
	s10 =	sld [smem:$0x3FB4];
	_ =	sdelay $0x3  }
0x34: {  	[smem:$0x3FB4] =	sst s10  }
0x35: {  	s10 =	sld [smem:$0x3FB3];
	_ =	sdelay $0x3  }
0x36: {  	p1 =	seq.s32 s10, $0x1;
	s10 =	sld [smem:$0x3FB4];
	_ =	sdelay $0x3  }
0x37: {  	[smem:$0x3FB4] =	sst s10  }
0x38: {  	s10 =	sld [smem:$0x3FB5]  }
0x39: {  	_ = 	snop;
	(pc) =	sbr.ind lr, $3  }
0x3a: {  	_ = 	snop  }
0x3b: {  	_ = 	snop  }
0x3c: {  	p2 =	seq.s32 s10, $0x1;
	s10 =	sld [smem:$0x3FB4]  }
0x3d: {  	_ =	shalt  }
0x3e: {  	_ =	shalt  }
0x3f: {  	_ =	shalt  }
0x40: {  	_ =	shalt  }
0x41: {  	_ =	shalt  }
0x42: {  	_ =	shalt  }
0x43: {  	_ =	shalt  }
0x44: {  	_ =	shalt  }
0x45: {  	_ =	shalt  }
0x46: {  	_ =	shalt  }
0x47: {  	_ =	shalt  }
0x48: {  	_ =	shalt  }
0x49: {  	_ =	shalt  }
0x4a: {  	_ =	shalt  }
0x4b: {  	_ =	shalt  }
0x4c: {  	_ =	shalt  }
0x4d: {  	_ =	shalt  }
0x4e: {  	_ =	shalt  }
0x4f: {  	_ =	shalt  }
0x50: {  	_ =	shalt  }
0x51: {  	_ =	shalt  }
0x52: {  	_ =	shalt  }
0x53: {  	_ =	shalt  }
0x54: {  	_ =	shalt  }
0x55: {  	_ =	shalt  }
0x56: {  	_ =	shalt  }
0x57: {  	_ =	shalt  }
0x58: {  	_ =	shalt  }
0x59: {  	_ =	shalt  }
0x5a: {  	_ =	shalt  }
0x5b: {  	_ =	shalt  }
0x5c: {  	_ =	shalt  }
0x5d: {  	_ =	shalt  }
0x5e: {  	_ =	shalt  }
0x5f: {  	_ =	shalt  }
0x60: {  	_ =	shalt  }
0x61: {  	_ =	shalt  }
0x62: {  	_ =	shalt  }
0x63: {  	_ =	shalt  }
0x64: {  	_ =	shalt  }
0x65: {  	_ =	shalt  }
0x66: {  	_ =	shalt  }
0x67: {  	_ =	shalt  }
0x68: {  	_ =	shalt  }
0x69: {  	_ =	shalt  }
0x6a: {  	_ =	shalt  }
0x6b: {  	_ =	shalt  }
0x6c: {  	_ =	shalt  }
0x6d: {  	_ =	shalt  }
0x6e: {  	_ =	shalt  }
0x6f: {  	_ =	shalt  }
0x70: {  	_ =	shalt  }
0x71: {  	_ =	shalt  }
0x72: {  	_ =	shalt  }
0x73: {  	_ =	shalt  }
0x74: {  	_ =	shalt  }
0x75: {  	_ =	shalt  }
0x76: {  	_ =	shalt  }
0x77: {  	_ =	shalt  }
0x78: {  	_ =	shalt  }
0x79: {  	_ =	shalt  }
0x7a: {  	_ =	shalt  }
0x7b: {  	_ =	shalt  }
0x7c: {  	_ =	shalt  }
0x7d: {  	_ =	shalt  }
0x7e: {  	_ =	shalt  }
0x7f: {  	_ =	shalt  }
0x80: {  	_ =	shalt  }
0x81: {  	_ =	shalt  }
0x82: {  	_ =	shalt  }
0x83: {  	_ =	shalt  }
0x84: {  	_ =	shalt  }
0x85: {  	_ =	shalt  }
0x86: {  	_ =	shalt  }
0x87: {  	_ =	shalt  }
.Lfunc_end0:
.L_simem_size_0:
called_computation_lowered:
.L_overlay_start_0:
0x88: {  	s2 =	sld [smem:$0x3FD9]  }
0x89: {  	s3 =	sld [smem:$0x3FFE];
	_ =	sdelay $0x1  }
0x8a: {  	s1 =	srdreg.scid  }
0x8b: {  	s0 =	sand.u32 $0x1, s1  }
0x8c: {  	s17 =	sshll.u32 s0, $0xA;
	s2 =	sadd.s32 s3, s2  }
0x8d: {  	s2 =	sadd.s32 s2, s17  }
0x8e: {  	[smem:$0x3FC0] =	sst s2  }
0x8f: {  	_ = 	snop  }
0x90: {  	s2 =	sld [smem:$0x3FD0];
	(tm) =	ssettm $0x1  }
0x91: {  	s18 =	sld [smem:$0x3FFB];
	_ =	sdelay $0x3  }
0x92: {  	_ =	strace s18  }
0x93: {  	s3 =	sld [smem:$0x3FFC];
	_ =	sdelay $0x3  }
0x94: {  	_ =	strace s3  }
0x95: {  	s3 =	sld [smem:$0x3FFD];
	_ =	sdelay $0x3  }
0x96: {  	_ =	strace s3  }
0x97: {  	_ =	strace $0x8FFFFFFF  }
0x98: {  	s19 =	sld [smem:$0x3FDB];
	_ =	sdelay $0x1  }
0x99: {  	s4 =	simm.s32 $_scs_section_size  }
0x9a: {  	s5 =	simm.s32 $_size__tile_overlayer_lowered;
	s6 =	simm.s32 $_tile_overlayer_lowered  }
0x9b: {  	s22 =	simm.s32 $0x1BFF;
	s21 =	sshll.u32 s6, $0x1;
	s3 =	sadd.s32 s4, s19  }
0x9c: {  	s7 =	simm.s32 $0x0;
	s20 =	sshll.u32 s5, $0x1;
	s5 =	sadd.s32 s21, s3  }
0x9d: {  	[timem:s7], [sflag:s22] =	dma.local [hbm:s5], s20  }
0x9e: {  	_ =	swait.ge [sflag:s22], s20  }
0x9f: {  	s4 =	ssub.s32 $0x0, s20;
	[sflag:s22] =	ssyncset.done $0x0  }
0xa0: {  	[sflag:s22] =	ssyncadd.s32 s4;
	_ =	sdelay $0x1  }
0xa1: {  	s23 =	simm.s32 $0x1B8B  }
0xa2: {  	_ =	swait.ge [sflag:s23], $0x1  }
0xa3: {  	[sflag:s23] =	ssyncset.done $0x0  }
0xa4: {  	s25 =	simm.s32 $0x1B8E;
	s24 =	sld [smem:$0x3FFE];
	[sflag:s23] =	ssyncadd.s32 $0xFFFFFFFF  }
0xa5: {  	s26 =	simm.s32 $execute0_lowered;
	[smem:$0x3FD2] =	sst s25  }
0xa6: {  	s5 =	sshll.u32 s26, $0x1;
	_ =	strace $0x80000046;
	[dreg:$0x1] =	wrdreg $0xFFFFFFFF  }
0xa7: {  	s28 =	simm.s32 $_size_execute0_lowered;
	s3 =	sadd.s32 s3, s5;
	[dreg:$0x0] =	wrdreg $0x0  }
0xa8: {  	s5 =	sshll.u32 s28, $0x1;
	[dreg:$0x2] =	wrdreg s3  }
0xa9: {  	[dreg:$0x3] =	wrdreg s5  }
0xaa: {  	[dreg:$0x4] =	wrdreg $0xC0  }
0xab: {  	_ =	task [dreg:s7], $0x5FFFF  }
0xac: {  	[dreg:$0x1] =	wrdreg $0xFFFFFFFF  }
0xad: {  	[dreg:$0x0] =	wrdreg $0x60  }
0xae: {  	[dreg:$0x2] =	wrdreg s2  }
0xaf: {  	[dreg:$0x3] =	wrdreg s24  }
0xb0: {  	[dreg:$0x4] =	wrdreg $0x76200  }
0xb1: {  	[dreg:$0x5] =	wrdreg $0x143200  }
0xb2: {  	[dreg:$0x6] =	wrdreg $0x9  }
0xb3: {  	_ =	task.clear_ibuf [dreg:s7], $0x7FFFF;
	_ =	strace $0x90000046  }
0xb4: {  	s29 =	simm.s32 $0x9;
	_ =	strace $0x80000048  }
0xb5: {  	_ =	swait.ge [sflag:s29], $0x1  }
0xb6: {  	[sflag:s29] =	ssyncadd.s32 $0xFFFFFFFF  }
0xb7: {  	_ =	strace $0x90000048  }
0xb8: {  	_ =	sfence  }
0xb9: {  	s30 =	sld [smem:$0x0];
	_ =	sdelay $0x2  }
0xba: {  	s31 =	sshll.u32 s1, $0xD;
	s1 =	sshrl.u32 s1, $0x2  }
0xbb: {  	s3 =	sand.u32 $0x4000, s31;
	s1 =	sadd.s32 s1, s30  }
0xbc: {  	s0 =	sor.u32 s3, s0;
	s1 =	sshll.u32 s1, $0x11  }
0xbd: {  	s0 =	sor.u32 s1, s0  }
0xbe: {  	s0 =	sadd.s32 $0x8F2B, s0  }
0xbf: {  	[sflag:s0] =	ssyncadd.remote.s32 $0x1  }
0xc0: {  	_ =	sfence.sel $0xFFFF  }
0xc1: {  	[dreg:$0x0] =	wrdreg $0xFFFFFFFF;
	(pc) =	sbr.abs _section_cstart, $3  }
0xc2: {  	[dreg:$0x1] =	wrdreg $0xFFFFFFFF  }
0xc3: {  	_ =	task.clear_ibuf [dreg:s7], $0x2FFFF;
	_ =	strace $0x9FFFFFFF  }
0xc4: {  	(tm) =	ssettm $0x7FFFFFFF  }
0xc5: {  	_ =	shalt  }
tec
execute0_lowered:
.L_overlay_start_1:
0x0: {  	(tag) =	ssettag $0x1  }
0x1: {  	s1 =	rddreg [dreg:$0x0]  }
0x2: {  	s6 =	rddreg [dreg:$0x1]  }
0x3: {  	s0 =	srdreg.scid;
	s3 =	rddreg [dreg:$0x2]  }
0x4: {  	s10 =	stileid.u32;
	s4 =	rddreg [dreg:$0x3];
	s5 =	simm.s32 $0x0  }
0x5: {  	s20 =	simm.s32 $0x3;
	s22 =	simm.s32 $0x4E20;
	s7 =	smul.u32 $0x14000, s10  }
0x6: {  	s28 =	simm.s32 $0x13E20;
	s29 =	simm.s32 $0x2;
	s16 =	smul.u32 $0x2800, s10  }
0x7: {  	s0 =	sand.u32 $0x1, s0;
	s2 =	sshll.u32 s10, $0x1;
	s10 =	smul.u32 $0x28000, s10  }
0x8: {  	s30 =	simm.s32 $0x4DD0;
	s31 =	simm.s32 $0x0;
	s8 =	smul.u32 $0x140000, s0  }
0x9: {  	[smem:$0x7FF] =	sst s5;
	s2 =	sor.u32 s0, s2;
	s9 =	smul.u32 $0x28000, s0  }
0xa: {  	_ =	strace $0x80000047;
	s0 =	ssub.s32 $0x2, s0;
	s2 =	smul.u32 $0x4E2, s2  }
0xb: {  	s24 =	sshrl.u32 s0, $0x1;
	s25 =	sshrl.u32 s10, $0x2;
	s26 =	sshrl.u32 s7, $0x1  }
0xc: {  	s8 =	sadd.s32 s7, s8;
	s9 =	sadd.s32 s16, s9;
	s0 =	ssub.s32 s0, s24  }
0xd: {  	s15 =	sadd.s32 s25, s3;
	s16 =	sadd.s32 s16, s4;
	s24 =	simm.s32 $0x50  }
0xe: {  	s25 =	simm.s32 $0x1;
	s2 =	sadd.s32 s2, s6;
	s8 =	sshrl.u32 s8, $0x4  }
0xf: {  	s23 =	sshrl.u32 s9, $0x3;
	s9 =	sadd.s32 $0x1400, s15;
	s10 =	sadd.s32 $0x2800, s15  }
0x10: {  	s11 =	sadd.s32 $0x3C00, s15;
	s12 =	sadd.s32 $0x5000, s15;
	s13 =	sadd.s32 $0x6400, s15  }
0x11: {  	s14 =	sadd.s32 $0x7800, s15;
	s15 =	sadd.s32 $0x8C00, s15;
	s19 =	smax.u32 s0, $0x1  }
0x12: {  	s17 =	sadd.s32 s8, s6;
	s18 =	sadd.s32 s23, s6;
	s6 =	sadd.s32 $0xB800, s2  }
0x13: {  	s7 =	sadd.s32 $0x1A00, s2;
	s8 =	sadd.s32 s26, s3;
	s23 =	simm.s32 $0x11620  }
0x14: {  	v0 =	vimm.bf16 $0.0e+00;
	v1 =	vimm.f32 $0.0e+00;
	v2 =	vimm.f32 $1.000000000e+00;
	s26 =	simm.s32 $0x6220;
	s17 =	sadd.s32 $0x15600, s17;
	s18 =	sadd.s32 $0x3D600, s18  }
.LBB2_1:
0x15: {  	[tilespmem:s5], [sflag:$0x3] =	stream.linear.gather [hbm4b:s6+s5], $0x2710, $0x38;
	[tilespmem:$0x16B20] =	vst v63  }
0x16: {  	_ =	swait.ge [sflag:s20], $0x2710  }
0x17: {  	[sflag:s20] =	ssyncset.done $0x0  }
0x18: {  	s0 =	simm.s32 $0x2710;
	[sflag:s20] =	ssyncadd.s32 $0xFFFFD8F0  }
0x19: {  	[tilespmem:s0], [sflag:$0x3] =	stream.linear.gather [hbm4b:s7+s5], $0x2710, $0x38;
	[tilespmem:$0x16B20] =	vst v63  }
0x1a: {  	_ =	swait.ge [sflag:s20], $0x2710  }
0x1b: {  	[sflag:s20] =	ssyncset.done $0x0  }
0x1c: {  	s2 =	simm.s32 $0x0;
	s0 =	simm.s32 $0x100;
	[sflag:s20] =	ssyncadd.s32 $0xFFFFD8F0  }
.LBB2_2:
0x1d: {  	p0 =	sne.s32 s0, $0x4F00;
	[tilespmem:s2+$0x4E50] =	vst v0;
	s21 =	smov.u32 s0;
	s0 =	sadd.s32 $0x100, s0  }
.Ltmp0:
0x1e: {  	[tilespmem:s2+$0x4E40] =	vst v0;
	(pc) =	sbr.rel @p0 .LBB2_2-.Ltmp0, $3  }
0x1f: {  	[tilespmem:s2+$0x4E20] =	vst v0  }
0x20: {  	[tilespmem:s2+$0x4E30] =	vst v0;
	_ =	sdelay $0x1  }
0x21: {  	s2 =	sshra.s32 s21, $0x2  }
0x22: {  	[tilespmem:s2+$0x4E50] =	vst v0  }
0x23: {  	[tilespmem:s2+$0x4E40] =	vst v0  }
0x24: {  	[tilespmem:s2+$0x4E20] =	vst v0  }
0x25: {  	[tilespmem:s2+$0x4E30] =	vst v0  }
0x26: {  	[spmem:s8] =	stream.linear.scatter [tilespmem:s22], [sflag:$0x3], $0x1400, $0x38;
	[tilespmem:$0x16B20] =	vst v63  }
0x27: {  	_ =	swait.ge [sflag:s20], $0x1400  }
0x28: {  	[sflag:s20] =	ssyncset.done $0x0  }
0x29: {  	[sflag:s20] =	ssyncadd.s32 $0xFFFFEC00  }
0x2a: {  	[spmem:s9] =	stream.linear.scatter [tilespmem:s22], [sflag:$0x3], $0x1400, $0x38;
	[tilespmem:$0x16B20] =	vst v63  }
0x2b: {  	_ =	swait.ge [sflag:s20], $0x1400  }
0x2c: {  	[sflag:s20] =	ssyncset.done $0x0  }
0x2d: {  	[sflag:s20] =	ssyncadd.s32 $0xFFFFEC00  }
0x2e: {  	[spmem:s10] =	stream.linear.scatter [tilespmem:s22], [sflag:$0x3], $0x1400, $0x38;
	[tilespmem:$0x16B20] =	vst v63  }
0x2f: {  	_ =	swait.ge [sflag:s20], $0x1400  }
0x30: {  	[sflag:s20] =	ssyncset.done $0x0  }
0x31: {  	[sflag:s20] =	ssyncadd.s32 $0xFFFFEC00  }
0x32: {  	[spmem:s11] =	stream.linear.scatter [tilespmem:s22], [sflag:$0x3], $0x1400, $0x38;
	[tilespmem:$0x16B20] =	vst v63  }
0x33: {  	_ =	swait.ge [sflag:s20], $0x1400  }
0x34: {  	[sflag:s20] =	ssyncset.done $0x0  }
0x35: {  	[sflag:s20] =	ssyncadd.s32 $0xFFFFEC00  }
0x36: {  	[spmem:s12] =	stream.linear.scatter [tilespmem:s22], [sflag:$0x3], $0x1400, $0x38;
	[tilespmem:$0x16B20] =	vst v63  }
0x37: {  	_ =	swait.ge [sflag:s20], $0x1400  }
0x38: {  	[sflag:s20] =	ssyncset.done $0x0  }
0x39: {  	[sflag:s20] =	ssyncadd.s32 $0xFFFFEC00  }
0x3a: {  	[spmem:s13] =	stream.linear.scatter [tilespmem:s22], [sflag:$0x3], $0x1400, $0x38;
	[tilespmem:$0x16B20] =	vst v63  }
0x3b: {  	_ =	swait.ge [sflag:s20], $0x1400  }
0x3c: {  	[sflag:s20] =	ssyncset.done $0x0  }
0x3d: {  	[sflag:s20] =	ssyncadd.s32 $0xFFFFEC00  }
0x3e: {  	[spmem:s14] =	stream.linear.scatter [tilespmem:s22], [sflag:$0x3], $0x1400, $0x38;
	[tilespmem:$0x16B20] =	vst v63  }
0x3f: {  	_ =	swait.ge [sflag:s20], $0x1400  }
0x40: {  	[sflag:s20] =	ssyncset.done $0x0  }
0x41: {  	[sflag:s20] =	ssyncadd.s32 $0xFFFFEC00  }
0x42: {  	[spmem:s15] =	stream.linear.scatter [tilespmem:s22], [sflag:$0x3], $0x1400, $0x38;
	[tilespmem:$0x16B20] =	vst v63  }
0x43: {  	_ =	swait.ge [sflag:s20], $0x1400  }
0x44: {  	[sflag:s20] =	ssyncset.done $0x0  }
0x45: {  	s0 =	simm.s32 $0x40;
	s2 =	simm.s32 $0x0;
	[sflag:s20] =	ssyncadd.s32 $0xFFFFEC00  }
.LBB2_4:
0x46: {  	p0 =	sne.s32 s0, $0x9FC0;
	[tilespmem:s2+$0x11620] =	vst v1;
	s2 =	smov.u32 s0;
	s0 =	sadd.s32 $0x40, s0  }
.Ltmp1:
0x47: {  	(pc) =	sbr.rel @p0 .LBB2_4-.Ltmp1, $2  }
0x48: {  	_ =	sdelay $0x2  }
0x49: {  	s2 =	sshra.s32 s2, $0x2  }
0x4a: {  	[tilespmem:s2+$0x11620] =	vst v1  }
0x4b: {  	[spmem:s16] =	stream.linear.scatter [tilespmem:s23], [sflag:$0x3], $0x2800, $0x38;
	[tilespmem:$0x16B20] =	vst v63  }
0x4c: {  	_ =	swait.ge [sflag:s20], $0x2800  }
0x4d: {  	[sflag:s20] =	ssyncset.done $0x0  }
0x4e: {  	s0 =	simm.s32 $0x40;
	s2 =	simm.s32 $0x0;
	[sflag:s20] =	ssyncadd.s32 $0xFFFFD800  }
.LBB2_6:
0x4f: {  	p0 =	sne.s32 s0, $0x13C0;
	[tilespmem:s2+$0x13E20] =	vst v2;
	s2 =	smov.u32 s0;
	s0 =	sadd.s32 $0x40, s0  }
.Ltmp2:
0x50: {  	(pc) =	sbr.rel @p0 .LBB2_6-.Ltmp2, $2  }
0x51: {  	_ =	sdelay $0x2  }
0x52: {  	s2 =	sshra.s32 s2, $0x2  }
0x53: {  	[tilespmem:s2+$0x13E20] =	vst v2  }
0x54: {  	s0 =	simm.s32 $0x0;
	[bflag:$0x0] =	sbarrier.arrive $0xFFFF  }
0x55: {  	[tilespmem:s22], [sflag:$0x1] =	stream.indirect.gather [hbm4b:s1+s24], $0x40, s0, s24, $0xb8;
	[tilespmem:$0x16B20] =	vst v63  }
0x56: {  	_ =	swait.ge [sflag:s25], $0x1400  }
0x57: {  	[sflag:s25] =	ssyncset.done $0x0  }
0x58: {  	s2 =	simm.s32 $0x50;
	[sflag:s25] =	ssyncadd.s32 $0xFFFFEC00  }
0x59: {  	[tilespmem:s26], [sflag:$0x2] =	stream.indirect.gather [hbm4b:s1+s24], $0x40, s2, s24, $0xb8;
	[tilespmem:$0x16B20] =	vst v63  }
0x5a: {  	s21 =	simm.s32 $0x2710  }
0x5b: {  	[spmem:s3] =	stream.indirect.scatter.add.bf16 [tilespmem:s22], [sflag:$0x3], $0x40, s21, s24, $0xb8;
	[tilespmem:$0x16B20] =	vst v63  }
0x5c: {  	_ =	swait.ge [sflag:s20], $0x1400  }
0x5d: {  	[sflag:s20] =	ssyncset.done $0x0  }
0x5e: {  	[sflag:s20] =	ssyncadd.s32 $0xFFFFEC00  }
0x5f: {  	[spmem:s4] =	stream.indirect.scatter.add.f32 [tilespmem:s28], [sflag:$0x3], $0x10, s21, s24, $0xb8;
	[tilespmem:$0x16B20] =	vst v63  }
0x60: {  	_ =	swait.ge [sflag:s20], $0x500  }
0x61: {  	[sflag:s20] =	ssyncset.done $0x0  }
0x62: {  	[sflag:s20] =	ssyncadd.s32 $0xFFFFFB00  }
0x63: {  	_ =	swait.ge [sflag:s29], $0x1400  }
0x64: {  	[sflag:s29] =	ssyncset.done $0x0  }
0x65: {  	s2 =	simm.s32 $0xA0;
	[sflag:s29] =	ssyncadd.s32 $0xFFFFEC00  }
0x66: {  	[tilespmem:s22], [sflag:$0x1] =	stream.indirect.gather [hbm4b:s1+s24], $0x40, s2, s24, $0xb8;
	[tilespmem:$0x16B20] =	vst v63  }
0x67: {  	s21 =	simm.s32 $0x2760  }
0x68: {  	[spmem:s3] =	stream.indirect.scatter.add.bf16 [tilespmem:s26], [sflag:$0x3], $0x40, s21, s24, $0xb8;
	[tilespmem:$0x16B20] =	vst v63  }
0x69: {  	_ =	swait.ge [sflag:s20], $0x1400  }
0x6a: {  	[sflag:s20] =	ssyncset.done $0x0  }
0x6b: {  	[sflag:s20] =	ssyncadd.s32 $0xFFFFEC00  }
0x6c: {  	[spmem:s4] =	stream.indirect.scatter.add.f32 [tilespmem:s28], [sflag:$0x3], $0x10, s21, s24, $0xb8;
	[tilespmem:$0x16B20] =	vst v63  }
0x6d: {  	_ =	swait.ge [sflag:s20], $0x500  }
0x6e: {  	s2 =	simm.s32 $0x280;
	[sflag:s20] =	ssyncset.done $0x0  }
.LBB2_8:
0x6f: {  	p0 =	sne.s32 s2, $0x9880  }
0x70: {  	[sflag:s20] =	ssyncadd.s32 $0xFFFFFB00;
	s0 =	smov.u32 s2;
	s2 =	sadd.s32 $0x280, s2  }
0x71: {  	_ =	swait.ge [sflag:s25], $0x1400  }
0x72: {  	s0 =	sshra.s32 s0, $0x2;
	[sflag:s25] =	ssyncset.done $0x0  }
0x73: {  	s21 =	sadd.s32 $0x50, s0;
	[sflag:s25] =	ssyncadd.s32 $0xFFFFEC00  }
0x74: {  	[tilespmem:s26], [sflag:$0x2] =	stream.indirect.gather [hbm4b:s1+s24], $0x40, s21, s24, $0xb8;
	[tilespmem:$0x16B20] =	vst v63  }
0x75: {  	s21 =	sadd.s32 $0x2710, s0  }
0x76: {  	[spmem:s3] =	stream.indirect.scatter.add.bf16 [tilespmem:s22], [sflag:$0x3], $0x40, s21, s24, $0xb8;
	[tilespmem:$0x16B20] =	vst v63  }
0x77: {  	_ =	swait.ge [sflag:s20], $0x1400  }
0x78: {  	[sflag:s20] =	ssyncset.done $0x0  }
0x79: {  	[sflag:s20] =	ssyncadd.s32 $0xFFFFEC00  }
0x7a: {  	[spmem:s4] =	stream.indirect.scatter.add.f32 [tilespmem:s28], [sflag:$0x3], $0x10, s21, s24, $0xb8;
	[tilespmem:$0x16B20] =	vst v63  }
0x7b: {  	_ =	swait.ge [sflag:s20], $0x500  }
0x7c: {  	[sflag:s20] =	ssyncset.done $0x0  }
0x7d: {  	[sflag:s20] =	ssyncadd.s32 $0xFFFFFB00  }
0x7e: {  	_ =	swait.ge [sflag:s29], $0x1400  }
0x7f: {  	[sflag:s29] =	ssyncset.done $0x0  }
0x80: {  	s21 =	sadd.s32 $0xA0, s0;
	[sflag:s29] =	ssyncadd.s32 $0xFFFFEC00  }
0x81: {  	[tilespmem:s22], [sflag:$0x1] =	stream.indirect.gather [hbm4b:s1+s24], $0x40, s21, s24, $0xb8;
	[tilespmem:$0x16B20] =	vst v63  }
0x82: {  	s0 =	sadd.s32 $0x2760, s0  }
0x83: {  	[spmem:s3] =	stream.indirect.scatter.add.bf16 [tilespmem:s26], [sflag:$0x3], $0x40, s0, s24, $0xb8;
	[tilespmem:$0x16B20] =	vst v63  }
0x84: {  	_ =	swait.ge [sflag:s20], $0x1400  }
.Ltmp3:
0x85: {  	[sflag:s20] =	ssyncset.done $0x0;
	(pc) =	sbr.rel @p0 .LBB2_8-.Ltmp3, $4  }
0x86: {  	[sflag:s20] =	ssyncadd.s32 $0xFFFFEC00  }
0x87: {  	[spmem:s4] =	stream.indirect.scatter.add.f32 [tilespmem:s28], [sflag:$0x3], $0x10, s0, s24, $0xb8;
	[tilespmem:$0x16B20] =	vst v63  }
0x88: {  	_ =	swait.ge [sflag:s20], $0x500  }
0x89: {  	[sflag:s20] =	ssyncset.done $0x0  }
0x8a: {  	[sflag:s20] =	ssyncadd.s32 $0xFFFFFB00  }
0x8b: {  	_ =	swait.ge [sflag:s25], $0x1400  }
0x8c: {  	[sflag:s25] =	ssyncset.done $0x0  }
0x8d: {  	[sflag:s25] =	ssyncadd.s32 $0xFFFFEC00  }
0x8e: {  	[spmem:s3] =	stream.indirect.scatter.add.bf16 [tilespmem:s22], [sflag:$0x3], $0x40, s30, s24, $0xb8;
	[tilespmem:$0x16B20] =	vst v63  }
0x8f: {  	_ =	swait.ge [sflag:s20], $0x1400  }
0x90: {  	[sflag:s20] =	ssyncset.done $0x0  }
0x91: {  	[sflag:s20] =	ssyncadd.s32 $0xFFFFEC00  }
0x92: {  	[spmem:s4] =	stream.indirect.scatter.add.f32 [tilespmem:s28], [sflag:$0x3], $0x10, s30, s24, $0xb8;
	[tilespmem:$0x16B20] =	vst v63  }
0x93: {  	_ =	swait.ge [sflag:s20], $0x500  }
0x94: {  	s0 =	stileid.u32;
	[sflag:s20] =	ssyncset.done $0x0  }
0x95: {  	s0 =	sshll.u32 s0, $0x6;
	[sflag:s20] =	ssyncadd.s32 $0xFFFFFB00  }
0x96: {  	s2 =	sshrl.u32 s8, $0x3;
	s0 =	sor.u32 $0x1C03, s0;
	[bflag:$0x0] =	sbarrier.arrive $0xFFFF  }
0x97: {  	[hbm:s17], [sflag:s0] =	dma.local [spmem:s2], $0x1400  }
0x98: {  	s31 =	sadd.s32 $0x1, s31;
	_ =	swait.ge [sflag:s20], $0x1400  }
0x99: {  	p0 =	sne.s32 s31, s19;
	[sflag:s20] =	ssyncset.done $0x0  }
.Ltmp4:
0x9a: {  	s21 =	sshrl.u32 s16, $0x3;
	[sflag:s20] =	ssyncadd.s32 $0xFFFFEC00;
	(pc) =	sbr.rel @p0 .LBB2_1-.Ltmp4, $4  }
0x9b: {  	[hbm:s18], [sflag:s0] =	dma.local [spmem:s21], $0x500  }
0x9c: {  	_ =	swait.ge [sflag:s20], $0x500  }
0x9d: {  	[sflag:s20] =	ssyncset.done $0x0  }
0x9e: {  	[sflag:s20] =	ssyncadd.s32 $0xFFFFFB00  }
0x9f: {  	_ =	sfence.sel $0x180000  }
0xa0: {  	[bflag:$0x0] =	sbarrier.arrive $0xFFFF  }
0xa1: {  	_ =	strace $0x90000047  }
0xa2: {  	s0 =	stileid.u32;
	[bflag:$0x2] =	sbarrier.arrive $0xFFFF  }
0xa3: {  	p0 =	sne.s32 s0, $0x0;
	s0 =	rddreg [dreg:$0x4]  }
0xa4: {  	s0 =	sadd.s32 @!p0 $0x100000, s0  }
0xa5: {  	[sflag:s0] =	ssyncadd.tile.s32 @!p0 $0x1;
	_ =	shalt  }
.Lfunc_end2:
_tile_overlayer_lowered:
.L_overlay_start_2:
0xa6: {  	(tag) =	ssettag $0x2  }
0xa7: {  	s0 =	rddreg [dreg:$0x0];
	s2 =	stileid.u32  }
0xa8: {  	s1 =	rddreg [dreg:$0x1];
	p0 =	sne.s32 s2, $0x0  }
0xa9: {  	s3 =	rddreg [dreg:$0x2];
	[bflag:$0x3] =	sbarrier.arrive $0xFFFF;
	s2 =	simm.s32 @!p0 $0x1C03  }
0xaa: {  	[timem:s3], [sflag:s2] =	dma.local @!p0 [hbm:s0], s1  }
0xab: {  	s0 =	simm.s32 @!p0 $0x3  }
0xac: {  	_ =	swait.ge @!p0 [sflag:s0], s1  }
0xad: {  	s1 =	ssub.s32 @!p0 $0x0, s1;
	[sflag:s0] =	ssyncset.done @!p0 $0x0  }
0xae: {  	[sflag:s0] =	ssyncadd.s32 @!p0 s1  }
0xaf: {  	[bflag:$0x3] =	sbarrier.arrive $0xFFFF  }
0xb0: {  	_ =	shalt  }

</sc_bundles>
